<compile_context>
chip_gen: v7x
topology: tpu7x:2x2x1
jax: 0.10.2.dev20260603
libtpu: 0.0.44.dev20260713+nightly
codegen_flags: <defaults>
</compile_context>

<pallas_src>
import jax
import jax.numpy as jnp
from jax import lax
from jax.experimental import pallas as pl
from jax.experimental.pallas import tpu as pltpu
from jax.experimental.pallas import tpu_sc as plsc

N = 10000
NP = 10240
D = 128
E = 320000
EP = 327680
EW = EP // 32
CHUNK = 128
DCHUNK = 2048
BR = 2048

_mesh = plsc.VectorSubcoreMesh(core_axis_name="c", subcore_axis_name="s")
_sc_params = pltpu.CompilerParams(needs_layout_passes=False)



def _deg_body(dst_hbm, out_hbm, dbuf, cnt):
    c = lax.axis_index("c")
    s = lax.axis_index("s")
    wid = s * 2 + c

    def zero(j, _):
        cnt[pl.ds(j * 16, 16)] = jnp.zeros((16,), jnp.float32)
        return ()
    lax.fori_loop(0, NP // 16, zero, ())

    ones = jnp.full((16,), 1.0, jnp.float32)
    base = wid * EW

    def outer(k, _):
        pltpu.sync_copy(dst_hbm.at[pl.ds(base + k * DCHUNK, DCHUNK)], dbuf)

        def inner(i, _):
            idx = dbuf[pl.ds(i * 16, 16)]
            plsc.addupdate_scatter(cnt, [idx], ones)
            return ()
        lax.fori_loop(0, DCHUNK // 16, inner, ())
        return ()
    lax.fori_loop(0, EW // DCHUNK, outer, ())

    pltpu.sync_copy(cnt, out_hbm.at[wid])


_deg_call = pl.kernel(
    _deg_body,
    out_type=jax.ShapeDtypeStruct((32, NP), jnp.float32),
    mesh=_mesh,
    scratch_types=[
        pltpu.VMEM((DCHUNK,), jnp.int32),
        pltpu.VMEM((NP,), jnp.float32),
    ],
    compiler_params=_sc_params,
)



RW = EW // CHUNK
G = 8
NG = RW // G


def _make_agg(DW=D, NRT=NP, NRA=NP, CH=CHUNK, Gp=G, NG0=NG, NG1=NG):

  def _agg_body(g_hbm, src_hbm, dst_hbm, z_hbm, out_hbm,
                sidx0, sidx1, didx0, didx1, rows0, rows1, acc,
                semr0, semr1, semi0, semi1):
    c = lax.axis_index("c")
    s = lax.axis_index("s")
    stripe = NRA // 16
    ngs = lax.select(c == 0, NG0, NG1)

    sidx = (sidx0, sidx1)
    didx = (didx0, didx1)
    rows = (rows0, rows1)
    semr = (semr0, semr1)
    semi = (semi0, semi1)
    base = lax.select(c == 0, s * NG0 * Gp, (16 * NG0 + s * NG1) * Gp)

    pltpu.sync_copy(z_hbm.at[pl.ds(s * stripe, stripe), :],
                    acc.at[pl.ds(s * stripe, stripe), :])
    @pl.when(ngs > 0)
    def _():
        pltpu.async_copy(src_hbm.at[pl.ds(base, Gp), :], sidx0, semi0)
        pltpu.async_copy(dst_hbm.at[pl.ds(base, Gp), :], didx0, semi0)
        pltpu.async_copy(src_hbm.at[pl.ds(base + Gp, Gp), :], sidx1, semi1)
        pltpu.async_copy(dst_hbm.at[pl.ds(base + Gp, Gp), :], didx1, semi1)
    plsc.subcore_barrier()

    @pl.loop(0, ngs, step=2)
    def _(ng2):
        for gb in range(2):
            ng = ng2 + gb
            row0 = base + ng * Gp
            pltpu.make_async_copy(src_hbm.at[pl.ds(row0, Gp), :],
                                  sidx[gb], semi[gb]).wait()
            pltpu.make_async_copy(dst_hbm.at[pl.ds(row0, Gp), :],
                                  didx[gb], semi[gb]).wait()
            H = CH // 2

            def _gather(k, b):
                return [
                    pltpu.async_copy(g_hbm.at[sidx[gb].at[k, pl.ds(0, H)]],
                                     rows[b].at[pl.ds(0, H), :], semr[b]),
                    pltpu.async_copy(g_hbm.at[sidx[gb].at[k, pl.ds(H, H)]],
                                     rows[b].at[pl.ds(H, H), :], semr[b]),
                ]

            descs = [_gather(0, 0), _gather(1, 1)]
            for k in range(Gp):
                b = k % 2
                for d in descs[b]:
                    d.wait()
                pltpu.sync_copy(rows[b], acc.at[didx[gb].at[k]], add=True)
                if k + 2 < Gp:
                    descs[b] = _gather(k + 2, b)
            @pl.when(ng + 2 < ngs)
            def _():
                nxt = base + (ng + 2) * Gp
                pltpu.async_copy(src_hbm.at[pl.ds(nxt, Gp), :],
                                 sidx[gb], semi[gb])
                pltpu.async_copy(dst_hbm.at[pl.ds(nxt, Gp), :],
                                 didx[gb], semi[gb])

    plsc.subcore_barrier()
    pltpu.sync_copy(acc.at[pl.ds(s * stripe, stripe), :],
                    out_hbm.at[c, pl.ds(s * stripe, stripe), :])

  return pl.kernel(
      _agg_body,
      out_type=jax.ShapeDtypeStruct((2, NRA, DW), jnp.float32),
      mesh=_mesh,
      scratch_types=[
          pltpu.VMEM((Gp, CHUNK), jnp.int32),
          pltpu.VMEM((Gp, CHUNK), jnp.int32),
          pltpu.VMEM((Gp, CHUNK), jnp.int32),
          pltpu.VMEM((Gp, CHUNK), jnp.int32),
          pltpu.VMEM((CH, DW), jnp.float32),
          pltpu.VMEM((CH, DW), jnp.float32),
          pltpu.VMEM_SHARED((NRA, DW), jnp.float32),
          pltpu.SemaphoreType.DMA,
          pltpu.SemaphoreType.DMA,
          pltpu.SemaphoreType.DMA,
          pltpu.SemaphoreType.DMA,
      ],
      compiler_params=_sc_params,
  )


_agg_call = _make_agg(Gp=2, NG0=78, NG1=2)



def _dinv(cnt_block):
    deg = jnp.sum(cnt_block, axis=0) + 1.0
    return lax.rsqrt(deg)[:, None]


def _tc1_body(x_ref, w_ref, cnt_ref, g_ref):
    h = jnp.dot(x_ref[...], w_ref[...], preferred_element_type=jnp.float32)
    g_ref[...] = h * _dinv(cnt_ref[...])


def _tc2_body(agg_ref, g1_ref, cnt_ref, b_ref, w_ref, g2_ref):
    dinv = _dinv(cnt_ref[...])
    out1 = (agg_ref[0] + agg_ref[1] + g1_ref[...]) * dinv + b_ref[...]
    h2 = jnp.dot(jnp.maximum(out1, 0.0), w_ref[...],
                 preferred_element_type=jnp.float32)
    g2_ref[...] = h2 * dinv


def _tc3_body(agg_ref, g2_ref, cnt_ref, b_ref, out_ref):
    dinv = _dinv(cnt_ref[...])
    out_ref[...] = (agg_ref[0] + agg_ref[1] + g2_ref[...]) * dinv + b_ref[...]


_row_spec = pl.BlockSpec((BR, D), lambda i: (i, 0))
_cnt_spec = pl.BlockSpec((32, BR), lambda i: (0, i))
_full_spec = pl.BlockSpec((D, D), lambda i: (0, 0))
_bias_spec = pl.BlockSpec((1, D), lambda i: (0, 0))
_agg_spec = pl.BlockSpec((2, BR, D), lambda i: (0, i, 0))
_out_sds = jax.ShapeDtypeStruct((NP, D), jnp.float32)

_tc1 = pl.pallas_call(
    _tc1_body, grid=(NP // BR,),
    in_specs=[_row_spec, _full_spec, _cnt_spec],
    out_specs=_row_spec, out_shape=_out_sds)

_tc2 = pl.pallas_call(
    _tc2_body, grid=(NP // BR,),
    in_specs=[_agg_spec, _row_spec, _cnt_spec, _bias_spec, _full_spec],
    out_specs=_row_spec, out_shape=_out_sds)

_tc3 = pl.pallas_call(
    _tc3_body, grid=(NP // BR,),
    in_specs=[_agg_spec, _row_spec, _cnt_spec, _bias_spec],
    out_specs=_row_spec, out_shape=_out_sds)


@jax.jit
def kernel(x, edge_index, W1, b1, W2, b2):
    src = edge_index[0].astype(jnp.int32)
    dst = edge_index[1].astype(jnp.int32)
    pad = jnp.full((EP - E,), N, jnp.int32)
    src_p = jnp.concatenate([src, pad])
    dst_p = jnp.concatenate([dst, pad])
    x_p = jnp.pad(x, ((0, NP - N), (0, 0)))
    zeros = jnp.zeros((NP, D), jnp.float32)
    b1r = b1.reshape(1, D)
    b2r = b2.reshape(1, D)

    src2 = src_p.reshape(EP // CHUNK, CHUNK)
    dst2 = dst_p.reshape(EP // CHUNK, CHUNK)

    counts = _deg_call(dst_p)
    g1 = _tc1(x_p, W1, counts)
    agg1 = _agg_call(g1, src2, dst2, zeros)
    g2 = _tc2(agg1, g1, counts, b1r, W2)
    agg2 = _agg_call(g2, src2, dst2, zeros)
    out = _tc3(agg2, g2, counts, b2r)
    return out[:N]

# --- scband reference (transcript-rebuilt; emitter-appended) ---
"""Pipeline reference for scband-gcn-7241314861485 (READ-ONLY COPY).

The authoritative reference and input builder live on the scoring server;
editing this copy changes nothing except your own understanding.
"""

import jax, jax.numpy as jnp
import numpy as np

N_NODES = 10000
N_EDGES = 320000
D_IN = 128
D_HID = 128
D_OUT = 128


def setup_inputs(seed: int = 0) -> dict:
    key = jax.random.key(seed)
    k1, k2, k3, k4, k5, k6 = jax.random.split(key, 6)
    x = jax.random.normal(k1, (N_NODES, D_IN), dtype=jnp.float32)
    edge_index = jax.random.randint(k2, (2, N_EDGES), 0, N_NODES, dtype=jnp.int64)
    # GCNConv weights (glorot-style scale) and biases
    W1 = jax.random.normal(k3, (D_IN, D_HID), dtype=jnp.float32) * (1.0 / np.sqrt(D_IN))
    b1 = jnp.zeros((D_HID,), dtype=jnp.float32)
    W2 = jax.random.normal(k4, (D_HID, D_OUT), dtype=jnp.float32) * (1.0 / np.sqrt(D_HID))
    b2 = jnp.zeros((D_OUT,), dtype=jnp.float32)
    return {"x": x, "edge_index": edge_index, "W1": W1, "b1": b1, "W2": W2, "b2": b2}


def _gcn_conv(x, edge_index, W, b):
    """Faithful PyG GCNConv: add self-loops, symmetric normalization, scatter-add aggregation."""
    N = x.shape[0]
    src = edge_index[0]
    dst = edge_index[1]
    loop = jnp.arange(N, dtype=src.dtype)
    src = jnp.concatenate([src, loop])
    dst = jnp.concatenate([dst, loop])
    # degree on destination nodes (in-degree incl. self loops)
    deg = jnp.zeros((N,), dtype=x.dtype).at[dst].add(1.0)
    deg_inv_sqrt = jnp.where(deg > 0, 1.0 / jnp.sqrt(deg), 0.0)
    norm = deg_inv_sqrt[src] * deg_inv_sqrt[dst]
    h = x @ W  # linear transform first (standard GCNConv order)
    msg = jnp.take(h, src, axis=0) * norm[:, None]  # gather + scale
    out = jnp.zeros((N, W.shape[1]), dtype=x.dtype).at[dst].add(msg)  # scatter-add
    return out + b


def reference(x, edge_index, W1, b1, W2, b2):
    h = _gcn_conv(x, edge_index, W1, b1)
    h = jax.nn.relu(h)
    out = _gcn_conv(h, edge_index, W2, b2)
    return out

if __name__ == "__main__":
    import jax
    _d = setup_inputs()
    print(jax.jit(kernel)(*tuple(_d.values())))

</pallas_src>

<mosaic_0001>
#map = affine_map<(d0, d1) -> (0)>
#map1 = affine_map<(d0, d1) -> (0, 0)>
module attributes {stable_mosaic.version = 14 : i64} {
  func.func @_deg_body(%arg0: i32, %arg1: i32, %arg2: memref<327680xi32, #tpu.memory_space<hbm>>, %arg3: memref<32x10240xf32, #tpu.memory_space<hbm>>, %arg4: memref<2048xi32, #tpu.memory_space<vmem>>, %arg5: memref<10240xf32, #tpu.memory_space<vmem>>) attributes {dimension_semantics = [#tpu.dimension_semantics<core_parallel>, #tpu.dimension_semantics<subcore_parallel>], iteration_bounds = array<i64: 2, 16>, scalar_prefetch = 0 : i64, scratch_operands = 2 : i64, tpu.core_type = #tpu.core_type<sc_vector_subcore>, window_params = [{transform_indices = #map}, {transform_indices = #map1}]} {
    %mul3A = arith.constant 2 : i32
    %mul3A_0 = arith.muli %arg1, %mul3A : i32
    %add3A = arith.addi %mul3A_0, %arg0 : i32
    %scan3A = arith.constant 0 : i32
    %scan3A_1 = arith.constant 640 : i32
    %scan3A_2 = arith.addi %scan3A, %scan3A_1 : i32
    %scan3A_3 = arith.constant 1 : i32
    scf.for %scan3A_13 = %scan3A to %scan3A_2 step %scan3A_3  : i32 {
      %broadcast_in_dim3A_14 = arith.constant 0.000000e+00 : f32
      %broadcast_in_dim3A_15 = vector.broadcast %broadcast_in_dim3A_14 : f32 to vector<16xf32>
      %mul3A_16 = arith.constant 16 : i32
      %mul3A_17 = arith.muli %scan3A_13, %mul3A_16 : i32
      %swap3A = arith.index_cast %mul3A_17 : i32 to index
      %swap3A_18 = tpu.vector_load %arg5[%swap3A] {strides = array<i32>} : memref<10240xf32, #tpu.memory_space<vmem>>, vector<16xf32>,
      tpu.vector_store %arg5[%swap3A], %broadcast_in_dim3A_15 {strides = array<i32>} : memref<10240xf32, #tpu.memory_space<vmem>>, vector<16xf32>,
    }
    %scan3A_4 = arith.constant 640 : i32
    %broadcast_in_dim3A = arith.constant 1.000000e+00 : f32
    %broadcast_in_dim3A_5 = vector.broadcast %broadcast_in_dim3A : f32 to vector<16xf32>
    %mul3A_6 = arith.constant 10240 : i32
    %mul3A_7 = arith.muli %add3A, %mul3A_6 : i32
    %scan3A_8 = arith.constant 0 : i32
    %scan3A_9 = arith.constant 5 : i32
    %scan3A_10 = arith.addi %scan3A_8, %scan3A_9 : i32
    %scan3A_11 = arith.constant 1 : i32
    scf.for %scan3A_13 = %scan3A_8 to %scan3A_10 step %scan3A_11  : i32 {
      %mul3A_14 = arith.constant 2048 : i32
      %mul3A_15 = arith.muli %scan3A_13, %mul3A_14 : i32
      %add3A_16 = arith.addi %mul3A_7, %mul3A_15 : i32
      "tpu.region"() ({
        %run_scoped3A = tpu.sem_alloc : memref<!tpu.dma_semaphore, #tpu.memory_space<semaphore_mem>>
        %dma_start3A = tpu.memref_slice %arg2[%add3A_16] : memref<327680xi32, #tpu.memory_space<hbm>> -> memref<2048xi32, #tpu.memory_space<hbm>>
        %dma_start3A_22 = tpu.memref_slice %arg2[%add3A_16] : memref<327680xi32, #tpu.memory_space<hbm>> -> memref<2048xi32, #tpu.memory_space<hbm>>
        tpu.enqueue_dma source(%dma_start3A_22 : memref<2048xi32, #tpu.memory_space<hbm>>) target(%arg4 : memref<2048xi32, #tpu.memory_space<vmem>>) target_semaphore(%run_scoped3A : memref<!tpu.dma_semaphore, #tpu.memory_space<semaphore_mem>>)
        %dma_wait3A = tpu.memref_slice %arg2[%add3A_16] : memref<327680xi32, #tpu.memory_space<hbm>> -> memref<2048xi32, #tpu.memory_space<hbm>>
        %dma_wait3A_23 = tpu.memref_slice %arg2[%add3A_16] : memref<327680xi32, #tpu.memory_space<hbm>> -> memref<2048xi32, #tpu.memory_space<hbm>>
        tpu.wait_dma2 semaphore(%run_scoped3A : memref<!tpu.dma_semaphore, #tpu.memory_space<semaphore_mem>>) src(%dma_wait3A_23 : memref<2048xi32, #tpu.memory_space<hbm>>) dst(%arg4 : memref<2048xi32, #tpu.memory_space<vmem>>)
        tpu.yield
      }) : () -> ()
      %scan3A_17 = arith.constant 0 : i32
      %scan3A_18 = arith.constant 128 : i32
      %scan3A_19 = arith.addi %scan3A_17, %scan3A_18 : i32
      %scan3A_20 = arith.constant 1 : i32
      scf.for %scan3A_22 = %scan3A_17 to %scan3A_19 step %scan3A_20  : i32 {
        %mul3A_23 = arith.constant 16 : i32
        %mul3A_24 = arith.muli %scan3A_22, %mul3A_23 : i32
        %get3A = arith.index_cast %mul3A_24 : i32 to index
        %get3A_25 = tpu.vector_load %arg4[%get3A] {strides = array<i32>} : memref<2048xi32, #tpu.memory_space<vmem>>, vector<16xi32>,
        tpu.vector_store_idx %arg5[%get3A_25], %broadcast_in_dim3A_5 {add = true} : memref<10240xf32, #tpu.memory_space<vmem>>[vector<16xi32>], vector<16xf32>,
      }
      %scan3A_21 = arith.constant 128 : i32
    }
    %scan3A_12 = arith.constant 5 : i32
    "tpu.region"() ({
      %run_scoped3A = tpu.sem_alloc : memref<!tpu.dma_semaphore, #tpu.memory_space<semaphore_mem>>
      %dma_start3A = arith.constant 0 : i32
      %dma_start3A_13 = tpu.memref_slice %arg3[%add3A, %dma_start3A] : memref<32x10240xf32, #tpu.memory_space<hbm>> -> memref<1x10240xf32, #tpu.memory_space<hbm>>
      %dma_start3A_14 = tpu.memref_squeeze %dma_start3A_13 : memref<1x10240xf32, #tpu.memory_space<hbm>> -> memref<10240xf32, #tpu.memory_space<hbm>>
      %dma_start3A_15 = arith.constant 0 : i32
      %dma_start3A_16 = tpu.memref_slice %arg3[%add3A, %dma_start3A_15] : memref<32x10240xf32, #tpu.memory_space<hbm>> -> memref<1x10240xf32, #tpu.memory_space<hbm>>
      %dma_start3A_17 = tpu.memref_squeeze %dma_start3A_16 : memref<1x10240xf32, #tpu.memory_space<hbm>> -> memref<10240xf32, #tpu.memory_space<hbm>>
      tpu.enqueue_dma source(%arg5 : memref<10240xf32, #tpu.memory_space<vmem>>) target(%dma_start3A_17 : memref<10240xf32, #tpu.memory_space<hbm>>) target_semaphore(%run_scoped3A : memref<!tpu.dma_semaphore, #tpu.memory_space<semaphore_mem>>)
      %dma_wait3A = arith.constant 0 : i32
      %dma_wait3A_18 = tpu.memref_slice %arg3[%add3A, %dma_wait3A] : memref<32x10240xf32, #tpu.memory_space<hbm>> -> memref<1x10240xf32, #tpu.memory_space<hbm>>
      %dma_wait3A_19 = tpu.memref_squeeze %dma_wait3A_18 : memref<1x10240xf32, #tpu.memory_space<hbm>> -> memref<10240xf32, #tpu.memory_space<hbm>>
      %dma_wait3A_20 = arith.constant 0 : i32
      %dma_wait3A_21 = tpu.memref_slice %arg3[%add3A, %dma_wait3A_20] : memref<32x10240xf32, #tpu.memory_space<hbm>> -> memref<1x10240xf32, #tpu.memory_space<hbm>>
      %dma_wait3A_22 = tpu.memref_squeeze %dma_wait3A_21 : memref<1x10240xf32, #tpu.memory_space<hbm>> -> memref<10240xf32, #tpu.memory_space<hbm>>
      tpu.wait_dma2 semaphore(%run_scoped3A : memref<!tpu.dma_semaphore, #tpu.memory_space<semaphore_mem>>) src(%arg5 : memref<10240xf32, #tpu.memory_space<vmem>>) dst(%dma_wait3A_22 : memref<10240xf32, #tpu.memory_space<hbm>>)
      tpu.yield
    }) : () -> ()
    return
  }
}

#map = affine_map<(d0, d1) -> (0, 0)>
#map1 = affine_map<(d0, d1) -> (0, 0, 0)>
module attributes {stable_mosaic.version = 14 : i64} {
  func.func @_agg_body(%arg0: i32, %arg1: i32, %arg2: memref<10240x128xf32, #tpu.memory_space<hbm>>, %arg3: memref<2560x128xi32, #tpu.memory_space<hbm>>, %arg4: memref<2560x128xi32, #tpu.memory_space<hbm>>, %arg5: memref<10240x128xf32, #tpu.memory_space<hbm>>, %arg6: memref<2x10240x128xf32, #tpu.memory_space<hbm>>, %arg7: memref<2x128xi32, #tpu.memory_space<vmem>>, %arg8: memref<2x128xi32, #tpu.memory_space<vmem>>, %arg9: memref<2x128xi32, #tpu.memory_space<vmem>>, %arg10: memref<2x128xi32, #tpu.memory_space<vmem>>, %arg11: memref<128x128xf32, #tpu.memory_space<vmem>>, %arg12: memref<128x128xf32, #tpu.memory_space<vmem>>, %arg13: memref<10240x128xf32, #tpu.memory_space<vmem_shared>>, %arg14: memref<!tpu.dma_semaphore, #tpu.memory_space<semaphore_mem>>, %arg15: memref<!tpu.dma_semaphore, #tpu.memory_space<semaphore_mem>>, %arg16: memref<!tpu.dma_semaphore, #tpu.memory_space<semaphore_mem>>, %arg17: memref<!tpu.dma_semaphore, #tpu.memory_space<semaphore_mem>>) attributes {dimension_semantics = [#tpu.dimension_semantics<core_parallel>, #tpu.dimension_semantics<subcore_parallel>], iteration_bounds = array<i64: 2, 16>, scalar_prefetch = 0 : i64, scratch_operands = 11 : i64, tpu.core_type = #tpu.core_type<sc_vector_subcore>, window_params = [{transform_indices = #map}, {transform_indices = #map}, {transform_indices = #map}, {transform_indices = #map}, {transform_indices = #map1}]} {
    %eq3A = arith.constant 0 : i32
    %eq3A_0 = arith.cmpi eq, %arg0, %eq3A : i32
    %select_n3A = arith.constant 2 : i32
    %select_n3A_1 = arith.constant 78 : i32
    %select_n3A_2 = arith.select %eq3A_0, %select_n3A_1, %select_n3A : i32
    %eq3A_3 = arith.constant 0 : i32
    %eq3A_4 = arith.cmpi eq, %arg0, %eq3A_3 : i32
    %mul3A = arith.constant 78 : i32
    %mul3A_5 = arith.muli %arg1, %mul3A : i32
    %mul3A_6 = arith.constant 2 : i32
    %mul3A_7 = arith.muli %mul3A_5, %mul3A_6 : i32
    %mul3A_8 = arith.constant 2 : i32
    %mul3A_9 = arith.muli %arg1, %mul3A_8 : i32
    %add3A = arith.constant 1248 : i32
    %add3A_10 = arith.addi %add3A, %mul3A_9 : i32
    %mul3A_11 = arith.constant 2 : i32
    %mul3A_12 = arith.muli %add3A_10, %mul3A_11 : i32
    %select_n3A_13 = arith.select %eq3A_4, %mul3A_7, %mul3A_12 : i32
    %mul3A_14 = arith.constant 640 : i32
    %mul3A_15 = arith.muli %arg1, %mul3A_14 : i32
    %mul3A_16 = arith.constant 640 : i32
    %mul3A_17 = arith.muli %arg1, %mul3A_16 : i32
    "tpu.region"() ({
      %run_scoped3A = tpu.sem_alloc : memref<!tpu.dma_semaphore, #tpu.memory_space<semaphore_mem>>
      %dma_start3A = arith.constant 0 : i32
      %dma_start3A_41 = tpu.memref_slice %arg13[%mul3A_17, %dma_start3A] : memref<10240x128xf32, #tpu.memory_space<vmem_shared>> -> memref<640x128xf32, #tpu.memory_space<vmem_shared>>
      %dma_start3A_42 = arith.constant 0 : i32
      %dma_start3A_43 = tpu.memref_slice %arg5[%mul3A_15, %dma_start3A_42] : memref<10240x128xf32, #tpu.memory_space<hbm>> -> memref<640x128xf32, #tpu.memory_space<hbm>>
      tpu.enqueue_dma source(%dma_start3A_43 : memref<640x128xf32, #tpu.memory_space<hbm>>) target(%dma_start3A_41 : memref<640x128xf32, #tpu.memory_space<vmem_shared>>) target_semaphore(%run_scoped3A : memref<!tpu.dma_semaphore, #tpu.memory_space<semaphore_mem>>)
      %dma_wait3A = arith.constant 0 : i32
      %dma_wait3A_44 = tpu.memref_slice %arg13[%mul3A_17, %dma_wait3A] : memref<10240x128xf32, #tpu.memory_space<vmem_shared>> -> memref<640x128xf32, #tpu.memory_space<vmem_shared>>
      %dma_wait3A_45 = arith.constant 0 : i32
      %dma_wait3A_46 = tpu.memref_slice %arg5[%mul3A_15, %dma_wait3A_45] : memref<10240x128xf32, #tpu.memory_space<hbm>> -> memref<640x128xf32, #tpu.memory_space<hbm>>
      tpu.wait_dma2 semaphore(%run_scoped3A : memref<!tpu.dma_semaphore, #tpu.memory_space<semaphore_mem>>) src(%dma_wait3A_46 : memref<640x128xf32, #tpu.memory_space<hbm>>) dst(%dma_wait3A_44 : memref<640x128xf32, #tpu.memory_space<vmem_shared>>)
      tpu.yield
    }) : () -> ()
    %gt3A = arith.constant 0 : i32
    %gt3A_18 = arith.cmpi sgt, %select_n3A_2, %gt3A : i32
    %convert_element_type3A = arith.extui %gt3A_18 : i1 to i32
    %cond3A = arith.constant 0 : i32
    %cond3A_19 = arith.cmpi ne, %convert_element_type3A, %cond3A : i32
    scf.if %cond3A_19 {
      %dma_start3A = arith.constant 0 : i32
      %dma_start3A_41 = tpu.memref_slice %arg3[%select_n3A_13, %dma_start3A] : memref<2560x128xi32, #tpu.memory_space<hbm>> -> memref<2x128xi32, #tpu.memory_space<hbm>>
      %dma_start3A_42 = arith.constant 0 : i32
      %dma_start3A_43 = tpu.memref_slice %arg3[%select_n3A_13, %dma_start3A_42] : memref<2560x128xi32, #tpu.memory_space<hbm>> -> memref<2x128xi32, #tpu.memory_space<hbm>>
      tpu.enqueue_dma source(%dma_start3A_43 : memref<2x128xi32, #tpu.memory_space<hbm>>) target(%arg7 : memref<2x128xi32, #tpu.memory_space<vmem>>) target_semaphore(%arg16 : memref<!tpu.dma_semaphore, #tpu.memory_space<semaphore_mem>>)
      %dma_start3A_44 = arith.constant 0 : i32
      %dma_start3A_45 = tpu.memref_slice %arg4[%select_n3A_13, %dma_start3A_44] : memref<2560x128xi32, #tpu.memory_space<hbm>> -> memref<2x128xi32, #tpu.memory_space<hbm>>
      %dma_start3A_46 = arith.constant 0 : i32
      %dma_start3A_47 = tpu.memref_slice %arg4[%select_n3A_13, %dma_start3A_46] : memref<2560x128xi32, #tpu.memory_space<hbm>> -> memref<2x128xi32, #tpu.memory_space<hbm>>
      tpu.enqueue_dma source(%dma_start3A_47 : memref<2x128xi32, #tpu.memory_space<hbm>>) target(%arg9 : memref<2x128xi32, #tpu.memory_space<vmem>>) target_semaphore(%arg16 : memref<!tpu.dma_semaphore, #tpu.memory_space<semaphore_mem>>)
      %add3A_48 = arith.constant 2 : i32
      %add3A_49 = arith.addi %select_n3A_13, %add3A_48 : i32
      %dma_start3A_50 = arith.constant 0 : i32
      %dma_start3A_51 = tpu.memref_slice %arg3[%add3A_49, %dma_start3A_50] : memref<2560x128xi32, #tpu.memory_space<hbm>> -> memref<2x128xi32, #tpu.memory_space<hbm>>
      %dma_start3A_52 = arith.constant 0 : i32
      %dma_start3A_53 = tpu.memref_slice %arg3[%add3A_49, %dma_start3A_52] : memref<2560x128xi32, #tpu.memory_space<hbm>> -> memref<2x128xi32, #tpu.memory_space<hbm>>
      tpu.enqueue_dma source(%dma_start3A_53 : memref<2x128xi32, #tpu.memory_space<hbm>>) target(%arg8 : memref<2x128xi32, #tpu.memory_space<vmem>>) target_semaphore(%arg17 : memref<!tpu.dma_semaphore, #tpu.memory_space<semaphore_mem>>)
      %add3A_54 = arith.constant 2 : i32
      %add3A_55 = arith.addi %select_n3A_13, %add3A_54 : i32
      %dma_start3A_56 = arith.constant 0 : i32
      %dma_start3A_57 = tpu.memref_slice %arg4[%add3A_55, %dma_start3A_56] : memref<2560x128xi32, #tpu.memory_space<hbm>> -> memref<2x128xi32, #tpu.memory_space<hbm>>
      %dma_start3A_58 = arith.constant 0 : i32
      %dma_start3A_59 = tpu.memref_slice %arg4[%add3A_55, %dma_start3A_58] : memref<2560x128xi32, #tpu.memory_space<hbm>> -> memref<2x128xi32, #tpu.memory_space<hbm>>
      tpu.enqueue_dma source(%dma_start3A_59 : memref<2x128xi32, #tpu.memory_space<hbm>>) target(%arg10 : memref<2x128xi32, #tpu.memory_space<vmem>>) target_semaphore(%arg17 : memref<!tpu.dma_semaphore, #tpu.memory_space<semaphore_mem>>)
    } else {
    }
    %barrier3A = arith.constant 0 : index
    tpu.barrier barrier_id(%barrier3A)
    %sub3A = arith.constant 0 : i32
    %sub3A_20 = arith.subi %select_n3A_2, %sub3A : i32
    %sub3A_21 = arith.constant 2 : i32
    %sub3A_22 = arith.constant 1 : i32
    %sub3A_23 = arith.subi %sub3A_21, %sub3A_22 : i32
    %add3A_24 = arith.addi %sub3A_20, %sub3A_23 : i32
    %div3A = arith.constant 2 : i32
    %div3A_25 = arith.divsi %add3A_24, %div3A : i32
    %while3A = arith.constant 2 : i32
    %while3A_26 = arith.constant 0 : i32
    %while3A_27 = arith.constant 0 : i32
    %while3A_28 = arith.subi %div3A_25, %while3A_27 : i32
    %while3A_29 = arith.addi %while3A_27, %while3A_28 : i32
    %while3A_30 = arith.constant 1 : i32
    %while3A_31 = arith.divsi %while3A_28, %while3A_30 : i32
    %while3A_32 = arith.muli %while3A_31, %while3A_30 : i32
    %while3A_33 = arith.addi %while3A_27, %while3A_32 : i32
    %while3A_34 = arith.constant 1 : i32
    scf.for %while3A_41 = %while3A_27 to %while3A_33 step %while3A_34  : i32 {
      %mul3A_42 = arith.muli %while3A_41, %while3A : i32
      %add3A_43 = arith.addi %while3A_26, %mul3A_42 : i32
      %add3A_44 = arith.constant 0 : i32
      %add3A_45 = arith.addi %add3A_43, %add3A_44 : i32
      %mul3A_46 = arith.constant 2 : i32
      %mul3A_47 = arith.muli %add3A_45, %mul3A_46 : i32
      %add3A_48 = arith.addi %select_n3A_13, %mul3A_47 : i32
      %dma_wait3A = arith.constant 0 : i32
      %dma_wait3A_49 = tpu.memref_slice %arg3[%add3A_48, %dma_wait3A] : memref<2560x128xi32, #tpu.memory_space<hbm>> -> memref<2x128xi32, #tpu.memory_space<hbm>>
      %dma_wait3A_50 = arith.constant 0 : i32
      %dma_wait3A_51 = tpu.memref_slice %arg3[%add3A_48, %dma_wait3A_50] : memref<2560x128xi32, #tpu.memory_space<hbm>> -> memref<2x128xi32, #tpu.memory_space<hbm>>
      tpu.wait_dma2 semaphore(%arg16 : memref<!tpu.dma_semaphore, #tpu.memory_space<semaphore_mem>>) src(%dma_wait3A_51 : memref<2x128xi32, #tpu.memory_space<hbm>>) dst(%arg7 : memref<2x128xi32, #tpu.memory_space<vmem>>)
      %dma_wait3A_52 = arith.constant 0 : i32
      %dma_wait3A_53 = tpu.memref_slice %arg4[%add3A_48, %dma_wait3A_52] : memref<2560x128xi32, #tpu.memory_space<hbm>> -> memref<2x128xi32, #tpu.memory_space<hbm>>
      %dma_wait3A_54 = arith.constant 0 : i32
      %dma_wait3A_55 = tpu.memref_slice %arg4[%add3A_48, %dma_wait3A_54] : memref<2560x128xi32, #tpu.memory_space<hbm>> -> memref<2x128xi32, #tpu.memory_space<hbm>>
      tpu.wait_dma2 semaphore(%arg16 : memref<!tpu.dma_semaphore, #tpu.memory_space<semaphore_mem>>) src(%dma_wait3A_55 : memref<2x128xi32, #tpu.memory_space<hbm>>) dst(%arg9 : memref<2x128xi32, #tpu.memory_space<vmem>>)
      %dma_start3A = arith.constant 0 : i32
      %dma_start3A_56 = arith.constant 0 : i32
      %dma_start3A_57 = arith.constant 0 : i32
      %dma_start3A_58 = tpu.memref_slice %arg11[%dma_start3A_56, %dma_start3A_57] : memref<128x128xf32, #tpu.memory_space<vmem>> -> memref<64x128xf32, #tpu.memory_space<vmem>>
      %dma_start3A_59 = arith.constant 0 : i32
      %dma_start3A_60 = tpu.memref_slice %arg7[%dma_start3A, %dma_start3A_59] : memref<2x128xi32, #tpu.memory_space<vmem>> -> memref<1x64xi32, #tpu.memory_space<vmem>>
      %dma_start3A_61 = tpu.memref_squeeze %dma_start3A_60 : memref<1x64xi32, #tpu.memory_space<vmem>> -> memref<64xi32, #tpu.memory_space<vmem>>
      %dma_start3A_62 = arith.constant 0 : i32
      %dma_start3A_63 = arith.constant 0 : i32
      %dma_start3A_64 = tpu.memref_slice %arg2[%dma_start3A_62, %dma_start3A_63] : memref<10240x128xf32, #tpu.memory_space<hbm>> -> memref<10240x128xf32, #tpu.memory_space<hbm>>
      tpu.enqueue_indirect_dma source(%dma_start3A_64 : memref<10240x128xf32, #tpu.memory_space<hbm>>) target(%dma_start3A_58 : memref<64x128xf32, #tpu.memory_space<vmem>>) offsets(%dma_start3A_61 : memref<64xi32, #tpu.memory_space<vmem>>) semaphore(%arg14 : memref<!tpu.dma_semaphore, #tpu.memory_space<semaphore_mem>>)
      %dma_start3A_65 = arith.constant 0 : i32
      %dma_start3A_66 = arith.constant 64 : i32
      %dma_start3A_67 = arith.constant 0 : i32
      %dma_start3A_68 = tpu.memref_slice %arg11[%dma_start3A_66, %dma_start3A_67] : memref<128x128xf32, #tpu.memory_space<vmem>> -> memref<64x128xf32, #tpu.memory_space<vmem>>
      %dma_start3A_69 = arith.constant 64 : i32
      %dma_start3A_70 = tpu.memref_slice %arg7[%dma_start3A_65, %dma_start3A_69] : memref<2x128xi32, #tpu.memory_space<vmem>> -> memref<1x64xi32, #tpu.memory_space<vmem>>
      %dma_start3A_71 = tpu.memref_squeeze %dma_start3A_70 : memref<1x64xi32, #tpu.memory_space<vmem>> -> memref<64xi32, #tpu.memory_space<vmem>>
      %dma_start3A_72 = arith.constant 0 : i32
      %dma_start3A_73 = arith.constant 0 : i32
      %dma_start3A_74 = tpu.memref_slice %arg2[%dma_start3A_72, %dma_start3A_73] : memref<10240x128xf32, #tpu.memory_space<hbm>> -> memref<10240x128xf32, #tpu.memory_space<hbm>>
      tpu.enqueue_indirect_dma source(%dma_start3A_74 : memref<10240x128xf32, #tpu.memory_space<hbm>>) target(%dma_start3A_68 : memref<64x128xf32, #tpu.memory_space<vmem>>) offsets(%dma_start3A_71 : memref<64xi32, #tpu.memory_space<vmem>>) semaphore(%arg14 : memref<!tpu.dma_semaphore, #tpu.memory_space<semaphore_mem>>)
      %dma_start3A_75 = arith.constant 1 : i32
      %dma_start3A_76 = arith.constant 0 : i32
      %dma_start3A_77 = arith.constant 0 : i32
      %dma_start3A_78 = tpu.memref_slice %arg12[%dma_start3A_76, %dma_start3A_77] : memref<128x128xf32, #tpu.memory_space<vmem>> -> memref<64x128xf32, #tpu.memory_space<vmem>>
      %dma_start3A_79 = arith.constant 0 : i32
      %dma_start3A_80 = tpu.memref_slice %arg7[%dma_start3A_75, %dma_start3A_79] : memref<2x128xi32, #tpu.memory_space<vmem>> -> memref<1x64xi32, #tpu.memory_space<vmem>>
      %dma_start3A_81 = tpu.memref_squeeze %dma_start3A_80 : memref<1x64xi32, #tpu.memory_space<vmem>> -> memref<64xi32, #tpu.memory_space<vmem>>
      %dma_start3A_82 = arith.constant 0 : i32
      %dma_start3A_83 = arith.constant 0 : i32
      %dma_start3A_84 = tpu.memref_slice %arg2[%dma_start3A_82, %dma_start3A_83] : memref<10240x128xf32, #tpu.memory_space<hbm>> -> memref<10240x128xf32, #tpu.memory_space<hbm>>
      tpu.enqueue_indirect_dma source(%dma_start3A_84 : memref<10240x128xf32, #tpu.memory_space<hbm>>) target(%dma_start3A_78 : memref<64x128xf32, #tpu.memory_space<vmem>>) offsets(%dma_start3A_81 : memref<64xi32, #tpu.memory_space<vmem>>) semaphore(%arg15 : memref<!tpu.dma_semaphore, #tpu.memory_space<semaphore_mem>>)
      %dma_start3A_85 = arith.constant 1 : i32
      %dma_start3A_86 = arith.constant 64 : i32
      %dma_start3A_87 = arith.constant 0 : i32
      %dma_start3A_88 = tpu.memref_slice %arg12[%dma_start3A_86, %dma_start3A_87] : memref<128x128xf32, #tpu.memory_space<vmem>> -> memref<64x128xf32, #tpu.memory_space<vmem>>
      %dma_start3A_89 = arith.constant 64 : i32
      %dma_start3A_90 = tpu.memref_slice %arg7[%dma_start3A_85, %dma_start3A_89] : memref<2x128xi32, #tpu.memory_space<vmem>> -> memref<1x64xi32, #tpu.memory_space<vmem>>
      %dma_start3A_91 = tpu.memref_squeeze %dma_start3A_90 : memref<1x64xi32, #tpu.memory_space<vmem>> -> memref<64xi32, #tpu.memory_space<vmem>>
      %dma_start3A_92 = arith.constant 0 : i32
      %dma_start3A_93 = arith.constant 0 : i32
      %dma_start3A_94 = tpu.memref_slice %arg2[%dma_start3A_92, %dma_start3A_93] : memref<10240x128xf32, #tpu.memory_space<hbm>> -> memref<10240x128xf32, #tpu.memory_space<hbm>>
      tpu.enqueue_indirect_dma source(%dma_start3A_94 : memref<10240x128xf32, #tpu.memory_space<hbm>>) target(%dma_start3A_88 : memref<64x128xf32, #tpu.memory_space<vmem>>) offsets(%dma_start3A_91 : memref<64xi32, #tpu.memory_space<vmem>>) semaphore(%arg15 : memref<!tpu.dma_semaphore, #tpu.memory_space<semaphore_mem>>)
      %dma_wait3A_95 = arith.constant 0 : i32
      %dma_wait3A_96 = arith.constant 0 : i32
      %dma_wait3A_97 = arith.constant 0 : i32
      %dma_wait3A_98 = tpu.memref_slice %arg11[%dma_wait3A_96, %dma_wait3A_97] : memref<128x128xf32, #tpu.memory_space<vmem>> -> memref<64x128xf32, #tpu.memory_space<vmem>>
      %dma_wait3A_99 = arith.constant 0 : i32
      %dma_wait3A_100 = tpu.memref_slice %arg7[%dma_wait3A_95, %dma_wait3A_99] : memref<2x128xi32, #tpu.memory_space<vmem>> -> memref<1x64xi32, #tpu.memory_space<vmem>>
      %dma_wait3A_101 = tpu.memref_squeeze %dma_wait3A_100 : memref<1x64xi32, #tpu.memory_space<vmem>> -> memref<64xi32, #tpu.memory_space<vmem>>
      %dma_wait3A_102 = arith.constant 0 : i32
      %dma_wait3A_103 = arith.constant 0 : i32
      %dma_wait3A_104 = tpu.memref_slice %arg2[%dma_wait3A_102, %dma_wait3A_103] : memref<10240x128xf32, #tpu.memory_space<hbm>> -> memref<10240x128xf32, #tpu.memory_space<hbm>>
      tpu.wait_indirect_dma semaphore(%arg14 : memref<!tpu.dma_semaphore, #tpu.memory_space<semaphore_mem>>) src(%dma_wait3A_104 : memref<10240x128xf32, #tpu.memory_space<hbm>>) dst(%dma_wait3A_98 : memref<64x128xf32, #tpu.memory_space<vmem>>)
      %dma_wait3A_105 = arith.constant 0 : i32
      %dma_wait3A_106 = arith.constant 64 : i32
      %dma_wait3A_107 = arith.constant 0 : i32
      %dma_wait3A_108 = tpu.memref_slice %arg11[%dma_wait3A_106, %dma_wait3A_107] : memref<128x128xf32, #tpu.memory_space<vmem>> -> memref<64x128xf32, #tpu.memory_space<vmem>>
      %dma_wait3A_109 = arith.constant 64 : i32
      %dma_wait3A_110 = tpu.memref_slice %arg7[%dma_wait3A_105, %dma_wait3A_109] : memref<2x128xi32, #tpu.memory_space<vmem>> -> memref<1x64xi32, #tpu.memory_space<vmem>>
      %dma_wait3A_111 = tpu.memref_squeeze %dma_wait3A_110 : memref<1x64xi32, #tpu.memory_space<vmem>> -> memref<64xi32, #tpu.memory_space<vmem>>
      %dma_wait3A_112 = arith.constant 0 : i32
      %dma_wait3A_113 = arith.constant 0 : i32
      %dma_wait3A_114 = tpu.memref_slice %arg2[%dma_wait3A_112, %dma_wait3A_113] : memref<10240x128xf32, #tpu.memory_space<hbm>> -> memref<10240x128xf32, #tpu.memory_space<hbm>>
      tpu.wait_indirect_dma semaphore(%arg14 : memref<!tpu.dma_semaphore, #tpu.memory_space<semaphore_mem>>) src(%dma_wait3A_114 : memref<10240x128xf32, #tpu.memory_space<hbm>>) dst(%dma_wait3A_108 : memref<64x128xf32, #tpu.memory_space<vmem>>)
      %run_scoped3A = arith.constant 0 : i32
      "tpu.region"() ({
        %run_scoped3A_242 = tpu.sem_alloc : memref<!tpu.dma_semaphore, #tpu.memory_space<semaphore_mem>>
        %dma_start3A_243 = arith.constant 0 : i32
        %dma_start3A_244 = tpu.memref_slice %arg9[%run_scoped3A, %dma_start3A_243] : memref<2x128xi32, #tpu.memory_space<vmem>> -> memref<1x128xi32, #tpu.memory_space<vmem>>
        %dma_start3A_245 = tpu.memref_squeeze %dma_start3A_244 : memref<1x128xi32, #tpu.memory_space<vmem>> -> memref<128xi32, #tpu.memory_space<vmem>>
        %dma_start3A_246 = arith.constant 0 : i32
        %dma_start3A_247 = arith.constant 0 : i32
        %dma_start3A_248 = tpu.memref_slice %arg13[%dma_start3A_246, %dma_start3A_247] : memref<10240x128xf32, #tpu.memory_space<vmem_shared>> -> memref<10240x128xf32, #tpu.memory_space<vmem_shared>>
        tpu.enqueue_indirect_dma source(%arg11 : memref<128x128xf32, #tpu.memory_space<vmem>>) target(%dma_start3A_248 : memref<10240x128xf32, #tpu.memory_space<vmem_shared>>) offsets(%dma_start3A_245 : memref<128xi32, #tpu.memory_space<vmem>>) semaphore(%run_scoped3A_242 : memref<!tpu.dma_semaphore, #tpu.memory_space<semaphore_mem>>) {add = true}
        %dma_wait3A_249 = arith.constant 0 : i32
        %dma_wait3A_250 = tpu.memref_slice %arg9[%run_scoped3A, %dma_wait3A_249] : memref<2x128xi32, #tpu.memory_space<vmem>> -> memref<1x128xi32, #tpu.memory_space<vmem>>
        %dma_wait3A_251 = tpu.memref_squeeze %dma_wait3A_250 : memref<1x128xi32, #tpu.memory_space<vmem>> -> memref<128xi32, #tpu.memory_space<vmem>>
        %dma_wait3A_252 = arith.constant 0 : i32
        %dma_wait3A_253 = arith.constant 0 : i32
        %dma_wait3A_254 = tpu.memref_slice %arg13[%dma_wait3A_252, %dma_wait3A_253] : memref<10240x128xf32, #tpu.memory_space<vmem_shared>> -> memref<10240x128xf32, #tpu.memory_space<vmem_shared>>
        tpu.wait_indirect_dma semaphore(%run_scoped3A_242 : memref<!tpu.dma_semaphore, #tpu.memory_space<semaphore_mem>>) src(%arg11 : memref<128x128xf32, #tpu.memory_space<vmem>>) dst(%dma_wait3A_254 : memref<10240x128xf32, #tpu.memory_space<vmem_shared>>)
        tpu.yield
      }) : () -> ()
      %dma_wait3A_115 = arith.constant 1 : i32
      %dma_wait3A_116 = arith.constant 0 : i32
      %dma_wait3A_117 = arith.constant 0 : i32
      %dma_wait3A_118 = tpu.memref_slice %arg12[%dma_wait3A_116, %dma_wait3A_117] : memref<128x128xf32, #tpu.memory_space<vmem>> -> memref<64x128xf32, #tpu.memory_space<vmem>>
      %dma_wait3A_119 = arith.constant 0 : i32
      %dma_wait3A_120 = tpu.memref_slice %arg7[%dma_wait3A_115, %dma_wait3A_119] : memref<2x128xi32, #tpu.memory_space<vmem>> -> memref<1x64xi32, #tpu.memory_space<vmem>>
      %dma_wait3A_121 = tpu.memref_squeeze %dma_wait3A_120 : memref<1x64xi32, #tpu.memory_space<vmem>> -> memref<64xi32, #tpu.memory_space<vmem>>
      %dma_wait3A_122 = arith.constant 0 : i32
      %dma_wait3A_123 = arith.constant 0 : i32
      %dma_wait3A_124 = tpu.memref_slice %arg2[%dma_wait3A_122, %dma_wait3A_123] : memref<10240x128xf32, #tpu.memory_space<hbm>> -> memref<10240x128xf32, #tpu.memory_space<hbm>>
      tpu.wait_indirect_dma semaphore(%arg15 : memref<!tpu.dma_semaphore, #tpu.memory_space<semaphore_mem>>) src(%dma_wait3A_124 : memref<10240x128xf32, #tpu.memory_space<hbm>>) dst(%dma_wait3A_118 : memref<64x128xf32, #tpu.memory_space<vmem>>)
      %dma_wait3A_125 = arith.constant 1 : i32
      %dma_wait3A_126 = arith.constant 64 : i32
      %dma_wait3A_127 = arith.constant 0 : i32
      %dma_wait3A_128 = tpu.memref_slice %arg12[%dma_wait3A_126, %dma_wait3A_127] : memref<128x128xf32, #tpu.memory_space<vmem>> -> memref<64x128xf32, #tpu.memory_space<vmem>>
      %dma_wait3A_129 = arith.constant 64 : i32
      %dma_wait3A_130 = tpu.memref_slice %arg7[%dma_wait3A_125, %dma_wait3A_129] : memref<2x128xi32, #tpu.memory_space<vmem>> -> memref<1x64xi32, #tpu.memory_space<vmem>>
      %dma_wait3A_131 = tpu.memref_squeeze %dma_wait3A_130 : memref<1x64xi32, #tpu.memory_space<vmem>> -> memref<64xi32, #tpu.memory_space<vmem>>
      %dma_wait3A_132 = arith.constant 0 : i32
      %dma_wait3A_133 = arith.constant 0 : i32
      %dma_wait3A_134 = tpu.memref_slice %arg2[%dma_wait3A_132, %dma_wait3A_133] : memref<10240x128xf32, #tpu.memory_space<hbm>> -> memref<10240x128xf32, #tpu.memory_space<hbm>>
      tpu.wait_indirect_dma semaphore(%arg15 : memref<!tpu.dma_semaphore, #tpu.memory_space<semaphore_mem>>) src(%dma_wait3A_134 : memref<10240x128xf32, #tpu.memory_space<hbm>>) dst(%dma_wait3A_128 : memref<64x128xf32, #tpu.memory_space<vmem>>)
      %run_scoped3A_135 = arith.constant 1 : i32
      "tpu.region"() ({
        %run_scoped3A_242 = tpu.sem_alloc : memref<!tpu.dma_semaphore, #tpu.memory_space<semaphore_mem>>
        %dma_start3A_243 = arith.constant 0 : i32
        %dma_start3A_244 = tpu.memref_slice %arg9[%run_scoped3A_135, %dma_start3A_243] : memref<2x128xi32, #tpu.memory_space<vmem>> -> memref<1x128xi32, #tpu.memory_space<vmem>>
        %dma_start3A_245 = tpu.memref_squeeze %dma_start3A_244 : memref<1x128xi32, #tpu.memory_space<vmem>> -> memref<128xi32, #tpu.memory_space<vmem>>
        %dma_start3A_246 = arith.constant 0 : i32
        %dma_start3A_247 = arith.constant 0 : i32
        %dma_start3A_248 = tpu.memref_slice %arg13[%dma_start3A_246, %dma_start3A_247] : memref<10240x128xf32, #tpu.memory_space<vmem_shared>> -> memref<10240x128xf32, #tpu.memory_space<vmem_shared>>
        tpu.enqueue_indirect_dma source(%arg12 : memref<128x128xf32, #tpu.memory_space<vmem>>) target(%dma_start3A_248 : memref<10240x128xf32, #tpu.memory_space<vmem_shared>>) offsets(%dma_start3A_245 : memref<128xi32, #tpu.memory_space<vmem>>) semaphore(%run_scoped3A_242 : memref<!tpu.dma_semaphore, #tpu.memory_space<semaphore_mem>>) {add = true}
        %dma_wait3A_249 = arith.constant 0 : i32
        %dma_wait3A_250 = tpu.memref_slice %arg9[%run_scoped3A_135, %dma_wait3A_249] : memref<2x128xi32, #tpu.memory_space<vmem>> -> memref<1x128xi32, #tpu.memory_space<vmem>>
        %dma_wait3A_251 = tpu.memref_squeeze %dma_wait3A_250 : memref<1x128xi32, #tpu.memory_space<vmem>> -> memref<128xi32, #tpu.memory_space<vmem>>
        %dma_wait3A_252 = arith.constant 0 : i32
        %dma_wait3A_253 = arith.constant 0 : i32
        %dma_wait3A_254 = tpu.memref_slice %arg13[%dma_wait3A_252, %dma_wait3A_253] : memref<10240x128xf32, #tpu.memory_space<vmem_shared>> -> memref<10240x128xf32, #tpu.memory_space<vmem_shared>>
        tpu.wait_indirect_dma semaphore(%run_scoped3A_242 : memref<!tpu.dma_semaphore, #tpu.memory_space<semaphore_mem>>) src(%arg12 : memref<128x128xf32, #tpu.memory_space<vmem>>) dst(%dma_wait3A_254 : memref<10240x128xf32, #tpu.memory_space<vmem_shared>>)
        tpu.yield
      }) : () -> ()
      %add3A_136 = arith.constant 2 : i32
      %add3A_137 = arith.addi %add3A_45, %add3A_136 : i32
      %lt3A = arith.cmpi slt, %add3A_137, %select_n3A_2 : i32
      %convert_element_type3A_138 = arith.extui %lt3A : i1 to i32
      %cond3A_139 = arith.constant 0 : i32
      %cond3A_140 = arith.cmpi ne, %convert_element_type3A_138, %cond3A_139 : i32
      scf.if %cond3A_140 {
        %add3A_242 = arith.constant 2 : i32
        %add3A_243 = arith.addi %add3A_45, %add3A_242 : i32
        %mul3A_244 = arith.constant 2 : i32
        %mul3A_245 = arith.muli %add3A_243, %mul3A_244 : i32
        %add3A_246 = arith.addi %select_n3A_13, %mul3A_245 : i32
        %dma_start3A_247 = arith.constant 0 : i32
        %dma_start3A_248 = tpu.memref_slice %arg3[%add3A_246, %dma_start3A_247] : memref<2560x128xi32, #tpu.memory_space<hbm>> -> memref<2x128xi32, #tpu.memory_space<hbm>>
        %dma_start3A_249 = arith.constant 0 : i32
        %dma_start3A_250 = tpu.memref_slice %arg3[%add3A_246, %dma_start3A_249] : memref<2560x128xi32, #tpu.memory_space<hbm>> -> memref<2x128xi32, #tpu.memory_space<hbm>>
        tpu.enqueue_dma source(%dma_start3A_250 : memref<2x128xi32, #tpu.memory_space<hbm>>) target(%arg7 : memref<2x128xi32, #tpu.memory_space<vmem>>) target_semaphore(%arg16 : memref<!tpu.dma_semaphore, #tpu.memory_space<semaphore_mem>>)
        %dma_start3A_251 = arith.constant 0 : i32
        %dma_start3A_252 = tpu.memref_slice %arg4[%add3A_246, %dma_start3A_251] : memref<2560x128xi32, #tpu.memory_space<hbm>> -> memref<2x128xi32, #tpu.memory_space<hbm>>
        %dma_start3A_253 = arith.constant 0 : i32
        %dma_start3A_254 = tpu.memref_slice %arg4[%add3A_246, %dma_start3A_253] : memref<2560x128xi32, #tpu.memory_space<hbm>> -> memref<2x128xi32, #tpu.memory_space<hbm>>
        tpu.enqueue_dma source(%dma_start3A_254 : memref<2x128xi32, #tpu.memory_space<hbm>>) target(%arg9 : memref<2x128xi32, #tpu.memory_space<vmem>>) target_semaphore(%arg16 : memref<!tpu.dma_semaphore, #tpu.memory_space<semaphore_mem>>)
      } else {
      }
      %add3A_141 = arith.constant 1 : i32
      %add3A_142 = arith.addi %add3A_43, %add3A_141 : i32
      %mul3A_143 = arith.constant 2 : i32
      %mul3A_144 = arith.muli %add3A_142, %mul3A_143 : i32
      %add3A_145 = arith.addi %select_n3A_13, %mul3A_144 : i32
      %dma_wait3A_146 = arith.constant 0 : i32
      %dma_wait3A_147 = tpu.memref_slice %arg3[%add3A_145, %dma_wait3A_146] : memref<2560x128xi32, #tpu.memory_space<hbm>> -> memref<2x128xi32, #tpu.memory_space<hbm>>
      %dma_wait3A_148 = arith.constant 0 : i32
      %dma_wait3A_149 = tpu.memref_slice %arg3[%add3A_145, %dma_wait3A_148] : memref<2560x128xi32, #tpu.memory_space<hbm>> -> memref<2x128xi32, #tpu.memory_space<hbm>>
      tpu.wait_dma2 semaphore(%arg17 : memref<!tpu.dma_semaphore, #tpu.memory_space<semaphore_mem>>) src(%dma_wait3A_149 : memref<2x128xi32, #tpu.memory_space<hbm>>) dst(%arg8 : memref<2x128xi32, #tpu.memory_space<vmem>>)
      %dma_wait3A_150 = arith.constant 0 : i32
      %dma_wait3A_151 = tpu.memref_slice %arg4[%add3A_145, %dma_wait3A_150] : memref<2560x128xi32, #tpu.memory_space<hbm>> -> memref<2x128xi32, #tpu.memory_space<hbm>>
      %dma_wait3A_152 = arith.constant 0 : i32
      %dma_wait3A_153 = tpu.memref_slice %arg4[%add3A_145, %dma_wait3A_152] : memref<2560x128xi32, #tpu.memory_space<hbm>> -> memref<2x128xi32, #tpu.memory_space<hbm>>
      tpu.wait_dma2 semaphore(%arg17 : memref<!tpu.dma_semaphore, #tpu.memory_space<semaphore_mem>>) src(%dma_wait3A_153 : memref<2x128xi32, #tpu.memory_space<hbm>>) dst(%arg10 : memref<2x128xi32, #tpu.memory_space<vmem>>)
      %dma_start3A_154 = arith.constant 0 : i32
      %dma_start3A_155 = arith.constant 0 : i32
      %dma_start3A_156 = arith.constant 0 : i32
      %dma_start3A_157 = tpu.memref_slice %arg11[%dma_start3A_155, %dma_start3A_156] : memref<128x128xf32, #tpu.memory_space<vmem>> -> memref<64x128xf32, #tpu.memory_space<vmem>>
      %dma_start3A_158 = arith.constant 0 : i32
      %dma_start3A_159 = tpu.memref_slice %arg8[%dma_start3A_154, %dma_start3A_158] : memref<2x128xi32, #tpu.memory_space<vmem>> -> memref<1x64xi32, #tpu.memory_space<vmem>>
      %dma_start3A_160 = tpu.memref_squeeze %dma_start3A_159 : memref<1x64xi32, #tpu.memory_space<vmem>> -> memref<64xi32, #tpu.memory_space<vmem>>
      %dma_start3A_161 = arith.constant 0 : i32
      %dma_start3A_162 = arith.constant 0 : i32
      %dma_start3A_163 = tpu.memref_slice %arg2[%dma_start3A_161, %dma_start3A_162] : memref<10240x128xf32, #tpu.memory_space<hbm>> -> memref<10240x128xf32, #tpu.memory_space<hbm>>
      tpu.enqueue_indirect_dma source(%dma_start3A_163 : memref<10240x128xf32, #tpu.memory_space<hbm>>) target(%dma_start3A_157 : memref<64x128xf32, #tpu.memory_space<vmem>>) offsets(%dma_start3A_160 : memref<64xi32, #tpu.memory_space<vmem>>) semaphore(%arg14 : memref<!tpu.dma_semaphore, #tpu.memory_space<semaphore_mem>>)
      %dma_start3A_164 = arith.constant 0 : i32
      %dma_start3A_165 = arith.constant 64 : i32
      %dma_start3A_166 = arith.constant 0 : i32
      %dma_start3A_167 = tpu.memref_slice %arg11[%dma_start3A_165, %dma_start3A_166] : memref<128x128xf32, #tpu.memory_space<vmem>> -> memref<64x128xf32, #tpu.memory_space<vmem>>
      %dma_start3A_168 = arith.constant 64 : i32
      %dma_start3A_169 = tpu.memref_slice %arg8[%dma_start3A_164, %dma_start3A_168] : memref<2x128xi32, #tpu.memory_space<vmem>> -> memref<1x64xi32, #tpu.memory_space<vmem>>
      %dma_start3A_170 = tpu.memref_squeeze %dma_start3A_169 : memref<1x64xi32, #tpu.memory_space<vmem>> -> memref<64xi32, #tpu.memory_space<vmem>>
      %dma_start3A_171 = arith.constant 0 : i32
      %dma_start3A_172 = arith.constant 0 : i32
      %dma_start3A_173 = tpu.memref_slice %arg2[%dma_start3A_171, %dma_start3A_172] : memref<10240x128xf32, #tpu.memory_space<hbm>> -> memref<10240x128xf32, #tpu.memory_space<hbm>>
      tpu.enqueue_indirect_dma source(%dma_start3A_173 : memref<10240x128xf32, #tpu.memory_space<hbm>>) target(%dma_start3A_167 : memref<64x128xf32, #tpu.memory_space<vmem>>) offsets(%dma_start3A_170 : memref<64xi32, #tpu.memory_space<vmem>>) semaphore(%arg14 : memref<!tpu.dma_semaphore, #tpu.memory_space<semaphore_mem>>)
      %dma_start3A_174 = arith.constant 1 : i32
      %dma_start3A_175 = arith.constant 0 : i32
      %dma_start3A_176 = arith.constant 0 : i32
      %dma_start3A_177 = tpu.memref_slice %arg12[%dma_start3A_175, %dma_start3A_176] : memref<128x128xf32, #tpu.memory_space<vmem>> -> memref<64x128xf32, #tpu.memory_space<vmem>>
      %dma_start3A_178 = arith.constant 0 : i32
      %dma_start3A_179 = tpu.memref_slice %arg8[%dma_start3A_174, %dma_start3A_178] : memref<2x128xi32, #tpu.memory_space<vmem>> -> memref<1x64xi32, #tpu.memory_space<vmem>>
      %dma_start3A_180 = tpu.memref_squeeze %dma_start3A_179 : memref<1x64xi32, #tpu.memory_space<vmem>> -> memref<64xi32, #tpu.memory_space<vmem>>
      %dma_start3A_181 = arith.constant 0 : i32
      %dma_start3A_182 = arith.constant 0 : i32
      %dma_start3A_183 = tpu.memref_slice %arg2[%dma_start3A_181, %dma_start3A_182] : memref<10240x128xf32, #tpu.memory_space<hbm>> -> memref<10240x128xf32, #tpu.memory_space<hbm>>
      tpu.enqueue_indirect_dma source(%dma_start3A_183 : memref<10240x128xf32, #tpu.memory_space<hbm>>) target(%dma_start3A_177 : memref<64x128xf32, #tpu.memory_space<vmem>>) offsets(%dma_start3A_180 : memref<64xi32, #tpu.memory_space<vmem>>) semaphore(%arg15 : memref<!tpu.dma_semaphore, #tpu.memory_space<semaphore_mem>>)
      %dma_start3A_184 = arith.constant 1 : i32
      %dma_start3A_185 = arith.constant 64 : i32
      %dma_start3A_186 = arith.constant 0 : i32
      %dma_start3A_187 = tpu.memref_slice %arg12[%dma_start3A_185, %dma_start3A_186] : memref<128x128xf32, #tpu.memory_space<vmem>> -> memref<64x128xf32, #tpu.memory_space<vmem>>
      %dma_start3A_188 = arith.constant 64 : i32
      %dma_start3A_189 = tpu.memref_slice %arg8[%dma_start3A_184, %dma_start3A_188] : memref<2x128xi32, #tpu.memory_space<vmem>> -> memref<1x64xi32, #tpu.memory_space<vmem>>
      %dma_start3A_190 = tpu.memref_squeeze %dma_start3A_189 : memref<1x64xi32, #tpu.memory_space<vmem>> -> memref<64xi32, #tpu.memory_space<vmem>>
      %dma_start3A_191 = arith.constant 0 : i32
      %dma_start3A_192 = arith.constant 0 : i32
      %dma_start3A_193 = tpu.memref_slice %arg2[%dma_start3A_191, %dma_start3A_192] : memref<10240x128xf32, #tpu.memory_space<hbm>> -> memref<10240x128xf32, #tpu.memory_space<hbm>>
      tpu.enqueue_indirect_dma source(%dma_start3A_193 : memref<10240x128xf32, #tpu.memory_space<hbm>>) target(%dma_start3A_187 : memref<64x128xf32, #tpu.memory_space<vmem>>) offsets(%dma_start3A_190 : memref<64xi32, #tpu.memory_space<vmem>>) semaphore(%arg15 : memref<!tpu.dma_semaphore, #tpu.memory_space<semaphore_mem>>)
      %dma_wait3A_194 = arith.constant 0 : i32
      %dma_wait3A_195 = arith.constant 0 : i32
      %dma_wait3A_196 = arith.constant 0 : i32
      %dma_wait3A_197 = tpu.memref_slice %arg11[%dma_wait3A_195, %dma_wait3A_196] : memref<128x128xf32, #tpu.memory_space<vmem>> -> memref<64x128xf32, #tpu.memory_space<vmem>>
      %dma_wait3A_198 = arith.constant 0 : i32
      %dma_wait3A_199 = tpu.memref_slice %arg8[%dma_wait3A_194, %dma_wait3A_198] : memref<2x128xi32, #tpu.memory_space<vmem>> -> memref<1x64xi32, #tpu.memory_space<vmem>>
      %dma_wait3A_200 = tpu.memref_squeeze %dma_wait3A_199 : memref<1x64xi32, #tpu.memory_space<vmem>> -> memref<64xi32, #tpu.memory_space<vmem>>
      %dma_wait3A_201 = arith.constant 0 : i32
      %dma_wait3A_202 = arith.constant 0 : i32
      %dma_wait3A_203 = tpu.memref_slice %arg2[%dma_wait3A_201, %dma_wait3A_202] : memref<10240x128xf32, #tpu.memory_space<hbm>> -> memref<10240x128xf32, #tpu.memory_space<hbm>>
      tpu.wait_indirect_dma semaphore(%arg14 : memref<!tpu.dma_semaphore, #tpu.memory_space<semaphore_mem>>) src(%dma_wait3A_203 : memref<10240x128xf32, #tpu.memory_space<hbm>>) dst(%dma_wait3A_197 : memref<64x128xf32, #tpu.memory_space<vmem>>)
      %dma_wait3A_204 = arith.constant 0 : i32
      %dma_wait3A_205 = arith.constant 64 : i32
      %dma_wait3A_206 = arith.constant 0 : i32
      %dma_wait3A_207 = tpu.memref_slice %arg11[%dma_wait3A_205, %dma_wait3A_206] : memref<128x128xf32, #tpu.memory_space<vmem>> -> memref<64x128xf32, #tpu.memory_space<vmem>>
      %dma_wait3A_208 = arith.constant 64 : i32
      %dma_wait3A_209 = tpu.memref_slice %arg8[%dma_wait3A_204, %dma_wait3A_208] : memref<2x128xi32, #tpu.memory_space<vmem>> -> memref<1x64xi32, #tpu.memory_space<vmem>>
      %dma_wait3A_210 = tpu.memref_squeeze %dma_wait3A_209 : memref<1x64xi32, #tpu.memory_space<vmem>> -> memref<64xi32, #tpu.memory_space<vmem>>
      %dma_wait3A_211 = arith.constant 0 : i32
      %dma_wait3A_212 = arith.constant 0 : i32
      %dma_wait3A_213 = tpu.memref_slice %arg2[%dma_wait3A_211, %dma_wait3A_212] : memref<10240x128xf32, #tpu.memory_space<hbm>> -> memref<10240x128xf32, #tpu.memory_space<hbm>>
      tpu.wait_indirect_dma semaphore(%arg14 : memref<!tpu.dma_semaphore, #tpu.memory_space<semaphore_mem>>) src(%dma_wait3A_213 : memref<10240x128xf32, #tpu.memory_space<hbm>>) dst(%dma_wait3A_207 : memref<64x128xf32, #tpu.memory_space<vmem>>)
      %run_scoped3A_214 = arith.constant 0 : i32
      "tpu.region"() ({
        %run_scoped3A_242 = tpu.sem_alloc : memref<!tpu.dma_semaphore, #tpu.memory_space<semaphore_mem>>
        %dma_start3A_243 = arith.constant 0 : i32
        %dma_start3A_244 = tpu.memref_slice %arg10[%run_scoped3A_214, %dma_start3A_243] : memref<2x128xi32, #tpu.memory_space<vmem>> -> memref<1x128xi32, #tpu.memory_space<vmem>>
        %dma_start3A_245 = tpu.memref_squeeze %dma_start3A_244 : memref<1x128xi32, #tpu.memory_space<vmem>> -> memref<128xi32, #tpu.memory_space<vmem>>
        %dma_start3A_246 = arith.constant 0 : i32
        %dma_start3A_247 = arith.constant 0 : i32
        %dma_start3A_248 = tpu.memref_slice %arg13[%dma_start3A_246, %dma_start3A_247] : memref<10240x128xf32, #tpu.memory_space<vmem_shared>> -> memref<10240x128xf32, #tpu.memory_space<vmem_shared>>
        tpu.enqueue_indirect_dma source(%arg11 : memref<128x128xf32, #tpu.memory_space<vmem>>) target(%dma_start3A_248 : memref<10240x128xf32, #tpu.memory_space<vmem_shared>>) offsets(%dma_start3A_245 : memref<128xi32, #tpu.memory_space<vmem>>) semaphore(%run_scoped3A_242 : memref<!tpu.dma_semaphore, #tpu.memory_space<semaphore_mem>>) {add = true}
        %dma_wait3A_249 = arith.constant 0 : i32
        %dma_wait3A_250 = tpu.memref_slice %arg10[%run_scoped3A_214, %dma_wait3A_249] : memref<2x128xi32, #tpu.memory_space<vmem>> -> memref<1x128xi32, #tpu.memory_space<vmem>>
        %dma_wait3A_251 = tpu.memref_squeeze %dma_wait3A_250 : memref<1x128xi32, #tpu.memory_space<vmem>> -> memref<128xi32, #tpu.memory_space<vmem>>
        %dma_wait3A_252 = arith.constant 0 : i32
        %dma_wait3A_253 = arith.constant 0 : i32
        %dma_wait3A_254 = tpu.memref_slice %arg13[%dma_wait3A_252, %dma_wait3A_253] : memref<10240x128xf32, #tpu.memory_space<vmem_shared>> -> memref<10240x128xf32, #tpu.memory_space<vmem_shared>>
        tpu.wait_indirect_dma semaphore(%run_scoped3A_242 : memref<!tpu.dma_semaphore, #tpu.memory_space<semaphore_mem>>) src(%arg11 : memref<128x128xf32, #tpu.memory_space<vmem>>) dst(%dma_wait3A_254 : memref<10240x128xf32, #tpu.memory_space<vmem_shared>>)
        tpu.yield
      }) : () -> ()
      %dma_wait3A_215 = arith.constant 1 : i32
      %dma_wait3A_216 = arith.constant 0 : i32
      %dma_wait3A_217 = arith.constant 0 : i32
      %dma_wait3A_218 = tpu.memref_slice %arg12[%dma_wait3A_216, %dma_wait3A_217] : memref<128x128xf32, #tpu.memory_space<vmem>> -> memref<64x128xf32, #tpu.memory_space<vmem>>
      %dma_wait3A_219 = arith.constant 0 : i32
      %dma_wait3A_220 = tpu.memref_slice %arg8[%dma_wait3A_215, %dma_wait3A_219] : memref<2x128xi32, #tpu.memory_space<vmem>> -> memref<1x64xi32, #tpu.memory_space<vmem>>
      %dma_wait3A_221 = tpu.memref_squeeze %dma_wait3A_220 : memref<1x64xi32, #tpu.memory_space<vmem>> -> memref<64xi32, #tpu.memory_space<vmem>>
      %dma_wait3A_222 = arith.constant 0 : i32
      %dma_wait3A_223 = arith.constant 0 : i32
      %dma_wait3A_224 = tpu.memref_slice %arg2[%dma_wait3A_222, %dma_wait3A_223] : memref<10240x128xf32, #tpu.memory_space<hbm>> -> memref<10240x128xf32, #tpu.memory_space<hbm>>
      tpu.wait_indirect_dma semaphore(%arg15 : memref<!tpu.dma_semaphore, #tpu.memory_space<semaphore_mem>>) src(%dma_wait3A_224 : memref<10240x128xf32, #tpu.memory_space<hbm>>) dst(%dma_wait3A_218 : memref<64x128xf32, #tpu.memory_space<vmem>>)
      %dma_wait3A_225 = arith.constant 1 : i32
      %dma_wait3A_226 = arith.constant 64 : i32
      %dma_wait3A_227 = arith.constant 0 : i32
      %dma_wait3A_228 = tpu.memref_slice %arg12[%dma_wait3A_226, %dma_wait3A_227] : memref<128x128xf32, #tpu.memory_space<vmem>> -> memref<64x128xf32, #tpu.memory_space<vmem>>
      %dma_wait3A_229 = arith.constant 64 : i32
      %dma_wait3A_230 = tpu.memref_slice %arg8[%dma_wait3A_225, %dma_wait3A_229] : memref<2x128xi32, #tpu.memory_space<vmem>> -> memref<1x64xi32, #tpu.memory_space<vmem>>
      %dma_wait3A_231 = tpu.memref_squeeze %dma_wait3A_230 : memref<1x64xi32, #tpu.memory_space<vmem>> -> memref<64xi32, #tpu.memory_space<vmem>>
      %dma_wait3A_232 = arith.constant 0 : i32
      %dma_wait3A_233 = arith.constant 0 : i32
      %dma_wait3A_234 = tpu.memref_slice %arg2[%dma_wait3A_232, %dma_wait3A_233] : memref<10240x128xf32, #tpu.memory_space<hbm>> -> memref<10240x128xf32, #tpu.memory_space<hbm>>
      tpu.wait_indirect_dma semaphore(%arg15 : memref<!tpu.dma_semaphore, #tpu.memory_space<semaphore_mem>>) src(%dma_wait3A_234 : memref<10240x128xf32, #tpu.memory_space<hbm>>) dst(%dma_wait3A_228 : memref<64x128xf32, #tpu.memory_space<vmem>>)
      %run_scoped3A_235 = arith.constant 1 : i32
      "tpu.region"() ({
        %run_scoped3A_242 = tpu.sem_alloc : memref<!tpu.dma_semaphore, #tpu.memory_space<semaphore_mem>>
        %dma_start3A_243 = arith.constant 0 : i32
        %dma_start3A_244 = tpu.memref_slice %arg10[%run_scoped3A_235, %dma_start3A_243] : memref<2x128xi32, #tpu.memory_space<vmem>> -> memref<1x128xi32, #tpu.memory_space<vmem>>
        %dma_start3A_245 = tpu.memref_squeeze %dma_start3A_244 : memref<1x128xi32, #tpu.memory_space<vmem>> -> memref<128xi32, #tpu.memory_space<vmem>>
        %dma_start3A_246 = arith.constant 0 : i32
        %dma_start3A_247 = arith.constant 0 : i32
        %dma_start3A_248 = tpu.memref_slice %arg13[%dma_start3A_246, %dma_start3A_247] : memref<10240x128xf32, #tpu.memory_space<vmem_shared>> -> memref<10240x128xf32, #tpu.memory_space<vmem_shared>>
        tpu.enqueue_indirect_dma source(%arg12 : memref<128x128xf32, #tpu.memory_space<vmem>>) target(%dma_start3A_248 : memref<10240x128xf32, #tpu.memory_space<vmem_shared>>) offsets(%dma_start3A_245 : memref<128xi32, #tpu.memory_space<vmem>>) semaphore(%run_scoped3A_242 : memref<!tpu.dma_semaphore, #tpu.memory_space<semaphore_mem>>) {add = true}
        %dma_wait3A_249 = arith.constant 0 : i32
        %dma_wait3A_250 = tpu.memref_slice %arg10[%run_scoped3A_235, %dma_wait3A_249] : memref<2x128xi32, #tpu.memory_space<vmem>> -> memref<1x128xi32, #tpu.memory_space<vmem>>
        %dma_wait3A_251 = tpu.memref_squeeze %dma_wait3A_250 : memref<1x128xi32, #tpu.memory_space<vmem>> -> memref<128xi32, #tpu.memory_space<vmem>>
        %dma_wait3A_252 = arith.constant 0 : i32
        %dma_wait3A_253 = arith.constant 0 : i32
        %dma_wait3A_254 = tpu.memref_slice %arg13[%dma_wait3A_252, %dma_wait3A_253] : memref<10240x128xf32, #tpu.memory_space<vmem_shared>> -> memref<10240x128xf32, #tpu.memory_space<vmem_shared>>
        tpu.wait_indirect_dma semaphore(%run_scoped3A_242 : memref<!tpu.dma_semaphore, #tpu.memory_space<semaphore_mem>>) src(%arg12 : memref<128x128xf32, #tpu.memory_space<vmem>>) dst(%dma_wait3A_254 : memref<10240x128xf32, #tpu.memory_space<vmem_shared>>)
        tpu.yield
      }) : () -> ()
      %add3A_236 = arith.constant 2 : i32
      %add3A_237 = arith.addi %add3A_142, %add3A_236 : i32
      %lt3A_238 = arith.cmpi slt, %add3A_237, %select_n3A_2 : i32
      %convert_element_type3A_239 = arith.extui %lt3A_238 : i1 to i32
      %cond3A_240 = arith.constant 0 : i32
      %cond3A_241 = arith.cmpi ne, %convert_element_type3A_239, %cond3A_240 : i32
      scf.if %cond3A_241 {
        %add3A_242 = arith.constant 2 : i32
        %add3A_243 = arith.addi %add3A_142, %add3A_242 : i32
        %mul3A_244 = arith.constant 2 : i32
        %mul3A_245 = arith.muli %add3A_243, %mul3A_244 : i32
        %add3A_246 = arith.addi %select_n3A_13, %mul3A_245 : i32
        %dma_start3A_247 = arith.constant 0 : i32
        %dma_start3A_248 = tpu.memref_slice %arg3[%add3A_246, %dma_start3A_247] : memref<2560x128xi32, #tpu.memory_space<hbm>> -> memref<2x128xi32, #tpu.memory_space<hbm>>
        %dma_start3A_249 = arith.constant 0 : i32
        %dma_start3A_250 = tpu.memref_slice %arg3[%add3A_246, %dma_start3A_249] : memref<2560x128xi32, #tpu.memory_space<hbm>> -> memref<2x128xi32, #tpu.memory_space<hbm>>
        tpu.enqueue_dma source(%dma_start3A_250 : memref<2x128xi32, #tpu.memory_space<hbm>>) target(%arg8 : memref<2x128xi32, #tpu.memory_space<vmem>>) target_semaphore(%arg17 : memref<!tpu.dma_semaphore, #tpu.memory_space<semaphore_mem>>)
        %dma_start3A_251 = arith.constant 0 : i32
        %dma_start3A_252 = tpu.memref_slice %arg4[%add3A_246, %dma_start3A_251] : memref<2560x128xi32, #tpu.memory_space<hbm>> -> memref<2x128xi32, #tpu.memory_space<hbm>>
        %dma_start3A_253 = arith.constant 0 : i32
        %dma_start3A_254 = tpu.memref_slice %arg4[%add3A_246, %dma_start3A_253] : memref<2560x128xi32, #tpu.memory_space<hbm>> -> memref<2x128xi32, #tpu.memory_space<hbm>>
        tpu.enqueue_dma source(%dma_start3A_254 : memref<2x128xi32, #tpu.memory_space<hbm>>) target(%arg10 : memref<2x128xi32, #tpu.memory_space<vmem>>) target_semaphore(%arg17 : memref<!tpu.dma_semaphore, #tpu.memory_space<semaphore_mem>>)
      } else {
      }
    }
    %while3A_35 = arith.constant 1 : i32
    scf.for %while3A_41 = %while3A_33 to %while3A_29 step %while3A_35  : i32 {
      %mul3A_42 = arith.muli %while3A_41, %while3A : i32
      %add3A_43 = arith.addi %while3A_26, %mul3A_42 : i32
      %add3A_44 = arith.constant 0 : i32
      %add3A_45 = arith.addi %add3A_43, %add3A_44 : i32
      %mul3A_46 = arith.constant 2 : i32
      %mul3A_47 = arith.muli %add3A_45, %mul3A_46 : i32
      %add3A_48 = arith.addi %select_n3A_13, %mul3A_47 : i32
      %dma_wait3A = arith.constant 0 : i32
      %dma_wait3A_49 = tpu.memref_slice %arg3[%add3A_48, %dma_wait3A] : memref<2560x128xi32, #tpu.memory_space<hbm>> -> memref<2x128xi32, #tpu.memory_space<hbm>>
      %dma_wait3A_50 = arith.constant 0 : i32
      %dma_wait3A_51 = tpu.memref_slice %arg3[%add3A_48, %dma_wait3A_50] : memref<2560x128xi32, #tpu.memory_space<hbm>> -> memref<2x128xi32, #tpu.memory_space<hbm>>
      tpu.wait_dma2 semaphore(%arg16 : memref<!tpu.dma_semaphore, #tpu.memory_space<semaphore_mem>>) src(%dma_wait3A_51 : memref<2x128xi32, #tpu.memory_space<hbm>>) dst(%arg7 : memref<2x128xi32, #tpu.memory_space<vmem>>)
      %dma_wait3A_52 = arith.constant 0 : i32
      %dma_wait3A_53 = tpu.memref_slice %arg4[%add3A_48, %dma_wait3A_52] : memref<2560x128xi32, #tpu.memory_space<hbm>> -> memref<2x128xi32, #tpu.memory_space<hbm>>
      %dma_wait3A_54 = arith.constant 0 : i32
      %dma_wait3A_55 = tpu.memref_slice %arg4[%add3A_48, %dma_wait3A_54] : memref<2560x128xi32, #tpu.memory_space<hbm>> -> memref<2x128xi32, #tpu.memory_space<hbm>>
      tpu.wait_dma2 semaphore(%arg16 : memref<!tpu.dma_semaphore, #tpu.memory_space<semaphore_mem>>) src(%dma_wait3A_55 : memref<2x128xi32, #tpu.memory_space<hbm>>) dst(%arg9 : memref<2x128xi32, #tpu.memory_space<vmem>>)
      %dma_start3A = arith.constant 0 : i32
      %dma_start3A_56 = arith.constant 0 : i32
      %dma_start3A_57 = arith.constant 0 : i32
      %dma_start3A_58 = tpu.memref_slice %arg11[%dma_start3A_56, %dma_start3A_57] : memref<128x128xf32, #tpu.memory_space<vmem>> -> memref<64x128xf32, #tpu.memory_space<vmem>>
      %dma_start3A_59 = arith.constant 0 : i32
      %dma_start3A_60 = tpu.memref_slice %arg7[%dma_start3A, %dma_start3A_59] : memref<2x128xi32, #tpu.memory_space<vmem>> -> memref<1x64xi32, #tpu.memory_space<vmem>>
      %dma_start3A_61 = tpu.memref_squeeze %dma_start3A_60 : memref<1x64xi32, #tpu.memory_space<vmem>> -> memref<64xi32, #tpu.memory_space<vmem>>
      %dma_start3A_62 = arith.constant 0 : i32
      %dma_start3A_63 = arith.constant 0 : i32
      %dma_start3A_64 = tpu.memref_slice %arg2[%dma_start3A_62, %dma_start3A_63] : memref<10240x128xf32, #tpu.memory_space<hbm>> -> memref<10240x128xf32, #tpu.memory_space<hbm>>
      tpu.enqueue_indirect_dma source(%dma_start3A_64 : memref<10240x128xf32, #tpu.memory_space<hbm>>) target(%dma_start3A_58 : memref<64x128xf32, #tpu.memory_space<vmem>>) offsets(%dma_start3A_61 : memref<64xi32, #tpu.memory_space<vmem>>) semaphore(%arg14 : memref<!tpu.dma_semaphore, #tpu.memory_space<semaphore_mem>>)
      %dma_start3A_65 = arith.constant 0 : i32
      %dma_start3A_66 = arith.constant 64 : i32
      %dma_start3A_67 = arith.constant 0 : i32
      %dma_start3A_68 = tpu.memref_slice %arg11[%dma_start3A_66, %dma_start3A_67] : memref<128x128xf32, #tpu.memory_space<vmem>> -> memref<64x128xf32, #tpu.memory_space<vmem>>
      %dma_start3A_69 = arith.constant 64 : i32
      %dma_start3A_70 = tpu.memref_slice %arg7[%dma_start3A_65, %dma_start3A_69] : memref<2x128xi32, #tpu.memory_space<vmem>> -> memref<1x64xi32, #tpu.memory_space<vmem>>
      %dma_start3A_71 = tpu.memref_squeeze %dma_start3A_70 : memref<1x64xi32, #tpu.memory_space<vmem>> -> memref<64xi32, #tpu.memory_space<vmem>>
      %dma_start3A_72 = arith.constant 0 : i32
      %dma_start3A_73 = arith.constant 0 : i32
      %dma_start3A_74 = tpu.memref_slice %arg2[%dma_start3A_72, %dma_start3A_73] : memref<10240x128xf32, #tpu.memory_space<hbm>> -> memref<10240x128xf32, #tpu.memory_space<hbm>>
      tpu.enqueue_indirect_dma source(%dma_start3A_74 : memref<10240x128xf32, #tpu.memory_space<hbm>>) target(%dma_start3A_68 : memref<64x128xf32, #tpu.memory_space<vmem>>) offsets(%dma_start3A_71 : memref<64xi32, #tpu.memory_space<vmem>>) semaphore(%arg14 : memref<!tpu.dma_semaphore, #tpu.memory_space<semaphore_mem>>)
      %dma_start3A_75 = arith.constant 1 : i32
      %dma_start3A_76 = arith.constant 0 : i32
      %dma_start3A_77 = arith.constant 0 : i32
      %dma_start3A_78 = tpu.memref_slice %arg12[%dma_start3A_76, %dma_start3A_77] : memref<128x128xf32, #tpu.memory_space<vmem>> -> memref<64x128xf32, #tpu.memory_space<vmem>>
      %dma_start3A_79 = arith.constant 0 : i32
      %dma_start3A_80 = tpu.memref_slice %arg7[%dma_start3A_75, %dma_start3A_79] : memref<2x128xi32, #tpu.memory_space<vmem>> -> memref<1x64xi32, #tpu.memory_space<vmem>>
      %dma_start3A_81 = tpu.memref_squeeze %dma_start3A_80 : memref<1x64xi32, #tpu.memory_space<vmem>> -> memref<64xi32, #tpu.memory_space<vmem>>
      %dma_start3A_82 = arith.constant 0 : i32
      %dma_start3A_83 = arith.constant 0 : i32
      %dma_start3A_84 = tpu.memref_slice %arg2[%dma_start3A_82, %dma_start3A_83] : memref<10240x128xf32, #tpu.memory_space<hbm>> -> memref<10240x128xf32, #tpu.memory_space<hbm>>
      tpu.enqueue_indirect_dma source(%dma_start3A_84 : memref<10240x128xf32, #tpu.memory_space<hbm>>) target(%dma_start3A_78 : memref<64x128xf32, #tpu.memory_space<vmem>>) offsets(%dma_start3A_81 : memref<64xi32, #tpu.memory_space<vmem>>) semaphore(%arg15 : memref<!tpu.dma_semaphore, #tpu.memory_space<semaphore_mem>>)
      %dma_start3A_85 = arith.constant 1 : i32
      %dma_start3A_86 = arith.constant 64 : i32
      %dma_start3A_87 = arith.constant 0 : i32
      %dma_start3A_88 = tpu.memref_slice %arg12[%dma_start3A_86, %dma_start3A_87] : memref<128x128xf32, #tpu.memory_space<vmem>> -> memref<64x128xf32, #tpu.memory_space<vmem>>
      %dma_start3A_89 = arith.constant 64 : i32
      %dma_start3A_90 = tpu.memref_slice %arg7[%dma_start3A_85, %dma_start3A_89] : memref<2x128xi32, #tpu.memory_space<vmem>> -> memref<1x64xi32, #tpu.memory_space<vmem>>
      %dma_start3A_91 = tpu.memref_squeeze %dma_start3A_90 : memref<1x64xi32, #tpu.memory_space<vmem>> -> memref<64xi32, #tpu.memory_space<vmem>>
      %dma_start3A_92 = arith.constant 0 : i32
      %dma_start3A_93 = arith.constant 0 : i32
      %dma_start3A_94 = tpu.memref_slice %arg2[%dma_start3A_92, %dma_start3A_93] : memref<10240x128xf32, #tpu.memory_space<hbm>> -> memref<10240x128xf32, #tpu.memory_space<hbm>>
      tpu.enqueue_indirect_dma source(%dma_start3A_94 : memref<10240x128xf32, #tpu.memory_space<hbm>>) target(%dma_start3A_88 : memref<64x128xf32, #tpu.memory_space<vmem>>) offsets(%dma_start3A_91 : memref<64xi32, #tpu.memory_space<vmem>>) semaphore(%arg15 : memref<!tpu.dma_semaphore, #tpu.memory_space<semaphore_mem>>)
      %dma_wait3A_95 = arith.constant 0 : i32
      %dma_wait3A_96 = arith.constant 0 : i32
      %dma_wait3A_97 = arith.constant 0 : i32
      %dma_wait3A_98 = tpu.memref_slice %arg11[%dma_wait3A_96, %dma_wait3A_97] : memref<128x128xf32, #tpu.memory_space<vmem>> -> memref<64x128xf32, #tpu.memory_space<vmem>>
      %dma_wait3A_99 = arith.constant 0 : i32
      %dma_wait3A_100 = tpu.memref_slice %arg7[%dma_wait3A_95, %dma_wait3A_99] : memref<2x128xi32, #tpu.memory_space<vmem>> -> memref<1x64xi32, #tpu.memory_space<vmem>>
      %dma_wait3A_101 = tpu.memref_squeeze %dma_wait3A_100 : memref<1x64xi32, #tpu.memory_space<vmem>> -> memref<64xi32, #tpu.memory_space<vmem>>
      %dma_wait3A_102 = arith.constant 0 : i32
      %dma_wait3A_103 = arith.constant 0 : i32
      %dma_wait3A_104 = tpu.memref_slice %arg2[%dma_wait3A_102, %dma_wait3A_103] : memref<10240x128xf32, #tpu.memory_space<hbm>> -> memref<10240x128xf32, #tpu.memory_space<hbm>>
      tpu.wait_indirect_dma semaphore(%arg14 : memref<!tpu.dma_semaphore, #tpu.memory_space<semaphore_mem>>) src(%dma_wait3A_104 : memref<10240x128xf32, #tpu.memory_space<hbm>>) dst(%dma_wait3A_98 : memref<64x128xf32, #tpu.memory_space<vmem>>)
      %dma_wait3A_105 = arith.constant 0 : i32
      %dma_wait3A_106 = arith.constant 64 : i32
      %dma_wait3A_107 = arith.constant 0 : i32
      %dma_wait3A_108 = tpu.memref_slice %arg11[%dma_wait3A_106, %dma_wait3A_107] : memref<128x128xf32, #tpu.memory_space<vmem>> -> memref<64x128xf32, #tpu.memory_space<vmem>>
      %dma_wait3A_109 = arith.constant 64 : i32
      %dma_wait3A_110 = tpu.memref_slice %arg7[%dma_wait3A_105, %dma_wait3A_109] : memref<2x128xi32, #tpu.memory_space<vmem>> -> memref<1x64xi32, #tpu.memory_space<vmem>>
      %dma_wait3A_111 = tpu.memref_squeeze %dma_wait3A_110 : memref<1x64xi32, #tpu.memory_space<vmem>> -> memref<64xi32, #tpu.memory_space<vmem>>
      %dma_wait3A_112 = arith.constant 0 : i32
      %dma_wait3A_113 = arith.constant 0 : i32
      %dma_wait3A_114 = tpu.memref_slice %arg2[%dma_wait3A_112, %dma_wait3A_113] : memref<10240x128xf32, #tpu.memory_space<hbm>> -> memref<10240x128xf32, #tpu.memory_space<hbm>>
      tpu.wait_indirect_dma semaphore(%arg14 : memref<!tpu.dma_semaphore, #tpu.memory_space<semaphore_mem>>) src(%dma_wait3A_114 : memref<10240x128xf32, #tpu.memory_space<hbm>>) dst(%dma_wait3A_108 : memref<64x128xf32, #tpu.memory_space<vmem>>)
      %run_scoped3A = arith.constant 0 : i32
      "tpu.region"() ({
        %run_scoped3A_242 = tpu.sem_alloc : memref<!tpu.dma_semaphore, #tpu.memory_space<semaphore_mem>>
        %dma_start3A_243 = arith.constant 0 : i32
        %dma_start3A_244 = tpu.memref_slice %arg9[%run_scoped3A, %dma_start3A_243] : memref<2x128xi32, #tpu.memory_space<vmem>> -> memref<1x128xi32, #tpu.memory_space<vmem>>
        %dma_start3A_245 = tpu.memref_squeeze %dma_start3A_244 : memref<1x128xi32, #tpu.memory_space<vmem>> -> memref<128xi32, #tpu.memory_space<vmem>>
        %dma_start3A_246 = arith.constant 0 : i32
        %dma_start3A_247 = arith.constant 0 : i32
        %dma_start3A_248 = tpu.memref_slice %arg13[%dma_start3A_246, %dma_start3A_247] : memref<10240x128xf32, #tpu.memory_space<vmem_shared>> -> memref<10240x128xf32, #tpu.memory_space<vmem_shared>>
        tpu.enqueue_indirect_dma source(%arg11 : memref<128x128xf32, #tpu.memory_space<vmem>>) target(%dma_start3A_248 : memref<10240x128xf32, #tpu.memory_space<vmem_shared>>) offsets(%dma_start3A_245 : memref<128xi32, #tpu.memory_space<vmem>>) semaphore(%run_scoped3A_242 : memref<!tpu.dma_semaphore, #tpu.memory_space<semaphore_mem>>) {add = true}
        %dma_wait3A_249 = arith.constant 0 : i32
        %dma_wait3A_250 = tpu.memref_slice %arg9[%run_scoped3A, %dma_wait3A_249] : memref<2x128xi32, #tpu.memory_space<vmem>> -> memref<1x128xi32, #tpu.memory_space<vmem>>
        %dma_wait3A_251 = tpu.memref_squeeze %dma_wait3A_250 : memref<1x128xi32, #tpu.memory_space<vmem>> -> memref<128xi32, #tpu.memory_space<vmem>>
        %dma_wait3A_252 = arith.constant 0 : i32
        %dma_wait3A_253 = arith.constant 0 : i32
        %dma_wait3A_254 = tpu.memref_slice %arg13[%dma_wait3A_252, %dma_wait3A_253] : memref<10240x128xf32, #tpu.memory_space<vmem_shared>> -> memref<10240x128xf32, #tpu.memory_space<vmem_shared>>
        tpu.wait_indirect_dma semaphore(%run_scoped3A_242 : memref<!tpu.dma_semaphore, #tpu.memory_space<semaphore_mem>>) src(%arg11 : memref<128x128xf32, #tpu.memory_space<vmem>>) dst(%dma_wait3A_254 : memref<10240x128xf32, #tpu.memory_space<vmem_shared>>)
        tpu.yield
      }) : () -> ()
      %dma_wait3A_115 = arith.constant 1 : i32
      %dma_wait3A_116 = arith.constant 0 : i32
      %dma_wait3A_117 = arith.constant 0 : i32
      %dma_wait3A_118 = tpu.memref_slice %arg12[%dma_wait3A_116, %dma_wait3A_117] : memref<128x128xf32, #tpu.memory_space<vmem>> -> memref<64x128xf32, #tpu.memory_space<vmem>>
      %dma_wait3A_119 = arith.constant 0 : i32
      %dma_wait3A_120 = tpu.memref_slice %arg7[%dma_wait3A_115, %dma_wait3A_119] : memref<2x128xi32, #tpu.memory_space<vmem>> -> memref<1x64xi32, #tpu.memory_space<vmem>>
      %dma_wait3A_121 = tpu.memref_squeeze %dma_wait3A_120 : memref<1x64xi32, #tpu.memory_space<vmem>> -> memref<64xi32, #tpu.memory_space<vmem>>
      %dma_wait3A_122 = arith.constant 0 : i32
      %dma_wait3A_123 = arith.constant 0 : i32
      %dma_wait3A_124 = tpu.memref_slice %arg2[%dma_wait3A_122, %dma_wait3A_123] : memref<10240x128xf32, #tpu.memory_space<hbm>> -> memref<10240x128xf32, #tpu.memory_space<hbm>>
      tpu.wait_indirect_dma semaphore(%arg15 : memref<!tpu.dma_semaphore, #tpu.memory_space<semaphore_mem>>) src(%dma_wait3A_124 : memref<10240x128xf32, #tpu.memory_space<hbm>>) dst(%dma_wait3A_118 : memref<64x128xf32, #tpu.memory_space<vmem>>)
      %dma_wait3A_125 = arith.constant 1 : i32
      %dma_wait3A_126 = arith.constant 64 : i32
      %dma_wait3A_127 = arith.constant 0 : i32
      %dma_wait3A_128 = tpu.memref_slice %arg12[%dma_wait3A_126, %dma_wait3A_127] : memref<128x128xf32, #tpu.memory_space<vmem>> -> memref<64x128xf32, #tpu.memory_space<vmem>>
      %dma_wait3A_129 = arith.constant 64 : i32
      %dma_wait3A_130 = tpu.memref_slice %arg7[%dma_wait3A_125, %dma_wait3A_129] : memref<2x128xi32, #tpu.memory_space<vmem>> -> memref<1x64xi32, #tpu.memory_space<vmem>>
      %dma_wait3A_131 = tpu.memref_squeeze %dma_wait3A_130 : memref<1x64xi32, #tpu.memory_space<vmem>> -> memref<64xi32, #tpu.memory_space<vmem>>
      %dma_wait3A_132 = arith.constant 0 : i32
      %dma_wait3A_133 = arith.constant 0 : i32
      %dma_wait3A_134 = tpu.memref_slice %arg2[%dma_wait3A_132, %dma_wait3A_133] : memref<10240x128xf32, #tpu.memory_space<hbm>> -> memref<10240x128xf32, #tpu.memory_space<hbm>>
      tpu.wait_indirect_dma semaphore(%arg15 : memref<!tpu.dma_semaphore, #tpu.memory_space<semaphore_mem>>) src(%dma_wait3A_134 : memref<10240x128xf32, #tpu.memory_space<hbm>>) dst(%dma_wait3A_128 : memref<64x128xf32, #tpu.memory_space<vmem>>)
      %run_scoped3A_135 = arith.constant 1 : i32
      "tpu.region"() ({
        %run_scoped3A_242 = tpu.sem_alloc : memref<!tpu.dma_semaphore, #tpu.memory_space<semaphore_mem>>
        %dma_start3A_243 = arith.constant 0 : i32
        %dma_start3A_244 = tpu.memref_slice %arg9[%run_scoped3A_135, %dma_start3A_243] : memref<2x128xi32, #tpu.memory_space<vmem>> -> memref<1x128xi32, #tpu.memory_space<vmem>>
        %dma_start3A_245 = tpu.memref_squeeze %dma_start3A_244 : memref<1x128xi32, #tpu.memory_space<vmem>> -> memref<128xi32, #tpu.memory_space<vmem>>
        %dma_start3A_246 = arith.constant 0 : i32
        %dma_start3A_247 = arith.constant 0 : i32
        %dma_start3A_248 = tpu.memref_slice %arg13[%dma_start3A_246, %dma_start3A_247] : memref<10240x128xf32, #tpu.memory_space<vmem_shared>> -> memref<10240x128xf32, #tpu.memory_space<vmem_shared>>
        tpu.enqueue_indirect_dma source(%arg12 : memref<128x128xf32, #tpu.memory_space<vmem>>) target(%dma_start3A_248 : memref<10240x128xf32, #tpu.memory_space<vmem_shared>>) offsets(%dma_start3A_245 : memref<128xi32, #tpu.memory_space<vmem>>) semaphore(%run_scoped3A_242 : memref<!tpu.dma_semaphore, #tpu.memory_space<semaphore_mem>>) {add = true}
        %dma_wait3A_249 = arith.constant 0 : i32
        %dma_wait3A_250 = tpu.memref_slice %arg9[%run_scoped3A_135, %dma_wait3A_249] : memref<2x128xi32, #tpu.memory_space<vmem>> -> memref<1x128xi32, #tpu.memory_space<vmem>>
        %dma_wait3A_251 = tpu.memref_squeeze %dma_wait3A_250 : memref<1x128xi32, #tpu.memory_space<vmem>> -> memref<128xi32, #tpu.memory_space<vmem>>
        %dma_wait3A_252 = arith.constant 0 : i32
        %dma_wait3A_253 = arith.constant 0 : i32
        %dma_wait3A_254 = tpu.memref_slice %arg13[%dma_wait3A_252, %dma_wait3A_253] : memref<10240x128xf32, #tpu.memory_space<vmem_shared>> -> memref<10240x128xf32, #tpu.memory_space<vmem_shared>>
        tpu.wait_indirect_dma semaphore(%run_scoped3A_242 : memref<!tpu.dma_semaphore, #tpu.memory_space<semaphore_mem>>) src(%arg12 : memref<128x128xf32, #tpu.memory_space<vmem>>) dst(%dma_wait3A_254 : memref<10240x128xf32, #tpu.memory_space<vmem_shared>>)
        tpu.yield
      }) : () -> ()
      %add3A_136 = arith.constant 2 : i32
      %add3A_137 = arith.addi %add3A_45, %add3A_136 : i32
      %lt3A = arith.cmpi slt, %add3A_137, %select_n3A_2 : i32
      %convert_element_type3A_138 = arith.extui %lt3A : i1 to i32
      %cond3A_139 = arith.constant 0 : i32
      %cond3A_140 = arith.cmpi ne, %convert_element_type3A_138, %cond3A_139 : i32
      scf.if %cond3A_140 {
        %add3A_242 = arith.constant 2 : i32
        %add3A_243 = arith.addi %add3A_45, %add3A_242 : i32
        %mul3A_244 = arith.constant 2 : i32
        %mul3A_245 = arith.muli %add3A_243, %mul3A_244 : i32
        %add3A_246 = arith.addi %select_n3A_13, %mul3A_245 : i32
        %dma_start3A_247 = arith.constant 0 : i32
        %dma_start3A_248 = tpu.memref_slice %arg3[%add3A_246, %dma_start3A_247] : memref<2560x128xi32, #tpu.memory_space<hbm>> -> memref<2x128xi32, #tpu.memory_space<hbm>>
        %dma_start3A_249 = arith.constant 0 : i32
        %dma_start3A_250 = tpu.memref_slice %arg3[%add3A_246, %dma_start3A_249] : memref<2560x128xi32, #tpu.memory_space<hbm>> -> memref<2x128xi32, #tpu.memory_space<hbm>>
        tpu.enqueue_dma source(%dma_start3A_250 : memref<2x128xi32, #tpu.memory_space<hbm>>) target(%arg7 : memref<2x128xi32, #tpu.memory_space<vmem>>) target_semaphore(%arg16 : memref<!tpu.dma_semaphore, #tpu.memory_space<semaphore_mem>>)
        %dma_start3A_251 = arith.constant 0 : i32
        %dma_start3A_252 = tpu.memref_slice %arg4[%add3A_246, %dma_start3A_251] : memref<2560x128xi32, #tpu.memory_space<hbm>> -> memref<2x128xi32, #tpu.memory_space<hbm>>
        %dma_start3A_253 = arith.constant 0 : i32
        %dma_start3A_254 = tpu.memref_slice %arg4[%add3A_246, %dma_start3A_253] : memref<2560x128xi32, #tpu.memory_space<hbm>> -> memref<2x128xi32, #tpu.memory_space<hbm>>
        tpu.enqueue_dma source(%dma_start3A_254 : memref<2x128xi32, #tpu.memory_space<hbm>>) target(%arg9 : memref<2x128xi32, #tpu.memory_space<vmem>>) target_semaphore(%arg16 : memref<!tpu.dma_semaphore, #tpu.memory_space<semaphore_mem>>)
      } else {
      }
      %add3A_141 = arith.constant 1 : i32
      %add3A_142 = arith.addi %add3A_43, %add3A_141 : i32
      %mul3A_143 = arith.constant 2 : i32
      %mul3A_144 = arith.muli %add3A_142, %mul3A_143 : i32
      %add3A_145 = arith.addi %select_n3A_13, %mul3A_144 : i32
      %dma_wait3A_146 = arith.constant 0 : i32
      %dma_wait3A_147 = tpu.memref_slice %arg3[%add3A_145, %dma_wait3A_146] : memref<2560x128xi32, #tpu.memory_space<hbm>> -> memref<2x128xi32, #tpu.memory_space<hbm>>
      %dma_wait3A_148 = arith.constant 0 : i32
      %dma_wait3A_149 = tpu.memref_slice %arg3[%add3A_145, %dma_wait3A_148] : memref<2560x128xi32, #tpu.memory_space<hbm>> -> memref<2x128xi32, #tpu.memory_space<hbm>>
      tpu.wait_dma2 semaphore(%arg17 : memref<!tpu.dma_semaphore, #tpu.memory_space<semaphore_mem>>) src(%dma_wait3A_149 : memref<2x128xi32, #tpu.memory_space<hbm>>) dst(%arg8 : memref<2x128xi32, #tpu.memory_space<vmem>>)
      %dma_wait3A_150 = arith.constant 0 : i32
      %dma_wait3A_151 = tpu.memref_slice %arg4[%add3A_145, %dma_wait3A_150] : memref<2560x128xi32, #tpu.memory_space<hbm>> -> memref<2x128xi32, #tpu.memory_space<hbm>>
      %dma_wait3A_152 = arith.constant 0 : i32
      %dma_wait3A_153 = tpu.memref_slice %arg4[%add3A_145, %dma_wait3A_152] : memref<2560x128xi32, #tpu.memory_space<hbm>> -> memref<2x128xi32, #tpu.memory_space<hbm>>
      tpu.wait_dma2 semaphore(%arg17 : memref<!tpu.dma_semaphore, #tpu.memory_space<semaphore_mem>>) src(%dma_wait3A_153 : memref<2x128xi32, #tpu.memory_space<hbm>>) dst(%arg10 : memref<2x128xi32, #tpu.memory_space<vmem>>)
      %dma_start3A_154 = arith.constant 0 : i32
      %dma_start3A_155 = arith.constant 0 : i32
      %dma_start3A_156 = arith.constant 0 : i32
      %dma_start3A_157 = tpu.memref_slice %arg11[%dma_start3A_155, %dma_start3A_156] : memref<128x128xf32, #tpu.memory_space<vmem>> -> memref<64x128xf32, #tpu.memory_space<vmem>>
      %dma_start3A_158 = arith.constant 0 : i32
      %dma_start3A_159 = tpu.memref_slice %arg8[%dma_start3A_154, %dma_start3A_158] : memref<2x128xi32, #tpu.memory_space<vmem>> -> memref<1x64xi32, #tpu.memory_space<vmem>>
      %dma_start3A_160 = tpu.memref_squeeze %dma_start3A_159 : memref<1x64xi32, #tpu.memory_space<vmem>> -> memref<64xi32, #tpu.memory_space<vmem>>
      %dma_start3A_161 = arith.constant 0 : i32
      %dma_start3A_162 = arith.constant 0 : i32
      %dma_start3A_163 = tpu.memref_slice %arg2[%dma_start3A_161, %dma_start3A_162] : memref<10240x128xf32, #tpu.memory_space<hbm>> -> memref<10240x128xf32, #tpu.memory_space<hbm>>
      tpu.enqueue_indirect_dma source(%dma_start3A_163 : memref<10240x128xf32, #tpu.memory_space<hbm>>) target(%dma_start3A_157 : memref<64x128xf32, #tpu.memory_space<vmem>>) offsets(%dma_start3A_160 : memref<64xi32, #tpu.memory_space<vmem>>) semaphore(%arg14 : memref<!tpu.dma_semaphore, #tpu.memory_space<semaphore_mem>>)
      %dma_start3A_164 = arith.constant 0 : i32
      %dma_start3A_165 = arith.constant 64 : i32
      %dma_start3A_166 = arith.constant 0 : i32
      %dma_start3A_167 = tpu.memref_slice %arg11[%dma_start3A_165, %dma_start3A_166] : memref<128x128xf32, #tpu.memory_space<vmem>> -> memref<64x128xf32, #tpu.memory_space<vmem>>
      %dma_start3A_168 = arith.constant 64 : i32
      %dma_start3A_169 = tpu.memref_slice %arg8[%dma_start3A_164, %dma_start3A_168] : memref<2x128xi32, #tpu.memory_space<vmem>> -> memref<1x64xi32, #tpu.memory_space<vmem>>
      %dma_start3A_170 = tpu.memref_squeeze %dma_start3A_169 : memref<1x64xi32, #tpu.memory_space<vmem>> -> memref<64xi32, #tpu.memory_space<vmem>>
      %dma_start3A_171 = arith.constant 0 : i32
      %dma_start3A_172 = arith.constant 0 : i32
      %dma_start3A_173 = tpu.memref_slice %arg2[%dma_start3A_171, %dma_start3A_172] : memref<10240x128xf32, #tpu.memory_space<hbm>> -> memref<10240x128xf32, #tpu.memory_space<hbm>>
      tpu.enqueue_indirect_dma source(%dma_start3A_173 : memref<10240x128xf32, #tpu.memory_space<hbm>>) target(%dma_start3A_167 : memref<64x128xf32, #tpu.memory_space<vmem>>) offsets(%dma_start3A_170 : memref<64xi32, #tpu.memory_space<vmem>>) semaphore(%arg14 : memref<!tpu.dma_semaphore, #tpu.memory_space<semaphore_mem>>)
      %dma_start3A_174 = arith.constant 1 : i32
      %dma_start3A_175 = arith.constant 0 : i32
      %dma_start3A_176 = arith.constant 0 : i32
      %dma_start3A_177 = tpu.memref_slice %arg12[%dma_start3A_175, %dma_start3A_176] : memref<128x128xf32, #tpu.memory_space<vmem>> -> memref<64x128xf32, #tpu.memory_space<vmem>>
      %dma_start3A_178 = arith.constant 0 : i32
      %dma_start3A_179 = tpu.memref_slice %arg8[%dma_start3A_174, %dma_start3A_178] : memref<2x128xi32, #tpu.memory_space<vmem>> -> memref<1x64xi32, #tpu.memory_space<vmem>>
      %dma_start3A_180 = tpu.memref_squeeze %dma_start3A_179 : memref<1x64xi32, #tpu.memory_space<vmem>> -> memref<64xi32, #tpu.memory_space<vmem>>
      %dma_start3A_181 = arith.constant 0 : i32
      %dma_start3A_182 = arith.constant 0 : i32
      %dma_start3A_183 = tpu.memref_slice %arg2[%dma_start3A_181, %dma_start3A_182] : memref<10240x128xf32, #tpu.memory_space<hbm>> -> memref<10240x128xf32, #tpu.memory_space<hbm>>
      tpu.enqueue_indirect_dma source(%dma_start3A_183 : memref<10240x128xf32, #tpu.memory_space<hbm>>) target(%dma_start3A_177 : memref<64x128xf32, #tpu.memory_space<vmem>>) offsets(%dma_start3A_180 : memref<64xi32, #tpu.memory_space<vmem>>) semaphore(%arg15 : memref<!tpu.dma_semaphore, #tpu.memory_space<semaphore_mem>>)
      %dma_start3A_184 = arith.constant 1 : i32
      %dma_start3A_185 = arith.constant 64 : i32
      %dma_start3A_186 = arith.constant 0 : i32
      %dma_start3A_187 = tpu.memref_slice %arg12[%dma_start3A_185, %dma_start3A_186] : memref<128x128xf32, #tpu.memory_space<vmem>> -> memref<64x128xf32, #tpu.memory_space<vmem>>
      %dma_start3A_188 = arith.constant 64 : i32
      %dma_start3A_189 = tpu.memref_slice %arg8[%dma_start3A_184, %dma_start3A_188] : memref<2x128xi32, #tpu.memory_space<vmem>> -> memref<1x64xi32, #tpu.memory_space<vmem>>
      %dma_start3A_190 = tpu.memref_squeeze %dma_start3A_189 : memref<1x64xi32, #tpu.memory_space<vmem>> -> memref<64xi32, #tpu.memory_space<vmem>>
      %dma_start3A_191 = arith.constant 0 : i32
      %dma_start3A_192 = arith.constant 0 : i32
      %dma_start3A_193 = tpu.memref_slice %arg2[%dma_start3A_191, %dma_start3A_192] : memref<10240x128xf32, #tpu.memory_space<hbm>> -> memref<10240x128xf32, #tpu.memory_space<hbm>>
      tpu.enqueue_indirect_dma source(%dma_start3A_193 : memref<10240x128xf32, #tpu.memory_space<hbm>>) target(%dma_start3A_187 : memref<64x128xf32, #tpu.memory_space<vmem>>) offsets(%dma_start3A_190 : memref<64xi32, #tpu.memory_space<vmem>>) semaphore(%arg15 : memref<!tpu.dma_semaphore, #tpu.memory_space<semaphore_mem>>)
      %dma_wait3A_194 = arith.constant 0 : i32
      %dma_wait3A_195 = arith.constant 0 : i32
      %dma_wait3A_196 = arith.constant 0 : i32
      %dma_wait3A_197 = tpu.memref_slice %arg11[%dma_wait3A_195, %dma_wait3A_196] : memref<128x128xf32, #tpu.memory_space<vmem>> -> memref<64x128xf32, #tpu.memory_space<vmem>>
      %dma_wait3A_198 = arith.constant 0 : i32
      %dma_wait3A_199 = tpu.memref_slice %arg8[%dma_wait3A_194, %dma_wait3A_198] : memref<2x128xi32, #tpu.memory_space<vmem>> -> memref<1x64xi32, #tpu.memory_space<vmem>>
      %dma_wait3A_200 = tpu.memref_squeeze %dma_wait3A_199 : memref<1x64xi32, #tpu.memory_space<vmem>> -> memref<64xi32, #tpu.memory_space<vmem>>
      %dma_wait3A_201 = arith.constant 0 : i32
      %dma_wait3A_202 = arith.constant 0 : i32
      %dma_wait3A_203 = tpu.memref_slice %arg2[%dma_wait3A_201, %dma_wait3A_202] : memref<10240x128xf32, #tpu.memory_space<hbm>> -> memref<10240x128xf32, #tpu.memory_space<hbm>>
      tpu.wait_indirect_dma semaphore(%arg14 : memref<!tpu.dma_semaphore, #tpu.memory_space<semaphore_mem>>) src(%dma_wait3A_203 : memref<10240x128xf32, #tpu.memory_space<hbm>>) dst(%dma_wait3A_197 : memref<64x128xf32, #tpu.memory_space<vmem>>)
      %dma_wait3A_204 = arith.constant 0 : i32
      %dma_wait3A_205 = arith.constant 64 : i32
      %dma_wait3A_206 = arith.constant 0 : i32
      %dma_wait3A_207 = tpu.memref_slice %arg11[%dma_wait3A_205, %dma_wait3A_206] : memref<128x128xf32, #tpu.memory_space<vmem>> -> memref<64x128xf32, #tpu.memory_space<vmem>>
      %dma_wait3A_208 = arith.constant 64 : i32
      %dma_wait3A_209 = tpu.memref_slice %arg8[%dma_wait3A_204, %dma_wait3A_208] : memref<2x128xi32, #tpu.memory_space<vmem>> -> memref<1x64xi32, #tpu.memory_space<vmem>>
      %dma_wait3A_210 = tpu.memref_squeeze %dma_wait3A_209 : memref<1x64xi32, #tpu.memory_space<vmem>> -> memref<64xi32, #tpu.memory_space<vmem>>
      %dma_wait3A_211 = arith.constant 0 : i32
      %dma_wait3A_212 = arith.constant 0 : i32
      %dma_wait3A_213 = tpu.memref_slice %arg2[%dma_wait3A_211, %dma_wait3A_212] : memref<10240x128xf32, #tpu.memory_space<hbm>> -> memref<10240x128xf32, #tpu.memory_space<hbm>>
      tpu.wait_indirect_dma semaphore(%arg14 : memref<!tpu.dma_semaphore, #tpu.memory_space<semaphore_mem>>) src(%dma_wait3A_213 : memref<10240x128xf32, #tpu.memory_space<hbm>>) dst(%dma_wait3A_207 : memref<64x128xf32, #tpu.memory_space<vmem>>)
      %run_scoped3A_214 = arith.constant 0 : i32
      "tpu.region"() ({
        %run_scoped3A_242 = tpu.sem_alloc : memref<!tpu.dma_semaphore, #tpu.memory_space<semaphore_mem>>
        %dma_start3A_243 = arith.constant 0 : i32
        %dma_start3A_244 = tpu.memref_slice %arg10[%run_scoped3A_214, %dma_start3A_243] : memref<2x128xi32, #tpu.memory_space<vmem>> -> memref<1x128xi32, #tpu.memory_space<vmem>>
        %dma_start3A_245 = tpu.memref_squeeze %dma_start3A_244 : memref<1x128xi32, #tpu.memory_space<vmem>> -> memref<128xi32, #tpu.memory_space<vmem>>
        %dma_start3A_246 = arith.constant 0 : i32
        %dma_start3A_247 = arith.constant 0 : i32
        %dma_start3A_248 = tpu.memref_slice %arg13[%dma_start3A_246, %dma_start3A_247] : memref<10240x128xf32, #tpu.memory_space<vmem_shared>> -> memref<10240x128xf32, #tpu.memory_space<vmem_shared>>
        tpu.enqueue_indirect_dma source(%arg11 : memref<128x128xf32, #tpu.memory_space<vmem>>) target(%dma_start3A_248 : memref<10240x128xf32, #tpu.memory_space<vmem_shared>>) offsets(%dma_start3A_245 : memref<128xi32, #tpu.memory_space<vmem>>) semaphore(%run_scoped3A_242 : memref<!tpu.dma_semaphore, #tpu.memory_space<semaphore_mem>>) {add = true}
        %dma_wait3A_249 = arith.constant 0 : i32
        %dma_wait3A_250 = tpu.memref_slice %arg10[%run_scoped3A_214, %dma_wait3A_249] : memref<2x128xi32, #tpu.memory_space<vmem>> -> memref<1x128xi32, #tpu.memory_space<vmem>>
        %dma_wait3A_251 = tpu.memref_squeeze %dma_wait3A_250 : memref<1x128xi32, #tpu.memory_space<vmem>> -> memref<128xi32, #tpu.memory_space<vmem>>
        %dma_wait3A_252 = arith.constant 0 : i32
        %dma_wait3A_253 = arith.constant 0 : i32
        %dma_wait3A_254 = tpu.memref_slice %arg13[%dma_wait3A_252, %dma_wait3A_253] : memref<10240x128xf32, #tpu.memory_space<vmem_shared>> -> memref<10240x128xf32, #tpu.memory_space<vmem_shared>>
        tpu.wait_indirect_dma semaphore(%run_scoped3A_242 : memref<!tpu.dma_semaphore, #tpu.memory_space<semaphore_mem>>) src(%arg11 : memref<128x128xf32, #tpu.memory_space<vmem>>) dst(%dma_wait3A_254 : memref<10240x128xf32, #tpu.memory_space<vmem_shared>>)
        tpu.yield
      }) : () -> ()
      %dma_wait3A_215 = arith.constant 1 : i32
      %dma_wait3A_216 = arith.constant 0 : i32
      %dma_wait3A_217 = arith.constant 0 : i32
      %dma_wait3A_218 = tpu.memref_slice %arg12[%dma_wait3A_216, %dma_wait3A_217] : memref<128x128xf32, #tpu.memory_space<vmem>> -> memref<64x128xf32, #tpu.memory_space<vmem>>
      %dma_wait3A_219 = arith.constant 0 : i32
      %dma_wait3A_220 = tpu.memref_slice %arg8[%dma_wait3A_215, %dma_wait3A_219] : memref<2x128xi32, #tpu.memory_space<vmem>> -> memref<1x64xi32, #tpu.memory_space<vmem>>
      %dma_wait3A_221 = tpu.memref_squeeze %dma_wait3A_220 : memref<1x64xi32, #tpu.memory_space<vmem>> -> memref<64xi32, #tpu.memory_space<vmem>>
      %dma_wait3A_222 = arith.constant 0 : i32
      %dma_wait3A_223 = arith.constant 0 : i32
      %dma_wait3A_224 = tpu.memref_slice %arg2[%dma_wait3A_222, %dma_wait3A_223] : memref<10240x128xf32, #tpu.memory_space<hbm>> -> memref<10240x128xf32, #tpu.memory_space<hbm>>
      tpu.wait_indirect_dma semaphore(%arg15 : memref<!tpu.dma_semaphore, #tpu.memory_space<semaphore_mem>>) src(%dma_wait3A_224 : memref<10240x128xf32, #tpu.memory_space<hbm>>) dst(%dma_wait3A_218 : memref<64x128xf32, #tpu.memory_space<vmem>>)
      %dma_wait3A_225 = arith.constant 1 : i32
      %dma_wait3A_226 = arith.constant 64 : i32
      %dma_wait3A_227 = arith.constant 0 : i32
      %dma_wait3A_228 = tpu.memref_slice %arg12[%dma_wait3A_226, %dma_wait3A_227] : memref<128x128xf32, #tpu.memory_space<vmem>> -> memref<64x128xf32, #tpu.memory_space<vmem>>
      %dma_wait3A_229 = arith.constant 64 : i32
      %dma_wait3A_230 = tpu.memref_slice %arg8[%dma_wait3A_225, %dma_wait3A_229] : memref<2x128xi32, #tpu.memory_space<vmem>> -> memref<1x64xi32, #tpu.memory_space<vmem>>
      %dma_wait3A_231 = tpu.memref_squeeze %dma_wait3A_230 : memref<1x64xi32, #tpu.memory_space<vmem>> -> memref<64xi32, #tpu.memory_space<vmem>>
      %dma_wait3A_232 = arith.constant 0 : i32
      %dma_wait3A_233 = arith.constant 0 : i32
      %dma_wait3A_234 = tpu.memref_slice %arg2[%dma_wait3A_232, %dma_wait3A_233] : memref<10240x128xf32, #tpu.memory_space<hbm>> -> memref<10240x128xf32, #tpu.memory_space<hbm>>
      tpu.wait_indirect_dma semaphore(%arg15 : memref<!tpu.dma_semaphore, #tpu.memory_space<semaphore_mem>>) src(%dma_wait3A_234 : memref<10240x128xf32, #tpu.memory_space<hbm>>) dst(%dma_wait3A_228 : memref<64x128xf32, #tpu.memory_space<vmem>>)
      %run_scoped3A_235 = arith.constant 1 : i32
      "tpu.region"() ({
        %run_scoped3A_242 = tpu.sem_alloc : memref<!tpu.dma_semaphore, #tpu.memory_space<semaphore_mem>>
        %dma_start3A_243 = arith.constant 0 : i32
        %dma_start3A_244 = tpu.memref_slice %arg10[%run_scoped3A_235, %dma_start3A_243] : memref<2x128xi32, #tpu.memory_space<vmem>> -> memref<1x128xi32, #tpu.memory_space<vmem>>
        %dma_start3A_245 = tpu.memref_squeeze %dma_start3A_244 : memref<1x128xi32, #tpu.memory_space<vmem>> -> memref<128xi32, #tpu.memory_space<vmem>>
        %dma_start3A_246 = arith.constant 0 : i32
        %dma_start3A_247 = arith.constant 0 : i32
        %dma_start3A_248 = tpu.memref_slice %arg13[%dma_start3A_246, %dma_start3A_247] : memref<10240x128xf32, #tpu.memory_space<vmem_shared>> -> memref<10240x128xf32, #tpu.memory_space<vmem_shared>>
        tpu.enqueue_indirect_dma source(%arg12 : memref<128x128xf32, #tpu.memory_space<vmem>>) target(%dma_start3A_248 : memref<10240x128xf32, #tpu.memory_space<vmem_shared>>) offsets(%dma_start3A_245 : memref<128xi32, #tpu.memory_space<vmem>>) semaphore(%run_scoped3A_242 : memref<!tpu.dma_semaphore, #tpu.memory_space<semaphore_mem>>) {add = true}
        %dma_wait3A_249 = arith.constant 0 : i32
        %dma_wait3A_250 = tpu.memref_slice %arg10[%run_scoped3A_235, %dma_wait3A_249] : memref<2x128xi32, #tpu.memory_space<vmem>> -> memref<1x128xi32, #tpu.memory_space<vmem>>
        %dma_wait3A_251 = tpu.memref_squeeze %dma_wait3A_250 : memref<1x128xi32, #tpu.memory_space<vmem>> -> memref<128xi32, #tpu.memory_space<vmem>>
        %dma_wait3A_252 = arith.constant 0 : i32
        %dma_wait3A_253 = arith.constant 0 : i32
        %dma_wait3A_254 = tpu.memref_slice %arg13[%dma_wait3A_252, %dma_wait3A_253] : memref<10240x128xf32, #tpu.memory_space<vmem_shared>> -> memref<10240x128xf32, #tpu.memory_space<vmem_shared>>
        tpu.wait_indirect_dma semaphore(%run_scoped3A_242 : memref<!tpu.dma_semaphore, #tpu.memory_space<semaphore_mem>>) src(%arg12 : memref<128x128xf32, #tpu.memory_space<vmem>>) dst(%dma_wait3A_254 : memref<10240x128xf32, #tpu.memory_space<vmem_shared>>)
        tpu.yield
      }) : () -> ()
      %add3A_236 = arith.constant 2 : i32
      %add3A_237 = arith.addi %add3A_142, %add3A_236 : i32
      %lt3A_238 = arith.cmpi slt, %add3A_237, %select_n3A_2 : i32
      %convert_element_type3A_239 = arith.extui %lt3A_238 : i1 to i32
      %cond3A_240 = arith.constant 0 : i32
      %cond3A_241 = arith.cmpi ne, %convert_element_type3A_239, %cond3A_240 : i32
      scf.if %cond3A_241 {
        %add3A_242 = arith.constant 2 : i32
        %add3A_243 = arith.addi %add3A_142, %add3A_242 : i32
        %mul3A_244 = arith.constant 2 : i32
        %mul3A_245 = arith.muli %add3A_243, %mul3A_244 : i32
        %add3A_246 = arith.addi %select_n3A_13, %mul3A_245 : i32
        %dma_start3A_247 = arith.constant 0 : i32
        %dma_start3A_248 = tpu.memref_slice %arg3[%add3A_246, %dma_start3A_247] : memref<2560x128xi32, #tpu.memory_space<hbm>> -> memref<2x128xi32, #tpu.memory_space<hbm>>
        %dma_start3A_249 = arith.constant 0 : i32
        %dma_start3A_250 = tpu.memref_slice %arg3[%add3A_246, %dma_start3A_249] : memref<2560x128xi32, #tpu.memory_space<hbm>> -> memref<2x128xi32, #tpu.memory_space<hbm>>
        tpu.enqueue_dma source(%dma_start3A_250 : memref<2x128xi32, #tpu.memory_space<hbm>>) target(%arg8 : memref<2x128xi32, #tpu.memory_space<vmem>>) target_semaphore(%arg17 : memref<!tpu.dma_semaphore, #tpu.memory_space<semaphore_mem>>)
        %dma_start3A_251 = arith.constant 0 : i32
        %dma_start3A_252 = tpu.memref_slice %arg4[%add3A_246, %dma_start3A_251] : memref<2560x128xi32, #tpu.memory_space<hbm>> -> memref<2x128xi32, #tpu.memory_space<hbm>>
        %dma_start3A_253 = arith.constant 0 : i32
        %dma_start3A_254 = tpu.memref_slice %arg4[%add3A_246, %dma_start3A_253] : memref<2560x128xi32, #tpu.memory_space<hbm>> -> memref<2x128xi32, #tpu.memory_space<hbm>>
        tpu.enqueue_dma source(%dma_start3A_254 : memref<2x128xi32, #tpu.memory_space<hbm>>) target(%arg10 : memref<2x128xi32, #tpu.memory_space<vmem>>) target_semaphore(%arg17 : memref<!tpu.dma_semaphore, #tpu.memory_space<semaphore_mem>>)
      } else {
      }
    }
    %barrier3A_36 = arith.constant 0 : index
    tpu.barrier barrier_id(%barrier3A_36)
    %mul3A_37 = arith.constant 640 : i32
    %mul3A_38 = arith.muli %arg1, %mul3A_37 : i32
    %mul3A_39 = arith.constant 640 : i32
    %mul3A_40 = arith.muli %arg1, %mul3A_39 : i32
    "tpu.region"() ({
      %run_scoped3A = tpu.sem_alloc : memref<!tpu.dma_semaphore, #tpu.memory_space<semaphore_mem>>
      %dma_start3A = arith.constant 0 : i32
      %dma_start3A_41 = tpu.memref_slice %arg6[%arg0, %mul3A_40, %dma_start3A] : memref<2x10240x128xf32, #tpu.memory_space<hbm>> -> memref<1x640x128xf32, #tpu.memory_space<hbm>>
      %dma_start3A_42 = tpu.memref_squeeze %dma_start3A_41 : memref<1x640x128xf32, #tpu.memory_space<hbm>> -> memref<640x128xf32, #tpu.memory_space<hbm>>
      %dma_start3A_43 = arith.constant 0 : i32
      %dma_start3A_44 = tpu.memref_slice %arg13[%mul3A_38, %dma_start3A_43] : memref<10240x128xf32, #tpu.memory_space<vmem_shared>> -> memref<640x128xf32, #tpu.memory_space<vmem_shared>>
      tpu.enqueue_dma source(%dma_start3A_44 : memref<640x128xf32, #tpu.memory_space<vmem_shared>>) target(%dma_start3A_42 : memref<640x128xf32, #tpu.memory_space<hbm>>) target_semaphore(%run_scoped3A : memref<!tpu.dma_semaphore, #tpu.memory_space<semaphore_mem>>)
      %dma_wait3A = arith.constant 0 : i32
      %dma_wait3A_45 = tpu.memref_slice %arg6[%arg0, %mul3A_40, %dma_wait3A] : memref<2x10240x128xf32, #tpu.memory_space<hbm>> -> memref<1x640x128xf32, #tpu.memory_space<hbm>>
      %dma_wait3A_46 = tpu.memref_squeeze %dma_wait3A_45 : memref<1x640x128xf32, #tpu.memory_space<hbm>> -> memref<640x128xf32, #tpu.memory_space<hbm>>
      %dma_wait3A_47 = arith.constant 0 : i32
      %dma_wait3A_48 = tpu.memref_slice %arg13[%mul3A_38, %dma_wait3A_47] : memref<10240x128xf32, #tpu.memory_space<vmem_shared>> -> memref<640x128xf32, #tpu.memory_space<vmem_shared>>
      tpu.wait_dma2 semaphore(%run_scoped3A : memref<!tpu.dma_semaphore, #tpu.memory_space<semaphore_mem>>) src(%dma_wait3A_48 : memref<640x128xf32, #tpu.memory_space<vmem_shared>>) dst(%dma_wait3A_46 : memref<640x128xf32, #tpu.memory_space<hbm>>)
      tpu.yield
    }) : () -> ()
    return
  }
}

#map = affine_map<(d0, d1) -> (0, 0)>
#map1 = affine_map<(d0, d1) -> (0, 0, 0)>
module attributes {stable_mosaic.version = 14 : i64} {
  func.func @_agg_body(%arg0: i32, %arg1: i32, %arg2: memref<10240x128xf32, #tpu.memory_space<hbm>>, %arg3: memref<2560x128xi32, #tpu.memory_space<hbm>>, %arg4: memref<2560x128xi32, #tpu.memory_space<hbm>>, %arg5: memref<10240x128xf32, #tpu.memory_space<hbm>>, %arg6: memref<2x10240x128xf32, #tpu.memory_space<hbm>>, %arg7: memref<2x128xi32, #tpu.memory_space<vmem>>, %arg8: memref<2x128xi32, #tpu.memory_space<vmem>>, %arg9: memref<2x128xi32, #tpu.memory_space<vmem>>, %arg10: memref<2x128xi32, #tpu.memory_space<vmem>>, %arg11: memref<128x128xf32, #tpu.memory_space<vmem>>, %arg12: memref<128x128xf32, #tpu.memory_space<vmem>>, %arg13: memref<10240x128xf32, #tpu.memory_space<vmem_shared>>, %arg14: memref<!tpu.dma_semaphore, #tpu.memory_space<semaphore_mem>>, %arg15: memref<!tpu.dma_semaphore, #tpu.memory_space<semaphore_mem>>, %arg16: memref<!tpu.dma_semaphore, #tpu.memory_space<semaphore_mem>>, %arg17: memref<!tpu.dma_semaphore, #tpu.memory_space<semaphore_mem>>) attributes {dimension_semantics = [#tpu.dimension_semantics<core_parallel>, #tpu.dimension_semantics<subcore_parallel>], iteration_bounds = array<i64: 2, 16>, scalar_prefetch = 0 : i64, scratch_operands = 11 : i64, tpu.core_type = #tpu.core_type<sc_vector_subcore>, window_params = [{transform_indices = #map}, {transform_indices = #map}, {transform_indices = #map}, {transform_indices = #map}, {transform_indices = #map1}]} {
    %eq3A = arith.constant 0 : i32
    %eq3A_0 = arith.cmpi eq, %arg0, %eq3A : i32
    %select_n3A = arith.constant 2 : i32
    %select_n3A_1 = arith.constant 78 : i32
    %select_n3A_2 = arith.select %eq3A_0, %select_n3A_1, %select_n3A : i32
    %eq3A_3 = arith.constant 0 : i32
    %eq3A_4 = arith.cmpi eq, %arg0, %eq3A_3 : i32
    %mul3A = arith.constant 78 : i32
    %mul3A_5 = arith.muli %arg1, %mul3A : i32
    %mul3A_6 = arith.constant 2 : i32
    %mul3A_7 = arith.muli %mul3A_5, %mul3A_6 : i32
    %mul3A_8 = arith.constant 2 : i32
    %mul3A_9 = arith.muli %arg1, %mul3A_8 : i32
    %add3A = arith.constant 1248 : i32
    %add3A_10 = arith.addi %add3A, %mul3A_9 : i32
    %mul3A_11 = arith.constant 2 : i32
    %mul3A_12 = arith.muli %add3A_10, %mul3A_11 : i32
    %select_n3A_13 = arith.select %eq3A_4, %mul3A_7, %mul3A_12 : i32
    %mul3A_14 = arith.constant 640 : i32
    %mul3A_15 = arith.muli %arg1, %mul3A_14 : i32
    %mul3A_16 = arith.constant 640 : i32
    %mul3A_17 = arith.muli %arg1, %mul3A_16 : i32
    "tpu.region"() ({
      %run_scoped3A = tpu.sem_alloc : memref<!tpu.dma_semaphore, #tpu.memory_space<semaphore_mem>>
      %dma_start3A = arith.constant 0 : i32
      %dma_start3A_41 = tpu.memref_slice %arg13[%mul3A_17, %dma_start3A] : memref<10240x128xf32, #tpu.memory_space<vmem_shared>> -> memref<640x128xf32, #tpu.memory_space<vmem_shared>>
      %dma_start3A_42 = arith.constant 0 : i32
      %dma_start3A_43 = tpu.memref_slice %arg5[%mul3A_15, %dma_start3A_42] : memref<10240x128xf32, #tpu.memory_space<hbm>> -> memref<640x128xf32, #tpu.memory_space<hbm>>
      tpu.enqueue_dma source(%dma_start3A_43 : memref<640x128xf32, #tpu.memory_space<hbm>>) target(%dma_start3A_41 : memref<640x128xf32, #tpu.memory_space<vmem_shared>>) target_semaphore(%run_scoped3A : memref<!tpu.dma_semaphore, #tpu.memory_space<semaphore_mem>>)
      %dma_wait3A = arith.constant 0 : i32
      %dma_wait3A_44 = tpu.memref_slice %arg13[%mul3A_17, %dma_wait3A] : memref<10240x128xf32, #tpu.memory_space<vmem_shared>> -> memref<640x128xf32, #tpu.memory_space<vmem_shared>>
      %dma_wait3A_45 = arith.constant 0 : i32
      %dma_wait3A_46 = tpu.memref_slice %arg5[%mul3A_15, %dma_wait3A_45] : memref<10240x128xf32, #tpu.memory_space<hbm>> -> memref<640x128xf32, #tpu.memory_space<hbm>>
      tpu.wait_dma2 semaphore(%run_scoped3A : memref<!tpu.dma_semaphore, #tpu.memory_space<semaphore_mem>>) src(%dma_wait3A_46 : memref<640x128xf32, #tpu.memory_space<hbm>>) dst(%dma_wait3A_44 : memref<640x128xf32, #tpu.memory_space<vmem_shared>>)
      tpu.yield
    }) : () -> ()
    %gt3A = arith.constant 0 : i32
    %gt3A_18 = arith.cmpi sgt, %select_n3A_2, %gt3A : i32
    %convert_element_type3A = arith.extui %gt3A_18 : i1 to i32
    %cond3A = arith.constant 0 : i32
    %cond3A_19 = arith.cmpi ne, %convert_element_type3A, %cond3A : i32
    scf.if %cond3A_19 {
      %dma_start3A = arith.constant 0 : i32
      %dma_start3A_41 = tpu.memref_slice %arg3[%select_n3A_13, %dma_start3A] : memref<2560x128xi32, #tpu.memory_space<hbm>> -> memref<2x128xi32, #tpu.memory_space<hbm>>
      %dma_start3A_42 = arith.constant 0 : i32
      %dma_start3A_43 = tpu.memref_slice %arg3[%select_n3A_13, %dma_start3A_42] : memref<2560x128xi32, #tpu.memory_space<hbm>> -> memref<2x128xi32, #tpu.memory_space<hbm>>
      tpu.enqueue_dma source(%dma_start3A_43 : memref<2x128xi32, #tpu.memory_space<hbm>>) target(%arg7 : memref<2x128xi32, #tpu.memory_space<vmem>>) target_semaphore(%arg16 : memref<!tpu.dma_semaphore, #tpu.memory_space<semaphore_mem>>)
      %dma_start3A_44 = arith.constant 0 : i32
      %dma_start3A_45 = tpu.memref_slice %arg4[%select_n3A_13, %dma_start3A_44] : memref<2560x128xi32, #tpu.memory_space<hbm>> -> memref<2x128xi32, #tpu.memory_space<hbm>>
      %dma_start3A_46 = arith.constant 0 : i32
      %dma_start3A_47 = tpu.memref_slice %arg4[%select_n3A_13, %dma_start3A_46] : memref<2560x128xi32, #tpu.memory_space<hbm>> -> memref<2x128xi32, #tpu.memory_space<hbm>>
      tpu.enqueue_dma source(%dma_start3A_47 : memref<2x128xi32, #tpu.memory_space<hbm>>) target(%arg9 : memref<2x128xi32, #tpu.memory_space<vmem>>) target_semaphore(%arg16 : memref<!tpu.dma_semaphore, #tpu.memory_space<semaphore_mem>>)
      %add3A_48 = arith.constant 2 : i32
      %add3A_49 = arith.addi %select_n3A_13, %add3A_48 : i32
      %dma_start3A_50 = arith.constant 0 : i32
      %dma_start3A_51 = tpu.memref_slice %arg3[%add3A_49, %dma_start3A_50] : memref<2560x128xi32, #tpu.memory_space<hbm>> -> memref<2x128xi32, #tpu.memory_space<hbm>>
      %dma_start3A_52 = arith.constant 0 : i32
      %dma_start3A_53 = tpu.memref_slice %arg3[%add3A_49, %dma_start3A_52] : memref<2560x128xi32, #tpu.memory_space<hbm>> -> memref<2x128xi32, #tpu.memory_space<hbm>>
      tpu.enqueue_dma source(%dma_start3A_53 : memref<2x128xi32, #tpu.memory_space<hbm>>) target(%arg8 : memref<2x128xi32, #tpu.memory_space<vmem>>) target_semaphore(%arg17 : memref<!tpu.dma_semaphore, #tpu.memory_space<semaphore_mem>>)
      %add3A_54 = arith.constant 2 : i32
      %add3A_55 = arith.addi %select_n3A_13, %add3A_54 : i32
      %dma_start3A_56 = arith.constant 0 : i32
      %dma_start3A_57 = tpu.memref_slice %arg4[%add3A_55, %dma_start3A_56] : memref<2560x128xi32, #tpu.memory_space<hbm>> -> memref<2x128xi32, #tpu.memory_space<hbm>>
      %dma_start3A_58 = arith.constant 0 : i32
      %dma_start3A_59 = tpu.memref_slice %arg4[%add3A_55, %dma_start3A_58] : memref<2560x128xi32, #tpu.memory_space<hbm>> -> memref<2x128xi32, #tpu.memory_space<hbm>>
      tpu.enqueue_dma source(%dma_start3A_59 : memref<2x128xi32, #tpu.memory_space<hbm>>) target(%arg10 : memref<2x128xi32, #tpu.memory_space<vmem>>) target_semaphore(%arg17 : memref<!tpu.dma_semaphore, #tpu.memory_space<semaphore_mem>>)
    } else {
    }
    %barrier3A = arith.constant 0 : index
    tpu.barrier barrier_id(%barrier3A)
    %sub3A = arith.constant 0 : i32
    %sub3A_20 = arith.subi %select_n3A_2, %sub3A : i32
    %sub3A_21 = arith.constant 2 : i32
    %sub3A_22 = arith.constant 1 : i32
    %sub3A_23 = arith.subi %sub3A_21, %sub3A_22 : i32
    %add3A_24 = arith.addi %sub3A_20, %sub3A_23 : i32
    %div3A = arith.constant 2 : i32
    %div3A_25 = arith.divsi %add3A_24, %div3A : i32
    %while3A = arith.constant 2 : i32
    %while3A_26 = arith.constant 0 : i32
    %while3A_27 = arith.constant 0 : i32
    %while3A_28 = arith.subi %div3A_25, %while3A_27 : i32
    %while3A_29 = arith.addi %while3A_27, %while3A_28 : i32
    %while3A_30 = arith.constant 1 : i32
    %while3A_31 = arith.divsi %while3A_28, %while3A_30 : i32
    %while3A_32 = arith.muli %while3A_31, %while3A_30 : i32
    %while3A_33 = arith.addi %while3A_27, %while3A_32 : i32
    %while3A_34 = arith.constant 1 : i32
    scf.for %while3A_41 = %while3A_27 to %while3A_33 step %while3A_34  : i32 {
      %mul3A_42 = arith.muli %while3A_41, %while3A : i32
      %add3A_43 = arith.addi %while3A_26, %mul3A_42 : i32
      %add3A_44 = arith.constant 0 : i32
      %add3A_45 = arith.addi %add3A_43, %add3A_44 : i32
      %mul3A_46 = arith.constant 2 : i32
      %mul3A_47 = arith.muli %add3A_45, %mul3A_46 : i32
      %add3A_48 = arith.addi %select_n3A_13, %mul3A_47 : i32
      %dma_wait3A = arith.constant 0 : i32
      %dma_wait3A_49 = tpu.memref_slice %arg3[%add3A_48, %dma_wait3A] : memref<2560x128xi32, #tpu.memory_space<hbm>> -> memref<2x128xi32, #tpu.memory_space<hbm>>
      %dma_wait3A_50 = arith.constant 0 : i32
      %dma_wait3A_51 = tpu.memref_slice %arg3[%add3A_48, %dma_wait3A_50] : memref<2560x128xi32, #tpu.memory_space<hbm>> -> memref<2x128xi32, #tpu.memory_space<hbm>>
      tpu.wait_dma2 semaphore(%arg16 : memref<!tpu.dma_semaphore, #tpu.memory_space<semaphore_mem>>) src(%dma_wait3A_51 : memref<2x128xi32, #tpu.memory_space<hbm>>) dst(%arg7 : memref<2x128xi32, #tpu.memory_space<vmem>>)
      %dma_wait3A_52 = arith.constant 0 : i32
      %dma_wait3A_53 = tpu.memref_slice %arg4[%add3A_48, %dma_wait3A_52] : memref<2560x128xi32, #tpu.memory_space<hbm>> -> memref<2x128xi32, #tpu.memory_space<hbm>>
      %dma_wait3A_54 = arith.constant 0 : i32
      %dma_wait3A_55 = tpu.memref_slice %arg4[%add3A_48, %dma_wait3A_54] : memref<2560x128xi32, #tpu.memory_space<hbm>> -> memref<2x128xi32, #tpu.memory_space<hbm>>
      tpu.wait_dma2 semaphore(%arg16 : memref<!tpu.dma_semaphore, #tpu.memory_space<semaphore_mem>>) src(%dma_wait3A_55 : memref<2x128xi32, #tpu.memory_space<hbm>>) dst(%arg9 : memref<2x128xi32, #tpu.memory_space<vmem>>)
      %dma_start3A = arith.constant 0 : i32
      %dma_start3A_56 = arith.constant 0 : i32
      %dma_start3A_57 = arith.constant 0 : i32
      %dma_start3A_58 = tpu.memref_slice %arg11[%dma_start3A_56, %dma_start3A_57] : memref<128x128xf32, #tpu.memory_space<vmem>> -> memref<64x128xf32, #tpu.memory_space<vmem>>
      %dma_start3A_59 = arith.constant 0 : i32
      %dma_start3A_60 = tpu.memref_slice %arg7[%dma_start3A, %dma_start3A_59] : memref<2x128xi32, #tpu.memory_space<vmem>> -> memref<1x64xi32, #tpu.memory_space<vmem>>
      %dma_start3A_61 = tpu.memref_squeeze %dma_start3A_60 : memref<1x64xi32, #tpu.memory_space<vmem>> -> memref<64xi32, #tpu.memory_space<vmem>>
      %dma_start3A_62 = arith.constant 0 : i32
      %dma_start3A_63 = arith.constant 0 : i32
      %dma_start3A_64 = tpu.memref_slice %arg2[%dma_start3A_62, %dma_start3A_63] : memref<10240x128xf32, #tpu.memory_space<hbm>> -> memref<10240x128xf32, #tpu.memory_space<hbm>>
      tpu.enqueue_indirect_dma source(%dma_start3A_64 : memref<10240x128xf32, #tpu.memory_space<hbm>>) target(%dma_start3A_58 : memref<64x128xf32, #tpu.memory_space<vmem>>) offsets(%dma_start3A_61 : memref<64xi32, #tpu.memory_space<vmem>>) semaphore(%arg14 : memref<!tpu.dma_semaphore, #tpu.memory_space<semaphore_mem>>)
      %dma_start3A_65 = arith.constant 0 : i32
      %dma_start3A_66 = arith.constant 64 : i32
      %dma_start3A_67 = arith.constant 0 : i32
      %dma_start3A_68 = tpu.memref_slice %arg11[%dma_start3A_66, %dma_start3A_67] : memref<128x128xf32, #tpu.memory_space<vmem>> -> memref<64x128xf32, #tpu.memory_space<vmem>>
      %dma_start3A_69 = arith.constant 64 : i32
      %dma_start3A_70 = tpu.memref_slice %arg7[%dma_start3A_65, %dma_start3A_69] : memref<2x128xi32, #tpu.memory_space<vmem>> -> memref<1x64xi32, #tpu.memory_space<vmem>>
      %dma_start3A_71 = tpu.memref_squeeze %dma_start3A_70 : memref<1x64xi32, #tpu.memory_space<vmem>> -> memref<64xi32, #tpu.memory_space<vmem>>
      %dma_start3A_72 = arith.constant 0 : i32
      %dma_start3A_73 = arith.constant 0 : i32
      %dma_start3A_74 = tpu.memref_slice %arg2[%dma_start3A_72, %dma_start3A_73] : memref<10240x128xf32, #tpu.memory_space<hbm>> -> memref<10240x128xf32, #tpu.memory_space<hbm>>
      tpu.enqueue_indirect_dma source(%dma_start3A_74 : memref<10240x128xf32, #tpu.memory_space<hbm>>) target(%dma_start3A_68 : memref<64x128xf32, #tpu.memory_space<vmem>>) offsets(%dma_start3A_71 : memref<64xi32, #tpu.memory_space<vmem>>) semaphore(%arg14 : memref<!tpu.dma_semaphore, #tpu.memory_space<semaphore_mem>>)
      %dma_start3A_75 = arith.constant 1 : i32
      %dma_start3A_76 = arith.constant 0 : i32
      %dma_start3A_77 = arith.constant 0 : i32
      %dma_start3A_78 = tpu.memref_slice %arg12[%dma_start3A_76, %dma_start3A_77] : memref<128x128xf32, #tpu.memory_space<vmem>> -> memref<64x128xf32, #tpu.memory_space<vmem>>
      %dma_start3A_79 = arith.constant 0 : i32
      %dma_start3A_80 = tpu.memref_slice %arg7[%dma_start3A_75, %dma_start3A_79] : memref<2x128xi32, #tpu.memory_space<vmem>> -> memref<1x64xi32, #tpu.memory_space<vmem>>
      %dma_start3A_81 = tpu.memref_squeeze %dma_start3A_80 : memref<1x64xi32, #tpu.memory_space<vmem>> -> memref<64xi32, #tpu.memory_space<vmem>>
      %dma_start3A_82 = arith.constant 0 : i32
      %dma_start3A_83 = arith.constant 0 : i32
      %dma_start3A_84 = tpu.memref_slice %arg2[%dma_start3A_82, %dma_start3A_83] : memref<10240x128xf32, #tpu.memory_space<hbm>> -> memref<10240x128xf32, #tpu.memory_space<hbm>>
      tpu.enqueue_indirect_dma source(%dma_start3A_84 : memref<10240x128xf32, #tpu.memory_space<hbm>>) target(%dma_start3A_78 : memref<64x128xf32, #tpu.memory_space<vmem>>) offsets(%dma_start3A_81 : memref<64xi32, #tpu.memory_space<vmem>>) semaphore(%arg15 : memref<!tpu.dma_semaphore, #tpu.memory_space<semaphore_mem>>)
      %dma_start3A_85 = arith.constant 1 : i32
      %dma_start3A_86 = arith.constant 64 : i32
      %dma_start3A_87 = arith.constant 0 : i32
      %dma_start3A_88 = tpu.memref_slice %arg12[%dma_start3A_86, %dma_start3A_87] : memref<128x128xf32, #tpu.memory_space<vmem>> -> memref<64x128xf32, #tpu.memory_space<vmem>>
      %dma_start3A_89 = arith.constant 64 : i32
      %dma_start3A_90 = tpu.memref_slice %arg7[%dma_start3A_85, %dma_start3A_89] : memref<2x128xi32, #tpu.memory_space<vmem>> -> memref<1x64xi32, #tpu.memory_space<vmem>>
      %dma_start3A_91 = tpu.memref_squeeze %dma_start3A_90 : memref<1x64xi32, #tpu.memory_space<vmem>> -> memref<64xi32, #tpu.memory_space<vmem>>
      %dma_start3A_92 = arith.constant 0 : i32
      %dma_start3A_93 = arith.constant 0 : i32
      %dma_start3A_94 = tpu.memref_slice %arg2[%dma_start3A_92, %dma_start3A_93] : memref<10240x128xf32, #tpu.memory_space<hbm>> -> memref<10240x128xf32, #tpu.memory_space<hbm>>
      tpu.enqueue_indirect_dma source(%dma_start3A_94 : memref<10240x128xf32, #tpu.memory_space<hbm>>) target(%dma_start3A_88 : memref<64x128xf32, #tpu.memory_space<vmem>>) offsets(%dma_start3A_91 : memref<64xi32, #tpu.memory_space<vmem>>) semaphore(%arg15 : memref<!tpu.dma_semaphore, #tpu.memory_space<semaphore_mem>>)
      %dma_wait3A_95 = arith.constant 0 : i32
      %dma_wait3A_96 = arith.constant 0 : i32
      %dma_wait3A_97 = arith.constant 0 : i32
      %dma_wait3A_98 = tpu.memref_slice %arg11[%dma_wait3A_96, %dma_wait3A_97] : memref<128x128xf32, #tpu.memory_space<vmem>> -> memref<64x128xf32, #tpu.memory_space<vmem>>
      %dma_wait3A_99 = arith.constant 0 : i32
      %dma_wait3A_100 = tpu.memref_slice %arg7[%dma_wait3A_95, %dma_wait3A_99] : memref<2x128xi32, #tpu.memory_space<vmem>> -> memref<1x64xi32, #tpu.memory_space<vmem>>
      %dma_wait3A_101 = tpu.memref_squeeze %dma_wait3A_100 : memref<1x64xi32, #tpu.memory_space<vmem>> -> memref<64xi32, #tpu.memory_space<vmem>>
      %dma_wait3A_102 = arith.constant 0 : i32
      %dma_wait3A_103 = arith.constant 0 : i32
      %dma_wait3A_104 = tpu.memref_slice %arg2[%dma_wait3A_102, %dma_wait3A_103] : memref<10240x128xf32, #tpu.memory_space<hbm>> -> memref<10240x128xf32, #tpu.memory_space<hbm>>
      tpu.wait_indirect_dma semaphore(%arg14 : memref<!tpu.dma_semaphore, #tpu.memory_space<semaphore_mem>>) src(%dma_wait3A_104 : memref<10240x128xf32, #tpu.memory_space<hbm>>) dst(%dma_wait3A_98 : memref<64x128xf32, #tpu.memory_space<vmem>>)
      %dma_wait3A_105 = arith.constant 0 : i32
      %dma_wait3A_106 = arith.constant 64 : i32
      %dma_wait3A_107 = arith.constant 0 : i32
      %dma_wait3A_108 = tpu.memref_slice %arg11[%dma_wait3A_106, %dma_wait3A_107] : memref<128x128xf32, #tpu.memory_space<vmem>> -> memref<64x128xf32, #tpu.memory_space<vmem>>
      %dma_wait3A_109 = arith.constant 64 : i32
      %dma_wait3A_110 = tpu.memref_slice %arg7[%dma_wait3A_105, %dma_wait3A_109] : memref<2x128xi32, #tpu.memory_space<vmem>> -> memref<1x64xi32, #tpu.memory_space<vmem>>
      %dma_wait3A_111 = tpu.memref_squeeze %dma_wait3A_110 : memref<1x64xi32, #tpu.memory_space<vmem>> -> memref<64xi32, #tpu.memory_space<vmem>>
      %dma_wait3A_112 = arith.constant 0 : i32
      %dma_wait3A_113 = arith.constant 0 : i32
      %dma_wait3A_114 = tpu.memref_slice %arg2[%dma_wait3A_112, %dma_wait3A_113] : memref<10240x128xf32, #tpu.memory_space<hbm>> -> memref<10240x128xf32, #tpu.memory_space<hbm>>
      tpu.wait_indirect_dma semaphore(%arg14 : memref<!tpu.dma_semaphore, #tpu.memory_space<semaphore_mem>>) src(%dma_wait3A_114 : memref<10240x128xf32, #tpu.memory_space<hbm>>) dst(%dma_wait3A_108 : memref<64x128xf32, #tpu.memory_space<vmem>>)
      %run_scoped3A = arith.constant 0 : i32
      "tpu.region"() ({
        %run_scoped3A_242 = tpu.sem_alloc : memref<!tpu.dma_semaphore, #tpu.memory_space<semaphore_mem>>
        %dma_start3A_243 = arith.constant 0 : i32
        %dma_start3A_244 = tpu.memref_slice %arg9[%run_scoped3A, %dma_start3A_243] : memref<2x128xi32, #tpu.memory_space<vmem>> -> memref<1x128xi32, #tpu.memory_space<vmem>>
        %dma_start3A_245 = tpu.memref_squeeze %dma_start3A_244 : memref<1x128xi32, #tpu.memory_space<vmem>> -> memref<128xi32, #tpu.memory_space<vmem>>
        %dma_start3A_246 = arith.constant 0 : i32
        %dma_start3A_247 = arith.constant 0 : i32
        %dma_start3A_248 = tpu.memref_slice %arg13[%dma_start3A_246, %dma_start3A_247] : memref<10240x128xf32, #tpu.memory_space<vmem_shared>> -> memref<10240x128xf32, #tpu.memory_space<vmem_shared>>
        tpu.enqueue_indirect_dma source(%arg11 : memref<128x128xf32, #tpu.memory_space<vmem>>) target(%dma_start3A_248 : memref<10240x128xf32, #tpu.memory_space<vmem_shared>>) offsets(%dma_start3A_245 : memref<128xi32, #tpu.memory_space<vmem>>) semaphore(%run_scoped3A_242 : memref<!tpu.dma_semaphore, #tpu.memory_space<semaphore_mem>>) {add = true}
        %dma_wait3A_249 = arith.constant 0 : i32
        %dma_wait3A_250 = tpu.memref_slice %arg9[%run_scoped3A, %dma_wait3A_249] : memref<2x128xi32, #tpu.memory_space<vmem>> -> memref<1x128xi32, #tpu.memory_space<vmem>>
        %dma_wait3A_251 = tpu.memref_squeeze %dma_wait3A_250 : memref<1x128xi32, #tpu.memory_space<vmem>> -> memref<128xi32, #tpu.memory_space<vmem>>
        %dma_wait3A_252 = arith.constant 0 : i32
        %dma_wait3A_253 = arith.constant 0 : i32
        %dma_wait3A_254 = tpu.memref_slice %arg13[%dma_wait3A_252, %dma_wait3A_253] : memref<10240x128xf32, #tpu.memory_space<vmem_shared>> -> memref<10240x128xf32, #tpu.memory_space<vmem_shared>>
        tpu.wait_indirect_dma semaphore(%run_scoped3A_242 : memref<!tpu.dma_semaphore, #tpu.memory_space<semaphore_mem>>) src(%arg11 : memref<128x128xf32, #tpu.memory_space<vmem>>) dst(%dma_wait3A_254 : memref<10240x128xf32, #tpu.memory_space<vmem_shared>>)
        tpu.yield
      }) : () -> ()
      %dma_wait3A_115 = arith.constant 1 : i32
      %dma_wait3A_116 = arith.constant 0 : i32
      %dma_wait3A_117 = arith.constant 0 : i32
      %dma_wait3A_118 = tpu.memref_slice %arg12[%dma_wait3A_116, %dma_wait3A_117] : memref<128x128xf32, #tpu.memory_space<vmem>> -> memref<64x128xf32, #tpu.memory_space<vmem>>
      %dma_wait3A_119 = arith.constant 0 : i32
      %dma_wait3A_120 = tpu.memref_slice %arg7[%dma_wait3A_115, %dma_wait3A_119] : memref<2x128xi32, #tpu.memory_space<vmem>> -> memref<1x64xi32, #tpu.memory_space<vmem>>
      %dma_wait3A_121 = tpu.memref_squeeze %dma_wait3A_120 : memref<1x64xi32, #tpu.memory_space<vmem>> -> memref<64xi32, #tpu.memory_space<vmem>>
      %dma_wait3A_122 = arith.constant 0 : i32
      %dma_wait3A_123 = arith.constant 0 : i32
      %dma_wait3A_124 = tpu.memref_slice %arg2[%dma_wait3A_122, %dma_wait3A_123] : memref<10240x128xf32, #tpu.memory_space<hbm>> -> memref<10240x128xf32, #tpu.memory_space<hbm>>
      tpu.wait_indirect_dma semaphore(%arg15 : memref<!tpu.dma_semaphore, #tpu.memory_space<semaphore_mem>>) src(%dma_wait3A_124 : memref<10240x128xf32, #tpu.memory_space<hbm>>) dst(%dma_wait3A_118 : memref<64x128xf32, #tpu.memory_space<vmem>>)
      %dma_wait3A_125 = arith.constant 1 : i32
      %dma_wait3A_126 = arith.constant 64 : i32
      %dma_wait3A_127 = arith.constant 0 : i32
      %dma_wait3A_128 = tpu.memref_slice %arg12[%dma_wait3A_126, %dma_wait3A_127] : memref<128x128xf32, #tpu.memory_space<vmem>> -> memref<64x128xf32, #tpu.memory_space<vmem>>
      %dma_wait3A_129 = arith.constant 64 : i32
      %dma_wait3A_130 = tpu.memref_slice %arg7[%dma_wait3A_125, %dma_wait3A_129] : memref<2x128xi32, #tpu.memory_space<vmem>> -> memref<1x64xi32, #tpu.memory_space<vmem>>
      %dma_wait3A_131 = tpu.memref_squeeze %dma_wait3A_130 : memref<1x64xi32, #tpu.memory_space<vmem>> -> memref<64xi32, #tpu.memory_space<vmem>>
      %dma_wait3A_132 = arith.constant 0 : i32
      %dma_wait3A_133 = arith.constant 0 : i32
      %dma_wait3A_134 = tpu.memref_slice %arg2[%dma_wait3A_132, %dma_wait3A_133] : memref<10240x128xf32, #tpu.memory_space<hbm>> -> memref<10240x128xf32, #tpu.memory_space<hbm>>
      tpu.wait_indirect_dma semaphore(%arg15 : memref<!tpu.dma_semaphore, #tpu.memory_space<semaphore_mem>>) src(%dma_wait3A_134 : memref<10240x128xf32, #tpu.memory_space<hbm>>) dst(%dma_wait3A_128 : memref<64x128xf32, #tpu.memory_space<vmem>>)
      %run_scoped3A_135 = arith.constant 1 : i32
      "tpu.region"() ({
        %run_scoped3A_242 = tpu.sem_alloc : memref<!tpu.dma_semaphore, #tpu.memory_space<semaphore_mem>>
        %dma_start3A_243 = arith.constant 0 : i32
        %dma_start3A_244 = tpu.memref_slice %arg9[%run_scoped3A_135, %dma_start3A_243] : memref<2x128xi32, #tpu.memory_space<vmem>> -> memref<1x128xi32, #tpu.memory_space<vmem>>
        %dma_start3A_245 = tpu.memref_squeeze %dma_start3A_244 : memref<1x128xi32, #tpu.memory_space<vmem>> -> memref<128xi32, #tpu.memory_space<vmem>>
        %dma_start3A_246 = arith.constant 0 : i32
        %dma_start3A_247 = arith.constant 0 : i32
        %dma_start3A_248 = tpu.memref_slice %arg13[%dma_start3A_246, %dma_start3A_247] : memref<10240x128xf32, #tpu.memory_space<vmem_shared>> -> memref<10240x128xf32, #tpu.memory_space<vmem_shared>>
        tpu.enqueue_indirect_dma source(%arg12 : memref<128x128xf32, #tpu.memory_space<vmem>>) target(%dma_start3A_248 : memref<10240x128xf32, #tpu.memory_space<vmem_shared>>) offsets(%dma_start3A_245 : memref<128xi32, #tpu.memory_space<vmem>>) semaphore(%run_scoped3A_242 : memref<!tpu.dma_semaphore, #tpu.memory_space<semaphore_mem>>) {add = true}
        %dma_wait3A_249 = arith.constant 0 : i32
        %dma_wait3A_250 = tpu.memref_slice %arg9[%run_scoped3A_135, %dma_wait3A_249] : memref<2x128xi32, #tpu.memory_space<vmem>> -> memref<1x128xi32, #tpu.memory_space<vmem>>
        %dma_wait3A_251 = tpu.memref_squeeze %dma_wait3A_250 : memref<1x128xi32, #tpu.memory_space<vmem>> -> memref<128xi32, #tpu.memory_space<vmem>>
        %dma_wait3A_252 = arith.constant 0 : i32
        %dma_wait3A_253 = arith.constant 0 : i32
        %dma_wait3A_254 = tpu.memref_slice %arg13[%dma_wait3A_252, %dma_wait3A_253] : memref<10240x128xf32, #tpu.memory_space<vmem_shared>> -> memref<10240x128xf32, #tpu.memory_space<vmem_shared>>
        tpu.wait_indirect_dma semaphore(%run_scoped3A_242 : memref<!tpu.dma_semaphore, #tpu.memory_space<semaphore_mem>>) src(%arg12 : memref<128x128xf32, #tpu.memory_space<vmem>>) dst(%dma_wait3A_254 : memref<10240x128xf32, #tpu.memory_space<vmem_shared>>)
        tpu.yield
      }) : () -> ()
      %add3A_136 = arith.constant 2 : i32
      %add3A_137 = arith.addi %add3A_45, %add3A_136 : i32
      %lt3A = arith.cmpi slt, %add3A_137, %select_n3A_2 : i32
      %convert_element_type3A_138 = arith.extui %lt3A : i1 to i32
      %cond3A_139 = arith.constant 0 : i32
      %cond3A_140 = arith.cmpi ne, %convert_element_type3A_138, %cond3A_139 : i32
      scf.if %cond3A_140 {
        %add3A_242 = arith.constant 2 : i32
        %add3A_243 = arith.addi %add3A_45, %add3A_242 : i32
        %mul3A_244 = arith.constant 2 : i32
        %mul3A_245 = arith.muli %add3A_243, %mul3A_244 : i32
        %add3A_246 = arith.addi %select_n3A_13, %mul3A_245 : i32
        %dma_start3A_247 = arith.constant 0 : i32
        %dma_start3A_248 = tpu.memref_slice %arg3[%add3A_246, %dma_start3A_247] : memref<2560x128xi32, #tpu.memory_space<hbm>> -> memref<2x128xi32, #tpu.memory_space<hbm>>
        %dma_start3A_249 = arith.constant 0 : i32
        %dma_start3A_250 = tpu.memref_slice %arg3[%add3A_246, %dma_start3A_249] : memref<2560x128xi32, #tpu.memory_space<hbm>> -> memref<2x128xi32, #tpu.memory_space<hbm>>
        tpu.enqueue_dma source(%dma_start3A_250 : memref<2x128xi32, #tpu.memory_space<hbm>>) target(%arg7 : memref<2x128xi32, #tpu.memory_space<vmem>>) target_semaphore(%arg16 : memref<!tpu.dma_semaphore, #tpu.memory_space<semaphore_mem>>)
        %dma_start3A_251 = arith.constant 0 : i32
        %dma_start3A_252 = tpu.memref_slice %arg4[%add3A_246, %dma_start3A_251] : memref<2560x128xi32, #tpu.memory_space<hbm>> -> memref<2x128xi32, #tpu.memory_space<hbm>>
        %dma_start3A_253 = arith.constant 0 : i32
        %dma_start3A_254 = tpu.memref_slice %arg4[%add3A_246, %dma_start3A_253] : memref<2560x128xi32, #tpu.memory_space<hbm>> -> memref<2x128xi32, #tpu.memory_space<hbm>>
        tpu.enqueue_dma source(%dma_start3A_254 : memref<2x128xi32, #tpu.memory_space<hbm>>) target(%arg9 : memref<2x128xi32, #tpu.memory_space<vmem>>) target_semaphore(%arg16 : memref<!tpu.dma_semaphore, #tpu.memory_space<semaphore_mem>>)
      } else {
      }
      %add3A_141 = arith.constant 1 : i32
      %add3A_142 = arith.addi %add3A_43, %add3A_141 : i32
      %mul3A_143 = arith.constant 2 : i32
      %mul3A_144 = arith.muli %add3A_142, %mul3A_143 : i32
      %add3A_145 = arith.addi %select_n3A_13, %mul3A_144 : i32
      %dma_wait3A_146 = arith.constant 0 : i32
      %dma_wait3A_147 = tpu.memref_slice %arg3[%add3A_145, %dma_wait3A_146] : memref<2560x128xi32, #tpu.memory_space<hbm>> -> memref<2x128xi32, #tpu.memory_space<hbm>>
      %dma_wait3A_148 = arith.constant 0 : i32
      %dma_wait3A_149 = tpu.memref_slice %arg3[%add3A_145, %dma_wait3A_148] : memref<2560x128xi32, #tpu.memory_space<hbm>> -> memref<2x128xi32, #tpu.memory_space<hbm>>
      tpu.wait_dma2 semaphore(%arg17 : memref<!tpu.dma_semaphore, #tpu.memory_space<semaphore_mem>>) src(%dma_wait3A_149 : memref<2x128xi32, #tpu.memory_space<hbm>>) dst(%arg8 : memref<2x128xi32, #tpu.memory_space<vmem>>)
      %dma_wait3A_150 = arith.constant 0 : i32
      %dma_wait3A_151 = tpu.memref_slice %arg4[%add3A_145, %dma_wait3A_150] : memref<2560x128xi32, #tpu.memory_space<hbm>> -> memref<2x128xi32, #tpu.memory_space<hbm>>
      %dma_wait3A_152 = arith.constant 0 : i32
      %dma_wait3A_153 = tpu.memref_slice %arg4[%add3A_145, %dma_wait3A_152] : memref<2560x128xi32, #tpu.memory_space<hbm>> -> memref<2x128xi32, #tpu.memory_space<hbm>>
      tpu.wait_dma2 semaphore(%arg17 : memref<!tpu.dma_semaphore, #tpu.memory_space<semaphore_mem>>) src(%dma_wait3A_153 : memref<2x128xi32, #tpu.memory_space<hbm>>) dst(%arg10 : memref<2x128xi32, #tpu.memory_space<vmem>>)
      %dma_start3A_154 = arith.constant 0 : i32
      %dma_start3A_155 = arith.constant 0 : i32
      %dma_start3A_156 = arith.constant 0 : i32
      %dma_start3A_157 = tpu.memref_slice %arg11[%dma_start3A_155, %dma_start3A_156] : memref<128x128xf32, #tpu.memory_space<vmem>> -> memref<64x128xf32, #tpu.memory_space<vmem>>
      %dma_start3A_158 = arith.constant 0 : i32
      %dma_start3A_159 = tpu.memref_slice %arg8[%dma_start3A_154, %dma_start3A_158] : memref<2x128xi32, #tpu.memory_space<vmem>> -> memref<1x64xi32, #tpu.memory_space<vmem>>
      %dma_start3A_160 = tpu.memref_squeeze %dma_start3A_159 : memref<1x64xi32, #tpu.memory_space<vmem>> -> memref<64xi32, #tpu.memory_space<vmem>>
      %dma_start3A_161 = arith.constant 0 : i32
      %dma_start3A_162 = arith.constant 0 : i32
      %dma_start3A_163 = tpu.memref_slice %arg2[%dma_start3A_161, %dma_start3A_162] : memref<10240x128xf32, #tpu.memory_space<hbm>> -> memref<10240x128xf32, #tpu.memory_space<hbm>>
      tpu.enqueue_indirect_dma source(%dma_start3A_163 : memref<10240x128xf32, #tpu.memory_space<hbm>>) target(%dma_start3A_157 : memref<64x128xf32, #tpu.memory_space<vmem>>) offsets(%dma_start3A_160 : memref<64xi32, #tpu.memory_space<vmem>>) semaphore(%arg14 : memref<!tpu.dma_semaphore, #tpu.memory_space<semaphore_mem>>)
      %dma_start3A_164 = arith.constant 0 : i32
      %dma_start3A_165 = arith.constant 64 : i32
      %dma_start3A_166 = arith.constant 0 : i32
      %dma_start3A_167 = tpu.memref_slice %arg11[%dma_start3A_165, %dma_start3A_166] : memref<128x128xf32, #tpu.memory_space<vmem>> -> memref<64x128xf32, #tpu.memory_space<vmem>>
      %dma_start3A_168 = arith.constant 64 : i32
      %dma_start3A_169 = tpu.memref_slice %arg8[%dma_start3A_164, %dma_start3A_168] : memref<2x128xi32, #tpu.memory_space<vmem>> -> memref<1x64xi32, #tpu.memory_space<vmem>>
      %dma_start3A_170 = tpu.memref_squeeze %dma_start3A_169 : memref<1x64xi32, #tpu.memory_space<vmem>> -> memref<64xi32, #tpu.memory_space<vmem>>
      %dma_start3A_171 = arith.constant 0 : i32
      %dma_start3A_172 = arith.constant 0 : i32
      %dma_start3A_173 = tpu.memref_slice %arg2[%dma_start3A_171, %dma_start3A_172] : memref<10240x128xf32, #tpu.memory_space<hbm>> -> memref<10240x128xf32, #tpu.memory_space<hbm>>
      tpu.enqueue_indirect_dma source(%dma_start3A_173 : memref<10240x128xf32, #tpu.memory_space<hbm>>) target(%dma_start3A_167 : memref<64x128xf32, #tpu.memory_space<vmem>>) offsets(%dma_start3A_170 : memref<64xi32, #tpu.memory_space<vmem>>) semaphore(%arg14 : memref<!tpu.dma_semaphore, #tpu.memory_space<semaphore_mem>>)
      %dma_start3A_174 = arith.constant 1 : i32
      %dma_start3A_175 = arith.constant 0 : i32
      %dma_start3A_176 = arith.constant 0 : i32
      %dma_start3A_177 = tpu.memref_slice %arg12[%dma_start3A_175, %dma_start3A_176] : memref<128x128xf32, #tpu.memory_space<vmem>> -> memref<64x128xf32, #tpu.memory_space<vmem>>
      %dma_start3A_178 = arith.constant 0 : i32
      %dma_start3A_179 = tpu.memref_slice %arg8[%dma_start3A_174, %dma_start3A_178] : memref<2x128xi32, #tpu.memory_space<vmem>> -> memref<1x64xi32, #tpu.memory_space<vmem>>
      %dma_start3A_180 = tpu.memref_squeeze %dma_start3A_179 : memref<1x64xi32, #tpu.memory_space<vmem>> -> memref<64xi32, #tpu.memory_space<vmem>>
      %dma_start3A_181 = arith.constant 0 : i32
      %dma_start3A_182 = arith.constant 0 : i32
      %dma_start3A_183 = tpu.memref_slice %arg2[%dma_start3A_181, %dma_start3A_182] : memref<10240x128xf32, #tpu.memory_space<hbm>> -> memref<10240x128xf32, #tpu.memory_space<hbm>>
      tpu.enqueue_indirect_dma source(%dma_start3A_183 : memref<10240x128xf32, #tpu.memory_space<hbm>>) target(%dma_start3A_177 : memref<64x128xf32, #tpu.memory_space<vmem>>) offsets(%dma_start3A_180 : memref<64xi32, #tpu.memory_space<vmem>>) semaphore(%arg15 : memref<!tpu.dma_semaphore, #tpu.memory_space<semaphore_mem>>)
      %dma_start3A_184 = arith.constant 1 : i32
      %dma_start3A_185 = arith.constant 64 : i32
      %dma_start3A_186 = arith.constant 0 : i32
      %dma_start3A_187 = tpu.memref_slice %arg12[%dma_start3A_185, %dma_start3A_186] : memref<128x128xf32, #tpu.memory_space<vmem>> -> memref<64x128xf32, #tpu.memory_space<vmem>>
      %dma_start3A_188 = arith.constant 64 : i32
      %dma_start3A_189 = tpu.memref_slice %arg8[%dma_start3A_184, %dma_start3A_188] : memref<2x128xi32, #tpu.memory_space<vmem>> -> memref<1x64xi32, #tpu.memory_space<vmem>>
      %dma_start3A_190 = tpu.memref_squeeze %dma_start3A_189 : memref<1x64xi32, #tpu.memory_space<vmem>> -> memref<64xi32, #tpu.memory_space<vmem>>
      %dma_start3A_191 = arith.constant 0 : i32
      %dma_start3A_192 = arith.constant 0 : i32
      %dma_start3A_193 = tpu.memref_slice %arg2[%dma_start3A_191, %dma_start3A_192] : memref<10240x128xf32, #tpu.memory_space<hbm>> -> memref<10240x128xf32, #tpu.memory_space<hbm>>
      tpu.enqueue_indirect_dma source(%dma_start3A_193 : memref<10240x128xf32, #tpu.memory_space<hbm>>) target(%dma_start3A_187 : memref<64x128xf32, #tpu.memory_space<vmem>>) offsets(%dma_start3A_190 : memref<64xi32, #tpu.memory_space<vmem>>) semaphore(%arg15 : memref<!tpu.dma_semaphore, #tpu.memory_space<semaphore_mem>>)
      %dma_wait3A_194 = arith.constant 0 : i32
      %dma_wait3A_195 = arith.constant 0 : i32
      %dma_wait3A_196 = arith.constant 0 : i32
      %dma_wait3A_197 = tpu.memref_slice %arg11[%dma_wait3A_195, %dma_wait3A_196] : memref<128x128xf32, #tpu.memory_space<vmem>> -> memref<64x128xf32, #tpu.memory_space<vmem>>
      %dma_wait3A_198 = arith.constant 0 : i32
      %dma_wait3A_199 = tpu.memref_slice %arg8[%dma_wait3A_194, %dma_wait3A_198] : memref<2x128xi32, #tpu.memory_space<vmem>> -> memref<1x64xi32, #tpu.memory_space<vmem>>
      %dma_wait3A_200 = tpu.memref_squeeze %dma_wait3A_199 : memref<1x64xi32, #tpu.memory_space<vmem>> -> memref<64xi32, #tpu.memory_space<vmem>>
      %dma_wait3A_201 = arith.constant 0 : i32
      %dma_wait3A_202 = arith.constant 0 : i32
      %dma_wait3A_203 = tpu.memref_slice %arg2[%dma_wait3A_201, %dma_wait3A_202] : memref<10240x128xf32, #tpu.memory_space<hbm>> -> memref<10240x128xf32, #tpu.memory_space<hbm>>
      tpu.wait_indirect_dma semaphore(%arg14 : memref<!tpu.dma_semaphore, #tpu.memory_space<semaphore_mem>>) src(%dma_wait3A_203 : memref<10240x128xf32, #tpu.memory_space<hbm>>) dst(%dma_wait3A_197 : memref<64x128xf32, #tpu.memory_space<vmem>>)
      %dma_wait3A_204 = arith.constant 0 : i32
      %dma_wait3A_205 = arith.constant 64 : i32
      %dma_wait3A_206 = arith.constant 0 : i32
      %dma_wait3A_207 = tpu.memref_slice %arg11[%dma_wait3A_205, %dma_wait3A_206] : memref<128x128xf32, #tpu.memory_space<vmem>> -> memref<64x128xf32, #tpu.memory_space<vmem>>
      %dma_wait3A_208 = arith.constant 64 : i32
      %dma_wait3A_209 = tpu.memref_slice %arg8[%dma_wait3A_204, %dma_wait3A_208] : memref<2x128xi32, #tpu.memory_space<vmem>> -> memref<1x64xi32, #tpu.memory_space<vmem>>
      %dma_wait3A_210 = tpu.memref_squeeze %dma_wait3A_209 : memref<1x64xi32, #tpu.memory_space<vmem>> -> memref<64xi32, #tpu.memory_space<vmem>>
      %dma_wait3A_211 = arith.constant 0 : i32
      %dma_wait3A_212 = arith.constant 0 : i32
      %dma_wait3A_213 = tpu.memref_slice %arg2[%dma_wait3A_211, %dma_wait3A_212] : memref<10240x128xf32, #tpu.memory_space<hbm>> -> memref<10240x128xf32, #tpu.memory_space<hbm>>
      tpu.wait_indirect_dma semaphore(%arg14 : memref<!tpu.dma_semaphore, #tpu.memory_space<semaphore_mem>>) src(%dma_wait3A_213 : memref<10240x128xf32, #tpu.memory_space<hbm>>) dst(%dma_wait3A_207 : memref<64x128xf32, #tpu.memory_space<vmem>>)
      %run_scoped3A_214 = arith.constant 0 : i32
      "tpu.region"() ({
        %run_scoped3A_242 = tpu.sem_alloc : memref<!tpu.dma_semaphore, #tpu.memory_space<semaphore_mem>>
        %dma_start3A_243 = arith.constant 0 : i32
        %dma_start3A_244 = tpu.memref_slice %arg10[%run_scoped3A_214, %dma_start3A_243] : memref<2x128xi32, #tpu.memory_space<vmem>> -> memref<1x128xi32, #tpu.memory_space<vmem>>
        %dma_start3A_245 = tpu.memref_squeeze %dma_start3A_244 : memref<1x128xi32, #tpu.memory_space<vmem>> -> memref<128xi32, #tpu.memory_space<vmem>>
        %dma_start3A_246 = arith.constant 0 : i32
        %dma_start3A_247 = arith.constant 0 : i32
        %dma_start3A_248 = tpu.memref_slice %arg13[%dma_start3A_246, %dma_start3A_247] : memref<10240x128xf32, #tpu.memory_space<vmem_shared>> -> memref<10240x128xf32, #tpu.memory_space<vmem_shared>>
        tpu.enqueue_indirect_dma source(%arg11 : memref<128x128xf32, #tpu.memory_space<vmem>>) target(%dma_start3A_248 : memref<10240x128xf32, #tpu.memory_space<vmem_shared>>) offsets(%dma_start3A_245 : memref<128xi32, #tpu.memory_space<vmem>>) semaphore(%run_scoped3A_242 : memref<!tpu.dma_semaphore, #tpu.memory_space<semaphore_mem>>) {add = true}
        %dma_wait3A_249 = arith.constant 0 : i32
        %dma_wait3A_250 = tpu.memref_slice %arg10[%run_scoped3A_214, %dma_wait3A_249] : memref<2x128xi32, #tpu.memory_space<vmem>> -> memref<1x128xi32, #tpu.memory_space<vmem>>
        %dma_wait3A_251 = tpu.memref_squeeze %dma_wait3A_250 : memref<1x128xi32, #tpu.memory_space<vmem>> -> memref<128xi32, #tpu.memory_space<vmem>>
        %dma_wait3A_252 = arith.constant 0 : i32
        %dma_wait3A_253 = arith.constant 0 : i32
        %dma_wait3A_254 = tpu.memref_slice %arg13[%dma_wait3A_252, %dma_wait3A_253] : memref<10240x128xf32, #tpu.memory_space<vmem_shared>> -> memref<10240x128xf32, #tpu.memory_space<vmem_shared>>
        tpu.wait_indirect_dma semaphore(%run_scoped3A_242 : memref<!tpu.dma_semaphore, #tpu.memory_space<semaphore_mem>>) src(%arg11 : memref<128x128xf32, #tpu.memory_space<vmem>>) dst(%dma_wait3A_254 : memref<10240x128xf32, #tpu.memory_space<vmem_shared>>)
        tpu.yield
      }) : () -> ()
      %dma_wait3A_215 = arith.constant 1 : i32
      %dma_wait3A_216 = arith.constant 0 : i32
      %dma_wait3A_217 = arith.constant 0 : i32
      %dma_wait3A_218 = tpu.memref_slice %arg12[%dma_wait3A_216, %dma_wait3A_217] : memref<128x128xf32, #tpu.memory_space<vmem>> -> memref<64x128xf32, #tpu.memory_space<vmem>>
      %dma_wait3A_219 = arith.constant 0 : i32
      %dma_wait3A_220 = tpu.memref_slice %arg8[%dma_wait3A_215, %dma_wait3A_219] : memref<2x128xi32, #tpu.memory_space<vmem>> -> memref<1x64xi32, #tpu.memory_space<vmem>>
      %dma_wait3A_221 = tpu.memref_squeeze %dma_wait3A_220 : memref<1x64xi32, #tpu.memory_space<vmem>> -> memref<64xi32, #tpu.memory_space<vmem>>
      %dma_wait3A_222 = arith.constant 0 : i32
      %dma_wait3A_223 = arith.constant 0 : i32
      %dma_wait3A_224 = tpu.memref_slice %arg2[%dma_wait3A_222, %dma_wait3A_223] : memref<10240x128xf32, #tpu.memory_space<hbm>> -> memref<10240x128xf32, #tpu.memory_space<hbm>>
      tpu.wait_indirect_dma semaphore(%arg15 : memref<!tpu.dma_semaphore, #tpu.memory_space<semaphore_mem>>) src(%dma_wait3A_224 : memref<10240x128xf32, #tpu.memory_space<hbm>>) dst(%dma_wait3A_218 : memref<64x128xf32, #tpu.memory_space<vmem>>)
      %dma_wait3A_225 = arith.constant 1 : i32
      %dma_wait3A_226 = arith.constant 64 : i32
      %dma_wait3A_227 = arith.constant 0 : i32
      %dma_wait3A_228 = tpu.memref_slice %arg12[%dma_wait3A_226, %dma_wait3A_227] : memref<128x128xf32, #tpu.memory_space<vmem>> -> memref<64x128xf32, #tpu.memory_space<vmem>>
      %dma_wait3A_229 = arith.constant 64 : i32
      %dma_wait3A_230 = tpu.memref_slice %arg8[%dma_wait3A_225, %dma_wait3A_229] : memref<2x128xi32, #tpu.memory_space<vmem>> -> memref<1x64xi32, #tpu.memory_space<vmem>>
      %dma_wait3A_231 = tpu.memref_squeeze %dma_wait3A_230 : memref<1x64xi32, #tpu.memory_space<vmem>> -> memref<64xi32, #tpu.memory_space<vmem>>
      %dma_wait3A_232 = arith.constant 0 : i32
      %dma_wait3A_233 = arith.constant 0 : i32
      %dma_wait3A_234 = tpu.memref_slice %arg2[%dma_wait3A_232, %dma_wait3A_233] : memref<10240x128xf32, #tpu.memory_space<hbm>> -> memref<10240x128xf32, #tpu.memory_space<hbm>>
      tpu.wait_indirect_dma semaphore(%arg15 : memref<!tpu.dma_semaphore, #tpu.memory_space<semaphore_mem>>) src(%dma_wait3A_234 : memref<10240x128xf32, #tpu.memory_space<hbm>>) dst(%dma_wait3A_228 : memref<64x128xf32, #tpu.memory_space<vmem>>)
      %run_scoped3A_235 = arith.constant 1 : i32
      "tpu.region"() ({
        %run_scoped3A_242 = tpu.sem_alloc : memref<!tpu.dma_semaphore, #tpu.memory_space<semaphore_mem>>
        %dma_start3A_243 = arith.constant 0 : i32
        %dma_start3A_244 = tpu.memref_slice %arg10[%run_scoped3A_235, %dma_start3A_243] : memref<2x128xi32, #tpu.memory_space<vmem>> -> memref<1x128xi32, #tpu.memory_space<vmem>>
        %dma_start3A_245 = tpu.memref_squeeze %dma_start3A_244 : memref<1x128xi32, #tpu.memory_space<vmem>> -> memref<128xi32, #tpu.memory_space<vmem>>
        %dma_start3A_246 = arith.constant 0 : i32
        %dma_start3A_247 = arith.constant 0 : i32
        %dma_start3A_248 = tpu.memref_slice %arg13[%dma_start3A_246, %dma_start3A_247] : memref<10240x128xf32, #tpu.memory_space<vmem_shared>> -> memref<10240x128xf32, #tpu.memory_space<vmem_shared>>
        tpu.enqueue_indirect_dma source(%arg12 : memref<128x128xf32, #tpu.memory_space<vmem>>) target(%dma_start3A_248 : memref<10240x128xf32, #tpu.memory_space<vmem_shared>>) offsets(%dma_start3A_245 : memref<128xi32, #tpu.memory_space<vmem>>) semaphore(%run_scoped3A_242 : memref<!tpu.dma_semaphore, #tpu.memory_space<semaphore_mem>>) {add = true}
        %dma_wait3A_249 = arith.constant 0 : i32
        %dma_wait3A_250 = tpu.memref_slice %arg10[%run_scoped3A_235, %dma_wait3A_249] : memref<2x128xi32, #tpu.memory_space<vmem>> -> memref<1x128xi32, #tpu.memory_space<vmem>>
        %dma_wait3A_251 = tpu.memref_squeeze %dma_wait3A_250 : memref<1x128xi32, #tpu.memory_space<vmem>> -> memref<128xi32, #tpu.memory_space<vmem>>
        %dma_wait3A_252 = arith.constant 0 : i32
        %dma_wait3A_253 = arith.constant 0 : i32
        %dma_wait3A_254 = tpu.memref_slice %arg13[%dma_wait3A_252, %dma_wait3A_253] : memref<10240x128xf32, #tpu.memory_space<vmem_shared>> -> memref<10240x128xf32, #tpu.memory_space<vmem_shared>>
        tpu.wait_indirect_dma semaphore(%run_scoped3A_242 : memref<!tpu.dma_semaphore, #tpu.memory_space<semaphore_mem>>) src(%arg12 : memref<128x128xf32, #tpu.memory_space<vmem>>) dst(%dma_wait3A_254 : memref<10240x128xf32, #tpu.memory_space<vmem_shared>>)
        tpu.yield
      }) : () -> ()
      %add3A_236 = arith.constant 2 : i32
      %add3A_237 = arith.addi %add3A_142, %add3A_236 : i32
      %lt3A_238 = arith.cmpi slt, %add3A_237, %select_n3A_2 : i32
      %convert_element_type3A_239 = arith.extui %lt3A_238 : i1 to i32
      %cond3A_240 = arith.constant 0 : i32
      %cond3A_241 = arith.cmpi ne, %convert_element_type3A_239, %cond3A_240 : i32
      scf.if %cond3A_241 {
        %add3A_242 = arith.constant 2 : i32
        %add3A_243 = arith.addi %add3A_142, %add3A_242 : i32
        %mul3A_244 = arith.constant 2 : i32
        %mul3A_245 = arith.muli %add3A_243, %mul3A_244 : i32
        %add3A_246 = arith.addi %select_n3A_13, %mul3A_245 : i32
        %dma_start3A_247 = arith.constant 0 : i32
        %dma_start3A_248 = tpu.memref_slice %arg3[%add3A_246, %dma_start3A_247] : memref<2560x128xi32, #tpu.memory_space<hbm>> -> memref<2x128xi32, #tpu.memory_space<hbm>>
        %dma_start3A_249 = arith.constant 0 : i32
        %dma_start3A_250 = tpu.memref_slice %arg3[%add3A_246, %dma_start3A_249] : memref<2560x128xi32, #tpu.memory_space<hbm>> -> memref<2x128xi32, #tpu.memory_space<hbm>>
        tpu.enqueue_dma source(%dma_start3A_250 : memref<2x128xi32, #tpu.memory_space<hbm>>) target(%arg8 : memref<2x128xi32, #tpu.memory_space<vmem>>) target_semaphore(%arg17 : memref<!tpu.dma_semaphore, #tpu.memory_space<semaphore_mem>>)
        %dma_start3A_251 = arith.constant 0 : i32
        %dma_start3A_252 = tpu.memref_slice %arg4[%add3A_246, %dma_start3A_251] : memref<2560x128xi32, #tpu.memory_space<hbm>> -> memref<2x128xi32, #tpu.memory_space<hbm>>
        %dma_start3A_253 = arith.constant 0 : i32
        %dma_start3A_254 = tpu.memref_slice %arg4[%add3A_246, %dma_start3A_253] : memref<2560x128xi32, #tpu.memory_space<hbm>> -> memref<2x128xi32, #tpu.memory_space<hbm>>
        tpu.enqueue_dma source(%dma_start3A_254 : memref<2x128xi32, #tpu.memory_space<hbm>>) target(%arg10 : memref<2x128xi32, #tpu.memory_space<vmem>>) target_semaphore(%arg17 : memref<!tpu.dma_semaphore, #tpu.memory_space<semaphore_mem>>)
      } else {
      }
    }
    %while3A_35 = arith.constant 1 : i32
    scf.for %while3A_41 = %while3A_33 to %while3A_29 step %while3A_35  : i32 {
      %mul3A_42 = arith.muli %while3A_41, %while3A : i32
      %add3A_43 = arith.addi %while3A_26, %mul3A_42 : i32
      %add3A_44 = arith.constant 0 : i32
      %add3A_45 = arith.addi %add3A_43, %add3A_44 : i32
      %mul3A_46 = arith.constant 2 : i32
      %mul3A_47 = arith.muli %add3A_45, %mul3A_46 : i32
      %add3A_48 = arith.addi %select_n3A_13, %mul3A_47 : i32
      %dma_wait3A = arith.constant 0 : i32
      %dma_wait3A_49 = tpu.memref_slice %arg3[%add3A_48, %dma_wait3A] : memref<2560x128xi32, #tpu.memory_space<hbm>> -> memref<2x128xi32, #tpu.memory_space<hbm>>
      %dma_wait3A_50 = arith.constant 0 : i32
      %dma_wait3A_51 = tpu.memref_slice %arg3[%add3A_48, %dma_wait3A_50] : memref<2560x128xi32, #tpu.memory_space<hbm>> -> memref<2x128xi32, #tpu.memory_space<hbm>>
      tpu.wait_dma2 semaphore(%arg16 : memref<!tpu.dma_semaphore, #tpu.memory_space<semaphore_mem>>) src(%dma_wait3A_51 : memref<2x128xi32, #tpu.memory_space<hbm>>) dst(%arg7 : memref<2x128xi32, #tpu.memory_space<vmem>>)
      %dma_wait3A_52 = arith.constant 0 : i32
      %dma_wait3A_53 = tpu.memref_slice %arg4[%add3A_48, %dma_wait3A_52] : memref<2560x128xi32, #tpu.memory_space<hbm>> -> memref<2x128xi32, #tpu.memory_space<hbm>>
      %dma_wait3A_54 = arith.constant 0 : i32
      %dma_wait3A_55 = tpu.memref_slice %arg4[%add3A_48, %dma_wait3A_54] : memref<2560x128xi32, #tpu.memory_space<hbm>> -> memref<2x128xi32, #tpu.memory_space<hbm>>
      tpu.wait_dma2 semaphore(%arg16 : memref<!tpu.dma_semaphore, #tpu.memory_space<semaphore_mem>>) src(%dma_wait3A_55 : memref<2x128xi32, #tpu.memory_space<hbm>>) dst(%arg9 : memref<2x128xi32, #tpu.memory_space<vmem>>)
      %dma_start3A = arith.constant 0 : i32
      %dma_start3A_56 = arith.constant 0 : i32
      %dma_start3A_57 = arith.constant 0 : i32
      %dma_start3A_58 = tpu.memref_slice %arg11[%dma_start3A_56, %dma_start3A_57] : memref<128x128xf32, #tpu.memory_space<vmem>> -> memref<64x128xf32, #tpu.memory_space<vmem>>
      %dma_start3A_59 = arith.constant 0 : i32
      %dma_start3A_60 = tpu.memref_slice %arg7[%dma_start3A, %dma_start3A_59] : memref<2x128xi32, #tpu.memory_space<vmem>> -> memref<1x64xi32, #tpu.memory_space<vmem>>
      %dma_start3A_61 = tpu.memref_squeeze %dma_start3A_60 : memref<1x64xi32, #tpu.memory_space<vmem>> -> memref<64xi32, #tpu.memory_space<vmem>>
      %dma_start3A_62 = arith.constant 0 : i32
      %dma_start3A_63 = arith.constant 0 : i32
      %dma_start3A_64 = tpu.memref_slice %arg2[%dma_start3A_62, %dma_start3A_63] : memref<10240x128xf32, #tpu.memory_space<hbm>> -> memref<10240x128xf32, #tpu.memory_space<hbm>>
      tpu.enqueue_indirect_dma source(%dma_start3A_64 : memref<10240x128xf32, #tpu.memory_space<hbm>>) target(%dma_start3A_58 : memref<64x128xf32, #tpu.memory_space<vmem>>) offsets(%dma_start3A_61 : memref<64xi32, #tpu.memory_space<vmem>>) semaphore(%arg14 : memref<!tpu.dma_semaphore, #tpu.memory_space<semaphore_mem>>)
      %dma_start3A_65 = arith.constant 0 : i32
      %dma_start3A_66 = arith.constant 64 : i32
      %dma_start3A_67 = arith.constant 0 : i32
      %dma_start3A_68 = tpu.memref_slice %arg11[%dma_start3A_66, %dma_start3A_67] : memref<128x128xf32, #tpu.memory_space<vmem>> -> memref<64x128xf32, #tpu.memory_space<vmem>>
      %dma_start3A_69 = arith.constant 64 : i32
      %dma_start3A_70 = tpu.memref_slice %arg7[%dma_start3A_65, %dma_start3A_69] : memref<2x128xi32, #tpu.memory_space<vmem>> -> memref<1x64xi32, #tpu.memory_space<vmem>>
      %dma_start3A_71 = tpu.memref_squeeze %dma_start3A_70 : memref<1x64xi32, #tpu.memory_space<vmem>> -> memref<64xi32, #tpu.memory_space<vmem>>
      %dma_start3A_72 = arith.constant 0 : i32
      %dma_start3A_73 = arith.constant 0 : i32
      %dma_start3A_74 = tpu.memref_slice %arg2[%dma_start3A_72, %dma_start3A_73] : memref<10240x128xf32, #tpu.memory_space<hbm>> -> memref<10240x128xf32, #tpu.memory_space<hbm>>
      tpu.enqueue_indirect_dma source(%dma_start3A_74 : memref<10240x128xf32, #tpu.memory_space<hbm>>) target(%dma_start3A_68 : memref<64x128xf32, #tpu.memory_space<vmem>>) offsets(%dma_start3A_71 : memref<64xi32, #tpu.memory_space<vmem>>) semaphore(%arg14 : memref<!tpu.dma_semaphore, #tpu.memory_space<semaphore_mem>>)
      %dma_start3A_75 = arith.constant 1 : i32
      %dma_start3A_76 = arith.constant 0 : i32
      %dma_start3A_77 = arith.constant 0 : i32
      %dma_start3A_78 = tpu.memref_slice %arg12[%dma_start3A_76, %dma_start3A_77] : memref<128x128xf32, #tpu.memory_space<vmem>> -> memref<64x128xf32, #tpu.memory_space<vmem>>
      %dma_start3A_79 = arith.constant 0 : i32
      %dma_start3A_80 = tpu.memref_slice %arg7[%dma_start3A_75, %dma_start3A_79] : memref<2x128xi32, #tpu.memory_space<vmem>> -> memref<1x64xi32, #tpu.memory_space<vmem>>
      %dma_start3A_81 = tpu.memref_squeeze %dma_start3A_80 : memref<1x64xi32, #tpu.memory_space<vmem>> -> memref<64xi32, #tpu.memory_space<vmem>>
      %dma_start3A_82 = arith.constant 0 : i32
      %dma_start3A_83 = arith.constant 0 : i32
      %dma_start3A_84 = tpu.memref_slice %arg2[%dma_start3A_82, %dma_start3A_83] : memref<10240x128xf32, #tpu.memory_space<hbm>> -> memref<10240x128xf32, #tpu.memory_space<hbm>>
      tpu.enqueue_indirect_dma source(%dma_start3A_84 : memref<10240x128xf32, #tpu.memory_space<hbm>>) target(%dma_start3A_78 : memref<64x128xf32, #tpu.memory_space<vmem>>) offsets(%dma_start3A_81 : memref<64xi32, #tpu.memory_space<vmem>>) semaphore(%arg15 : memref<!tpu.dma_semaphore, #tpu.memory_space<semaphore_mem>>)
      %dma_start3A_85 = arith.constant 1 : i32
      %dma_start3A_86 = arith.constant 64 : i32
      %dma_start3A_87 = arith.constant 0 : i32
      %dma_start3A_88 = tpu.memref_slice %arg12[%dma_start3A_86, %dma_start3A_87] : memref<128x128xf32, #tpu.memory_space<vmem>> -> memref<64x128xf32, #tpu.memory_space<vmem>>
      %dma_start3A_89 = arith.constant 64 : i32
      %dma_start3A_90 = tpu.memref_slice %arg7[%dma_start3A_85, %dma_start3A_89] : memref<2x128xi32, #tpu.memory_space<vmem>> -> memref<1x64xi32, #tpu.memory_space<vmem>>
      %dma_start3A_91 = tpu.memref_squeeze %dma_start3A_90 : memref<1x64xi32, #tpu.memory_space<vmem>> -> memref<64xi32, #tpu.memory_space<vmem>>
      %dma_start3A_92 = arith.constant 0 : i32
      %dma_start3A_93 = arith.constant 0 : i32
      %dma_start3A_94 = tpu.memref_slice %arg2[%dma_start3A_92, %dma_start3A_93] : memref<10240x128xf32, #tpu.memory_space<hbm>> -> memref<10240x128xf32, #tpu.memory_space<hbm>>
      tpu.enqueue_indirect_dma source(%dma_start3A_94 : memref<10240x128xf32, #tpu.memory_space<hbm>>) target(%dma_start3A_88 : memref<64x128xf32, #tpu.memory_space<vmem>>) offsets(%dma_start3A_91 : memref<64xi32, #tpu.memory_space<vmem>>) semaphore(%arg15 : memref<!tpu.dma_semaphore, #tpu.memory_space<semaphore_mem>>)
      %dma_wait3A_95 = arith.constant 0 : i32
      %dma_wait3A_96 = arith.constant 0 : i32
      %dma_wait3A_97 = arith.constant 0 : i32
      %dma_wait3A_98 = tpu.memref_slice %arg11[%dma_wait3A_96, %dma_wait3A_97] : memref<128x128xf32, #tpu.memory_space<vmem>> -> memref<64x128xf32, #tpu.memory_space<vmem>>
      %dma_wait3A_99 = arith.constant 0 : i32
      %dma_wait3A_100 = tpu.memref_slice %arg7[%dma_wait3A_95, %dma_wait3A_99] : memref<2x128xi32, #tpu.memory_space<vmem>> -> memref<1x64xi32, #tpu.memory_space<vmem>>
      %dma_wait3A_101 = tpu.memref_squeeze %dma_wait3A_100 : memref<1x64xi32, #tpu.memory_space<vmem>> -> memref<64xi32, #tpu.memory_space<vmem>>
      %dma_wait3A_102 = arith.constant 0 : i32
      %dma_wait3A_103 = arith.constant 0 : i32
      %dma_wait3A_104 = tpu.memref_slice %arg2[%dma_wait3A_102, %dma_wait3A_103] : memref<10240x128xf32, #tpu.memory_space<hbm>> -> memref<10240x128xf32, #tpu.memory_space<hbm>>
      tpu.wait_indirect_dma semaphore(%arg14 : memref<!tpu.dma_semaphore, #tpu.memory_space<semaphore_mem>>) src(%dma_wait3A_104 : memref<10240x128xf32, #tpu.memory_space<hbm>>) dst(%dma_wait3A_98 : memref<64x128xf32, #tpu.memory_space<vmem>>)
      %dma_wait3A_105 = arith.constant 0 : i32
      %dma_wait3A_106 = arith.constant 64 : i32
      %dma_wait3A_107 = arith.constant 0 : i32
      %dma_wait3A_108 = tpu.memref_slice %arg11[%dma_wait3A_106, %dma_wait3A_107] : memref<128x128xf32, #tpu.memory_space<vmem>> -> memref<64x128xf32, #tpu.memory_space<vmem>>
      %dma_wait3A_109 = arith.constant 64 : i32
      %dma_wait3A_110 = tpu.memref_slice %arg7[%dma_wait3A_105, %dma_wait3A_109] : memref<2x128xi32, #tpu.memory_space<vmem>> -> memref<1x64xi32, #tpu.memory_space<vmem>>
      %dma_wait3A_111 = tpu.memref_squeeze %dma_wait3A_110 : memref<1x64xi32, #tpu.memory_space<vmem>> -> memref<64xi32, #tpu.memory_space<vmem>>
      %dma_wait3A_112 = arith.constant 0 : i32
      %dma_wait3A_113 = arith.constant 0 : i32
      %dma_wait3A_114 = tpu.memref_slice %arg2[%dma_wait3A_112, %dma_wait3A_113] : memref<10240x128xf32, #tpu.memory_space<hbm>> -> memref<10240x128xf32, #tpu.memory_space<hbm>>
      tpu.wait_indirect_dma semaphore(%arg14 : memref<!tpu.dma_semaphore, #tpu.memory_space<semaphore_mem>>) src(%dma_wait3A_114 : memref<10240x128xf32, #tpu.memory_space<hbm>>) dst(%dma_wait3A_108 : memref<64x128xf32, #tpu.memory_space<vmem>>)
      %run_scoped3A = arith.constant 0 : i32
      "tpu.region"() ({
        %run_scoped3A_242 = tpu.sem_alloc : memref<!tpu.dma_semaphore, #tpu.memory_space<semaphore_mem>>
        %dma_start3A_243 = arith.constant 0 : i32
        %dma_start3A_244 = tpu.memref_slice %arg9[%run_scoped3A, %dma_start3A_243] : memref<2x128xi32, #tpu.memory_space<vmem>> -> memref<1x128xi32, #tpu.memory_space<vmem>>
        %dma_start3A_245 = tpu.memref_squeeze %dma_start3A_244 : memref<1x128xi32, #tpu.memory_space<vmem>> -> memref<128xi32, #tpu.memory_space<vmem>>
        %dma_start3A_246 = arith.constant 0 : i32
        %dma_start3A_247 = arith.constant 0 : i32
        %dma_start3A_248 = tpu.memref_slice %arg13[%dma_start3A_246, %dma_start3A_247] : memref<10240x128xf32, #tpu.memory_space<vmem_shared>> -> memref<10240x128xf32, #tpu.memory_space<vmem_shared>>
        tpu.enqueue_indirect_dma source(%arg11 : memref<128x128xf32, #tpu.memory_space<vmem>>) target(%dma_start3A_248 : memref<10240x128xf32, #tpu.memory_space<vmem_shared>>) offsets(%dma_start3A_245 : memref<128xi32, #tpu.memory_space<vmem>>) semaphore(%run_scoped3A_242 : memref<!tpu.dma_semaphore, #tpu.memory_space<semaphore_mem>>) {add = true}
        %dma_wait3A_249 = arith.constant 0 : i32
        %dma_wait3A_250 = tpu.memref_slice %arg9[%run_scoped3A, %dma_wait3A_249] : memref<2x128xi32, #tpu.memory_space<vmem>> -> memref<1x128xi32, #tpu.memory_space<vmem>>
        %dma_wait3A_251 = tpu.memref_squeeze %dma_wait3A_250 : memref<1x128xi32, #tpu.memory_space<vmem>> -> memref<128xi32, #tpu.memory_space<vmem>>
        %dma_wait3A_252 = arith.constant 0 : i32
        %dma_wait3A_253 = arith.constant 0 : i32
        %dma_wait3A_254 = tpu.memref_slice %arg13[%dma_wait3A_252, %dma_wait3A_253] : memref<10240x128xf32, #tpu.memory_space<vmem_shared>> -> memref<10240x128xf32, #tpu.memory_space<vmem_shared>>
        tpu.wait_indirect_dma semaphore(%run_scoped3A_242 : memref<!tpu.dma_semaphore, #tpu.memory_space<semaphore_mem>>) src(%arg11 : memref<128x128xf32, #tpu.memory_space<vmem>>) dst(%dma_wait3A_254 : memref<10240x128xf32, #tpu.memory_space<vmem_shared>>)
        tpu.yield
      }) : () -> ()
      %dma_wait3A_115 = arith.constant 1 : i32
      %dma_wait3A_116 = arith.constant 0 : i32
      %dma_wait3A_117 = arith.constant 0 : i32
      %dma_wait3A_118 = tpu.memref_slice %arg12[%dma_wait3A_116, %dma_wait3A_117] : memref<128x128xf32, #tpu.memory_space<vmem>> -> memref<64x128xf32, #tpu.memory_space<vmem>>
      %dma_wait3A_119 = arith.constant 0 : i32
      %dma_wait3A_120 = tpu.memref_slice %arg7[%dma_wait3A_115, %dma_wait3A_119] : memref<2x128xi32, #tpu.memory_space<vmem>> -> memref<1x64xi32, #tpu.memory_space<vmem>>
      %dma_wait3A_121 = tpu.memref_squeeze %dma_wait3A_120 : memref<1x64xi32, #tpu.memory_space<vmem>> -> memref<64xi32, #tpu.memory_space<vmem>>
      %dma_wait3A_122 = arith.constant 0 : i32
      %dma_wait3A_123 = arith.constant 0 : i32
      %dma_wait3A_124 = tpu.memref_slice %arg2[%dma_wait3A_122, %dma_wait3A_123] : memref<10240x128xf32, #tpu.memory_space<hbm>> -> memref<10240x128xf32, #tpu.memory_space<hbm>>
      tpu.wait_indirect_dma semaphore(%arg15 : memref<!tpu.dma_semaphore, #tpu.memory_space<semaphore_mem>>) src(%dma_wait3A_124 : memref<10240x128xf32, #tpu.memory_space<hbm>>) dst(%dma_wait3A_118 : memref<64x128xf32, #tpu.memory_space<vmem>>)
      %dma_wait3A_125 = arith.constant 1 : i32
      %dma_wait3A_126 = arith.constant 64 : i32
      %dma_wait3A_127 = arith.constant 0 : i32
      %dma_wait3A_128 = tpu.memref_slice %arg12[%dma_wait3A_126, %dma_wait3A_127] : memref<128x128xf32, #tpu.memory_space<vmem>> -> memref<64x128xf32, #tpu.memory_space<vmem>>
      %dma_wait3A_129 = arith.constant 64 : i32
      %dma_wait3A_130 = tpu.memref_slice %arg7[%dma_wait3A_125, %dma_wait3A_129] : memref<2x128xi32, #tpu.memory_space<vmem>> -> memref<1x64xi32, #tpu.memory_space<vmem>>
      %dma_wait3A_131 = tpu.memref_squeeze %dma_wait3A_130 : memref<1x64xi32, #tpu.memory_space<vmem>> -> memref<64xi32, #tpu.memory_space<vmem>>
      %dma_wait3A_132 = arith.constant 0 : i32
      %dma_wait3A_133 = arith.constant 0 : i32
      %dma_wait3A_134 = tpu.memref_slice %arg2[%dma_wait3A_132, %dma_wait3A_133] : memref<10240x128xf32, #tpu.memory_space<hbm>> -> memref<10240x128xf32, #tpu.memory_space<hbm>>
      tpu.wait_indirect_dma semaphore(%arg15 : memref<!tpu.dma_semaphore, #tpu.memory_space<semaphore_mem>>) src(%dma_wait3A_134 : memref<10240x128xf32, #tpu.memory_space<hbm>>) dst(%dma_wait3A_128 : memref<64x128xf32, #tpu.memory_space<vmem>>)
      %run_scoped3A_135 = arith.constant 1 : i32
      "tpu.region"() ({
        %run_scoped3A_242 = tpu.sem_alloc : memref<!tpu.dma_semaphore, #tpu.memory_space<semaphore_mem>>
        %dma_start3A_243 = arith.constant 0 : i32
        %dma_start3A_244 = tpu.memref_slice %arg9[%run_scoped3A_135, %dma_start3A_243] : memref<2x128xi32, #tpu.memory_space<vmem>> -> memref<1x128xi32, #tpu.memory_space<vmem>>
        %dma_start3A_245 = tpu.memref_squeeze %dma_start3A_244 : memref<1x128xi32, #tpu.memory_space<vmem>> -> memref<128xi32, #tpu.memory_space<vmem>>
        %dma_start3A_246 = arith.constant 0 : i32
        %dma_start3A_247 = arith.constant 0 : i32
        %dma_start3A_248 = tpu.memref_slice %arg13[%dma_start3A_246, %dma_start3A_247] : memref<10240x128xf32, #tpu.memory_space<vmem_shared>> -> memref<10240x128xf32, #tpu.memory_space<vmem_shared>>
        tpu.enqueue_indirect_dma source(%arg12 : memref<128x128xf32, #tpu.memory_space<vmem>>) target(%dma_start3A_248 : memref<10240x128xf32, #tpu.memory_space<vmem_shared>>) offsets(%dma_start3A_245 : memref<128xi32, #tpu.memory_space<vmem>>) semaphore(%run_scoped3A_242 : memref<!tpu.dma_semaphore, #tpu.memory_space<semaphore_mem>>) {add = true}
        %dma_wait3A_249 = arith.constant 0 : i32
        %dma_wait3A_250 = tpu.memref_slice %arg9[%run_scoped3A_135, %dma_wait3A_249] : memref<2x128xi32, #tpu.memory_space<vmem>> -> memref<1x128xi32, #tpu.memory_space<vmem>>
        %dma_wait3A_251 = tpu.memref_squeeze %dma_wait3A_250 : memref<1x128xi32, #tpu.memory_space<vmem>> -> memref<128xi32, #tpu.memory_space<vmem>>
        %dma_wait3A_252 = arith.constant 0 : i32
        %dma_wait3A_253 = arith.constant 0 : i32
        %dma_wait3A_254 = tpu.memref_slice %arg13[%dma_wait3A_252, %dma_wait3A_253] : memref<10240x128xf32, #tpu.memory_space<vmem_shared>> -> memref<10240x128xf32, #tpu.memory_space<vmem_shared>>
        tpu.wait_indirect_dma semaphore(%run_scoped3A_242 : memref<!tpu.dma_semaphore, #tpu.memory_space<semaphore_mem>>) src(%arg12 : memref<128x128xf32, #tpu.memory_space<vmem>>) dst(%dma_wait3A_254 : memref<10240x128xf32, #tpu.memory_space<vmem_shared>>)
        tpu.yield
      }) : () -> ()
      %add3A_136 = arith.constant 2 : i32
      %add3A_137 = arith.addi %add3A_45, %add3A_136 : i32
      %lt3A = arith.cmpi slt, %add3A_137, %select_n3A_2 : i32
      %convert_element_type3A_138 = arith.extui %lt3A : i1 to i32
      %cond3A_139 = arith.constant 0 : i32
      %cond3A_140 = arith.cmpi ne, %convert_element_type3A_138, %cond3A_139 : i32
      scf.if %cond3A_140 {
        %add3A_242 = arith.constant 2 : i32
        %add3A_243 = arith.addi %add3A_45, %add3A_242 : i32
        %mul3A_244 = arith.constant 2 : i32
        %mul3A_245 = arith.muli %add3A_243, %mul3A_244 : i32
        %add3A_246 = arith.addi %select_n3A_13, %mul3A_245 : i32
        %dma_start3A_247 = arith.constant 0 : i32
        %dma_start3A_248 = tpu.memref_slice %arg3[%add3A_246, %dma_start3A_247] : memref<2560x128xi32, #tpu.memory_space<hbm>> -> memref<2x128xi32, #tpu.memory_space<hbm>>
        %dma_start3A_249 = arith.constant 0 : i32
        %dma_start3A_250 = tpu.memref_slice %arg3[%add3A_246, %dma_start3A_249] : memref<2560x128xi32, #tpu.memory_space<hbm>> -> memref<2x128xi32, #tpu.memory_space<hbm>>
        tpu.enqueue_dma source(%dma_start3A_250 : memref<2x128xi32, #tpu.memory_space<hbm>>) target(%arg7 : memref<2x128xi32, #tpu.memory_space<vmem>>) target_semaphore(%arg16 : memref<!tpu.dma_semaphore, #tpu.memory_space<semaphore_mem>>)
        %dma_start3A_251 = arith.constant 0 : i32
        %dma_start3A_252 = tpu.memref_slice %arg4[%add3A_246, %dma_start3A_251] : memref<2560x128xi32, #tpu.memory_space<hbm>> -> memref<2x128xi32, #tpu.memory_space<hbm>>
        %dma_start3A_253 = arith.constant 0 : i32
        %dma_start3A_254 = tpu.memref_slice %arg4[%add3A_246, %dma_start3A_253] : memref<2560x128xi32, #tpu.memory_space<hbm>> -> memref<2x128xi32, #tpu.memory_space<hbm>>
        tpu.enqueue_dma source(%dma_start3A_254 : memref<2x128xi32, #tpu.memory_space<hbm>>) target(%arg9 : memref<2x128xi32, #tpu.memory_space<vmem>>) target_semaphore(%arg16 : memref<!tpu.dma_semaphore, #tpu.memory_space<semaphore_mem>>)
      } else {
      }
      %add3A_141 = arith.constant 1 : i32
      %add3A_142 = arith.addi %add3A_43, %add3A_141 : i32
      %mul3A_143 = arith.constant 2 : i32
      %mul3A_144 = arith.muli %add3A_142, %mul3A_143 : i32
      %add3A_145 = arith.addi %select_n3A_13, %mul3A_144 : i32
      %dma_wait3A_146 = arith.constant 0 : i32
      %dma_wait3A_147 = tpu.memref_slice %arg3[%add3A_145, %dma_wait3A_146] : memref<2560x128xi32, #tpu.memory_space<hbm>> -> memref<2x128xi32, #tpu.memory_space<hbm>>
      %dma_wait3A_148 = arith.constant 0 : i32
      %dma_wait3A_149 = tpu.memref_slice %arg3[%add3A_145, %dma_wait3A_148] : memref<2560x128xi32, #tpu.memory_space<hbm>> -> memref<2x128xi32, #tpu.memory_space<hbm>>
      tpu.wait_dma2 semaphore(%arg17 : memref<!tpu.dma_semaphore, #tpu.memory_space<semaphore_mem>>) src(%dma_wait3A_149 : memref<2x128xi32, #tpu.memory_space<hbm>>) dst(%arg8 : memref<2x128xi32, #tpu.memory_space<vmem>>)
      %dma_wait3A_150 = arith.constant 0 : i32
      %dma_wait3A_151 = tpu.memref_slice %arg4[%add3A_145, %dma_wait3A_150] : memref<2560x128xi32, #tpu.memory_space<hbm>> -> memref<2x128xi32, #tpu.memory_space<hbm>>
      %dma_wait3A_152 = arith.constant 0 : i32
      %dma_wait3A_153 = tpu.memref_slice %arg4[%add3A_145, %dma_wait3A_152] : memref<2560x128xi32, #tpu.memory_space<hbm>> -> memref<2x128xi32, #tpu.memory_space<hbm>>
      tpu.wait_dma2 semaphore(%arg17 : memref<!tpu.dma_semaphore, #tpu.memory_space<semaphore_mem>>) src(%dma_wait3A_153 : memref<2x128xi32, #tpu.memory_space<hbm>>) dst(%arg10 : memref<2x128xi32, #tpu.memory_space<vmem>>)
      %dma_start3A_154 = arith.constant 0 : i32
      %dma_start3A_155 = arith.constant 0 : i32
      %dma_start3A_156 = arith.constant 0 : i32
      %dma_start3A_157 = tpu.memref_slice %arg11[%dma_start3A_155, %dma_start3A_156] : memref<128x128xf32, #tpu.memory_space<vmem>> -> memref<64x128xf32, #tpu.memory_space<vmem>>
      %dma_start3A_158 = arith.constant 0 : i32
      %dma_start3A_159 = tpu.memref_slice %arg8[%dma_start3A_154, %dma_start3A_158] : memref<2x128xi32, #tpu.memory_space<vmem>> -> memref<1x64xi32, #tpu.memory_space<vmem>>
      %dma_start3A_160 = tpu.memref_squeeze %dma_start3A_159 : memref<1x64xi32, #tpu.memory_space<vmem>> -> memref<64xi32, #tpu.memory_space<vmem>>
      %dma_start3A_161 = arith.constant 0 : i32
      %dma_start3A_162 = arith.constant 0 : i32
      %dma_start3A_163 = tpu.memref_slice %arg2[%dma_start3A_161, %dma_start3A_162] : memref<10240x128xf32, #tpu.memory_space<hbm>> -> memref<10240x128xf32, #tpu.memory_space<hbm>>
      tpu.enqueue_indirect_dma source(%dma_start3A_163 : memref<10240x128xf32, #tpu.memory_space<hbm>>) target(%dma_start3A_157 : memref<64x128xf32, #tpu.memory_space<vmem>>) offsets(%dma_start3A_160 : memref<64xi32, #tpu.memory_space<vmem>>) semaphore(%arg14 : memref<!tpu.dma_semaphore, #tpu.memory_space<semaphore_mem>>)
      %dma_start3A_164 = arith.constant 0 : i32
      %dma_start3A_165 = arith.constant 64 : i32
      %dma_start3A_166 = arith.constant 0 : i32
      %dma_start3A_167 = tpu.memref_slice %arg11[%dma_start3A_165, %dma_start3A_166] : memref<128x128xf32, #tpu.memory_space<vmem>> -> memref<64x128xf32, #tpu.memory_space<vmem>>
      %dma_start3A_168 = arith.constant 64 : i32
      %dma_start3A_169 = tpu.memref_slice %arg8[%dma_start3A_164, %dma_start3A_168] : memref<2x128xi32, #tpu.memory_space<vmem>> -> memref<1x64xi32, #tpu.memory_space<vmem>>
      %dma_start3A_170 = tpu.memref_squeeze %dma_start3A_169 : memref<1x64xi32, #tpu.memory_space<vmem>> -> memref<64xi32, #tpu.memory_space<vmem>>
      %dma_start3A_171 = arith.constant 0 : i32
      %dma_start3A_172 = arith.constant 0 : i32
      %dma_start3A_173 = tpu.memref_slice %arg2[%dma_start3A_171, %dma_start3A_172] : memref<10240x128xf32, #tpu.memory_space<hbm>> -> memref<10240x128xf32, #tpu.memory_space<hbm>>
      tpu.enqueue_indirect_dma source(%dma_start3A_173 : memref<10240x128xf32, #tpu.memory_space<hbm>>) target(%dma_start3A_167 : memref<64x128xf32, #tpu.memory_space<vmem>>) offsets(%dma_start3A_170 : memref<64xi32, #tpu.memory_space<vmem>>) semaphore(%arg14 : memref<!tpu.dma_semaphore, #tpu.memory_space<semaphore_mem>>)
      %dma_start3A_174 = arith.constant 1 : i32
      %dma_start3A_175 = arith.constant 0 : i32
      %dma_start3A_176 = arith.constant 0 : i32
      %dma_start3A_177 = tpu.memref_slice %arg12[%dma_start3A_175, %dma_start3A_176] : memref<128x128xf32, #tpu.memory_space<vmem>> -> memref<64x128xf32, #tpu.memory_space<vmem>>
      %dma_start3A_178 = arith.constant 0 : i32
      %dma_start3A_179 = tpu.memref_slice %arg8[%dma_start3A_174, %dma_start3A_178] : memref<2x128xi32, #tpu.memory_space<vmem>> -> memref<1x64xi32, #tpu.memory_space<vmem>>
      %dma_start3A_180 = tpu.memref_squeeze %dma_start3A_179 : memref<1x64xi32, #tpu.memory_space<vmem>> -> memref<64xi32, #tpu.memory_space<vmem>>
      %dma_start3A_181 = arith.constant 0 : i32
      %dma_start3A_182 = arith.constant 0 : i32
      %dma_start3A_183 = tpu.memref_slice %arg2[%dma_start3A_181, %dma_start3A_182] : memref<10240x128xf32, #tpu.memory_space<hbm>> -> memref<10240x128xf32, #tpu.memory_space<hbm>>
      tpu.enqueue_indirect_dma source(%dma_start3A_183 : memref<10240x128xf32, #tpu.memory_space<hbm>>) target(%dma_start3A_177 : memref<64x128xf32, #tpu.memory_space<vmem>>) offsets(%dma_start3A_180 : memref<64xi32, #tpu.memory_space<vmem>>) semaphore(%arg15 : memref<!tpu.dma_semaphore, #tpu.memory_space<semaphore_mem>>)
      %dma_start3A_184 = arith.constant 1 : i32
      %dma_start3A_185 = arith.constant 64 : i32
      %dma_start3A_186 = arith.constant 0 : i32
      %dma_start3A_187 = tpu.memref_slice %arg12[%dma_start3A_185, %dma_start3A_186] : memref<128x128xf32, #tpu.memory_space<vmem>> -> memref<64x128xf32, #tpu.memory_space<vmem>>
      %dma_start3A_188 = arith.constant 64 : i32
      %dma_start3A_189 = tpu.memref_slice %arg8[%dma_start3A_184, %dma_start3A_188] : memref<2x128xi32, #tpu.memory_space<vmem>> -> memref<1x64xi32, #tpu.memory_space<vmem>>
      %dma_start3A_190 = tpu.memref_squeeze %dma_start3A_189 : memref<1x64xi32, #tpu.memory_space<vmem>> -> memref<64xi32, #tpu.memory_space<vmem>>
      %dma_start3A_191 = arith.constant 0 : i32
      %dma_start3A_192 = arith.constant 0 : i32
      %dma_start3A_193 = tpu.memref_slice %arg2[%dma_start3A_191, %dma_start3A_192] : memref<10240x128xf32, #tpu.memory_space<hbm>> -> memref<10240x128xf32, #tpu.memory_space<hbm>>
      tpu.enqueue_indirect_dma source(%dma_start3A_193 : memref<10240x128xf32, #tpu.memory_space<hbm>>) target(%dma_start3A_187 : memref<64x128xf32, #tpu.memory_space<vmem>>) offsets(%dma_start3A_190 : memref<64xi32, #tpu.memory_space<vmem>>) semaphore(%arg15 : memref<!tpu.dma_semaphore, #tpu.memory_space<semaphore_mem>>)
      %dma_wait3A_194 = arith.constant 0 : i32
      %dma_wait3A_195 = arith.constant 0 : i32
      %dma_wait3A_196 = arith.constant 0 : i32
      %dma_wait3A_197 = tpu.memref_slice %arg11[%dma_wait3A_195, %dma_wait3A_196] : memref<128x128xf32, #tpu.memory_space<vmem>> -> memref<64x128xf32, #tpu.memory_space<vmem>>
      %dma_wait3A_198 = arith.constant 0 : i32
      %dma_wait3A_199 = tpu.memref_slice %arg8[%dma_wait3A_194, %dma_wait3A_198] : memref<2x128xi32, #tpu.memory_space<vmem>> -> memref<1x64xi32, #tpu.memory_space<vmem>>
      %dma_wait3A_200 = tpu.memref_squeeze %dma_wait3A_199 : memref<1x64xi32, #tpu.memory_space<vmem>> -> memref<64xi32, #tpu.memory_space<vmem>>
      %dma_wait3A_201 = arith.constant 0 : i32
      %dma_wait3A_202 = arith.constant 0 : i32
      %dma_wait3A_203 = tpu.memref_slice %arg2[%dma_wait3A_201, %dma_wait3A_202] : memref<10240x128xf32, #tpu.memory_space<hbm>> -> memref<10240x128xf32, #tpu.memory_space<hbm>>
      tpu.wait_indirect_dma semaphore(%arg14 : memref<!tpu.dma_semaphore, #tpu.memory_space<semaphore_mem>>) src(%dma_wait3A_203 : memref<10240x128xf32, #tpu.memory_space<hbm>>) dst(%dma_wait3A_197 : memref<64x128xf32, #tpu.memory_space<vmem>>)
      %dma_wait3A_204 = arith.constant 0 : i32
      %dma_wait3A_205 = arith.constant 64 : i32
      %dma_wait3A_206 = arith.constant 0 : i32
      %dma_wait3A_207 = tpu.memref_slice %arg11[%dma_wait3A_205, %dma_wait3A_206] : memref<128x128xf32, #tpu.memory_space<vmem>> -> memref<64x128xf32, #tpu.memory_space<vmem>>
      %dma_wait3A_208 = arith.constant 64 : i32
      %dma_wait3A_209 = tpu.memref_slice %arg8[%dma_wait3A_204, %dma_wait3A_208] : memref<2x128xi32, #tpu.memory_space<vmem>> -> memref<1x64xi32, #tpu.memory_space<vmem>>
      %dma_wait3A_210 = tpu.memref_squeeze %dma_wait3A_209 : memref<1x64xi32, #tpu.memory_space<vmem>> -> memref<64xi32, #tpu.memory_space<vmem>>
      %dma_wait3A_211 = arith.constant 0 : i32
      %dma_wait3A_212 = arith.constant 0 : i32
      %dma_wait3A_213 = tpu.memref_slice %arg2[%dma_wait3A_211, %dma_wait3A_212] : memref<10240x128xf32, #tpu.memory_space<hbm>> -> memref<10240x128xf32, #tpu.memory_space<hbm>>
      tpu.wait_indirect_dma semaphore(%arg14 : memref<!tpu.dma_semaphore, #tpu.memory_space<semaphore_mem>>) src(%dma_wait3A_213 : memref<10240x128xf32, #tpu.memory_space<hbm>>) dst(%dma_wait3A_207 : memref<64x128xf32, #tpu.memory_space<vmem>>)
      %run_scoped3A_214 = arith.constant 0 : i32
      "tpu.region"() ({
        %run_scoped3A_242 = tpu.sem_alloc : memref<!tpu.dma_semaphore, #tpu.memory_space<semaphore_mem>>
        %dma_start3A_243 = arith.constant 0 : i32
        %dma_start3A_244 = tpu.memref_slice %arg10[%run_scoped3A_214, %dma_start3A_243] : memref<2x128xi32, #tpu.memory_space<vmem>> -> memref<1x128xi32, #tpu.memory_space<vmem>>
        %dma_start3A_245 = tpu.memref_squeeze %dma_start3A_244 : memref<1x128xi32, #tpu.memory_space<vmem>> -> memref<128xi32, #tpu.memory_space<vmem>>
        %dma_start3A_246 = arith.constant 0 : i32
        %dma_start3A_247 = arith.constant 0 : i32
        %dma_start3A_248 = tpu.memref_slice %arg13[%dma_start3A_246, %dma_start3A_247] : memref<10240x128xf32, #tpu.memory_space<vmem_shared>> -> memref<10240x128xf32, #tpu.memory_space<vmem_shared>>
        tpu.enqueue_indirect_dma source(%arg11 : memref<128x128xf32, #tpu.memory_space<vmem>>) target(%dma_start3A_248 : memref<10240x128xf32, #tpu.memory_space<vmem_shared>>) offsets(%dma_start3A_245 : memref<128xi32, #tpu.memory_space<vmem>>) semaphore(%run_scoped3A_242 : memref<!tpu.dma_semaphore, #tpu.memory_space<semaphore_mem>>) {add = true}
        %dma_wait3A_249 = arith.constant 0 : i32
        %dma_wait3A_250 = tpu.memref_slice %arg10[%run_scoped3A_214, %dma_wait3A_249] : memref<2x128xi32, #tpu.memory_space<vmem>> -> memref<1x128xi32, #tpu.memory_space<vmem>>
        %dma_wait3A_251 = tpu.memref_squeeze %dma_wait3A_250 : memref<1x128xi32, #tpu.memory_space<vmem>> -> memref<128xi32, #tpu.memory_space<vmem>>
        %dma_wait3A_252 = arith.constant 0 : i32
        %dma_wait3A_253 = arith.constant 0 : i32
        %dma_wait3A_254 = tpu.memref_slice %arg13[%dma_wait3A_252, %dma_wait3A_253] : memref<10240x128xf32, #tpu.memory_space<vmem_shared>> -> memref<10240x128xf32, #tpu.memory_space<vmem_shared>>
        tpu.wait_indirect_dma semaphore(%run_scoped3A_242 : memref<!tpu.dma_semaphore, #tpu.memory_space<semaphore_mem>>) src(%arg11 : memref<128x128xf32, #tpu.memory_space<vmem>>) dst(%dma_wait3A_254 : memref<10240x128xf32, #tpu.memory_space<vmem_shared>>)
        tpu.yield
      }) : () -> ()
      %dma_wait3A_215 = arith.constant 1 : i32
      %dma_wait3A_216 = arith.constant 0 : i32
      %dma_wait3A_217 = arith.constant 0 : i32
      %dma_wait3A_218 = tpu.memref_slice %arg12[%dma_wait3A_216, %dma_wait3A_217] : memref<128x128xf32, #tpu.memory_space<vmem>> -> memref<64x128xf32, #tpu.memory_space<vmem>>
      %dma_wait3A_219 = arith.constant 0 : i32
      %dma_wait3A_220 = tpu.memref_slice %arg8[%dma_wait3A_215, %dma_wait3A_219] : memref<2x128xi32, #tpu.memory_space<vmem>> -> memref<1x64xi32, #tpu.memory_space<vmem>>
      %dma_wait3A_221 = tpu.memref_squeeze %dma_wait3A_220 : memref<1x64xi32, #tpu.memory_space<vmem>> -> memref<64xi32, #tpu.memory_space<vmem>>
      %dma_wait3A_222 = arith.constant 0 : i32
      %dma_wait3A_223 = arith.constant 0 : i32
      %dma_wait3A_224 = tpu.memref_slice %arg2[%dma_wait3A_222, %dma_wait3A_223] : memref<10240x128xf32, #tpu.memory_space<hbm>> -> memref<10240x128xf32, #tpu.memory_space<hbm>>
      tpu.wait_indirect_dma semaphore(%arg15 : memref<!tpu.dma_semaphore, #tpu.memory_space<semaphore_mem>>) src(%dma_wait3A_224 : memref<10240x128xf32, #tpu.memory_space<hbm>>) dst(%dma_wait3A_218 : memref<64x128xf32, #tpu.memory_space<vmem>>)
      %dma_wait3A_225 = arith.constant 1 : i32
      %dma_wait3A_226 = arith.constant 64 : i32
      %dma_wait3A_227 = arith.constant 0 : i32
      %dma_wait3A_228 = tpu.memref_slice %arg12[%dma_wait3A_226, %dma_wait3A_227] : memref<128x128xf32, #tpu.memory_space<vmem>> -> memref<64x128xf32, #tpu.memory_space<vmem>>
      %dma_wait3A_229 = arith.constant 64 : i32
      %dma_wait3A_230 = tpu.memref_slice %arg8[%dma_wait3A_225, %dma_wait3A_229] : memref<2x128xi32, #tpu.memory_space<vmem>> -> memref<1x64xi32, #tpu.memory_space<vmem>>
      %dma_wait3A_231 = tpu.memref_squeeze %dma_wait3A_230 : memref<1x64xi32, #tpu.memory_space<vmem>> -> memref<64xi32, #tpu.memory_space<vmem>>
      %dma_wait3A_232 = arith.constant 0 : i32
      %dma_wait3A_233 = arith.constant 0 : i32
      %dma_wait3A_234 = tpu.memref_slice %arg2[%dma_wait3A_232, %dma_wait3A_233] : memref<10240x128xf32, #tpu.memory_space<hbm>> -> memref<10240x128xf32, #tpu.memory_space<hbm>>
      tpu.wait_indirect_dma semaphore(%arg15 : memref<!tpu.dma_semaphore, #tpu.memory_space<semaphore_mem>>) src(%dma_wait3A_234 : memref<10240x128xf32, #tpu.memory_space<hbm>>) dst(%dma_wait3A_228 : memref<64x128xf32, #tpu.memory_space<vmem>>)
      %run_scoped3A_235 = arith.constant 1 : i32
      "tpu.region"() ({
        %run_scoped3A_242 = tpu.sem_alloc : memref<!tpu.dma_semaphore, #tpu.memory_space<semaphore_mem>>
        %dma_start3A_243 = arith.constant 0 : i32
        %dma_start3A_244 = tpu.memref_slice %arg10[%run_scoped3A_235, %dma_start3A_243] : memref<2x128xi32, #tpu.memory_space<vmem>> -> memref<1x128xi32, #tpu.memory_space<vmem>>
        %dma_start3A_245 = tpu.memref_squeeze %dma_start3A_244 : memref<1x128xi32, #tpu.memory_space<vmem>> -> memref<128xi32, #tpu.memory_space<vmem>>
        %dma_start3A_246 = arith.constant 0 : i32
        %dma_start3A_247 = arith.constant 0 : i32
        %dma_start3A_248 = tpu.memref_slice %arg13[%dma_start3A_246, %dma_start3A_247] : memref<10240x128xf32, #tpu.memory_space<vmem_shared>> -> memref<10240x128xf32, #tpu.memory_space<vmem_shared>>
        tpu.enqueue_indirect_dma source(%arg12 : memref<128x128xf32, #tpu.memory_space<vmem>>) target(%dma_start3A_248 : memref<10240x128xf32, #tpu.memory_space<vmem_shared>>) offsets(%dma_start3A_245 : memref<128xi32, #tpu.memory_space<vmem>>) semaphore(%run_scoped3A_242 : memref<!tpu.dma_semaphore, #tpu.memory_space<semaphore_mem>>) {add = true}
        %dma_wait3A_249 = arith.constant 0 : i32
        %dma_wait3A_250 = tpu.memref_slice %arg10[%run_scoped3A_235, %dma_wait3A_249] : memref<2x128xi32, #tpu.memory_space<vmem>> -> memref<1x128xi32, #tpu.memory_space<vmem>>
        %dma_wait3A_251 = tpu.memref_squeeze %dma_wait3A_250 : memref<1x128xi32, #tpu.memory_space<vmem>> -> memref<128xi32, #tpu.memory_space<vmem>>
        %dma_wait3A_252 = arith.constant 0 : i32
        %dma_wait3A_253 = arith.constant 0 : i32
        %dma_wait3A_254 = tpu.memref_slice %arg13[%dma_wait3A_252, %dma_wait3A_253] : memref<10240x128xf32, #tpu.memory_space<vmem_shared>> -> memref<10240x128xf32, #tpu.memory_space<vmem_shared>>
        tpu.wait_indirect_dma semaphore(%run_scoped3A_242 : memref<!tpu.dma_semaphore, #tpu.memory_space<semaphore_mem>>) src(%arg12 : memref<128x128xf32, #tpu.memory_space<vmem>>) dst(%dma_wait3A_254 : memref<10240x128xf32, #tpu.memory_space<vmem_shared>>)
        tpu.yield
      }) : () -> ()
      %add3A_236 = arith.constant 2 : i32
      %add3A_237 = arith.addi %add3A_142, %add3A_236 : i32
      %lt3A_238 = arith.cmpi slt, %add3A_237, %select_n3A_2 : i32
      %convert_element_type3A_239 = arith.extui %lt3A_238 : i1 to i32
      %cond3A_240 = arith.constant 0 : i32
      %cond3A_241 = arith.cmpi ne, %convert_element_type3A_239, %cond3A_240 : i32
      scf.if %cond3A_241 {
        %add3A_242 = arith.constant 2 : i32
        %add3A_243 = arith.addi %add3A_142, %add3A_242 : i32
        %mul3A_244 = arith.constant 2 : i32
        %mul3A_245 = arith.muli %add3A_243, %mul3A_244 : i32
        %add3A_246 = arith.addi %select_n3A_13, %mul3A_245 : i32
        %dma_start3A_247 = arith.constant 0 : i32
        %dma_start3A_248 = tpu.memref_slice %arg3[%add3A_246, %dma_start3A_247] : memref<2560x128xi32, #tpu.memory_space<hbm>> -> memref<2x128xi32, #tpu.memory_space<hbm>>
        %dma_start3A_249 = arith.constant 0 : i32
        %dma_start3A_250 = tpu.memref_slice %arg3[%add3A_246, %dma_start3A_249] : memref<2560x128xi32, #tpu.memory_space<hbm>> -> memref<2x128xi32, #tpu.memory_space<hbm>>
        tpu.enqueue_dma source(%dma_start3A_250 : memref<2x128xi32, #tpu.memory_space<hbm>>) target(%arg8 : memref<2x128xi32, #tpu.memory_space<vmem>>) target_semaphore(%arg17 : memref<!tpu.dma_semaphore, #tpu.memory_space<semaphore_mem>>)
        %dma_start3A_251 = arith.constant 0 : i32
        %dma_start3A_252 = tpu.memref_slice %arg4[%add3A_246, %dma_start3A_251] : memref<2560x128xi32, #tpu.memory_space<hbm>> -> memref<2x128xi32, #tpu.memory_space<hbm>>
        %dma_start3A_253 = arith.constant 0 : i32
        %dma_start3A_254 = tpu.memref_slice %arg4[%add3A_246, %dma_start3A_253] : memref<2560x128xi32, #tpu.memory_space<hbm>> -> memref<2x128xi32, #tpu.memory_space<hbm>>
        tpu.enqueue_dma source(%dma_start3A_254 : memref<2x128xi32, #tpu.memory_space<hbm>>) target(%arg10 : memref<2x128xi32, #tpu.memory_space<vmem>>) target_semaphore(%arg17 : memref<!tpu.dma_semaphore, #tpu.memory_space<semaphore_mem>>)
      } else {
      }
    }
    %barrier3A_36 = arith.constant 0 : index
    tpu.barrier barrier_id(%barrier3A_36)
    %mul3A_37 = arith.constant 640 : i32
    %mul3A_38 = arith.muli %arg1, %mul3A_37 : i32
    %mul3A_39 = arith.constant 640 : i32
    %mul3A_40 = arith.muli %arg1, %mul3A_39 : i32
    "tpu.region"() ({
      %run_scoped3A = tpu.sem_alloc : memref<!tpu.dma_semaphore, #tpu.memory_space<semaphore_mem>>
      %dma_start3A = arith.constant 0 : i32
      %dma_start3A_41 = tpu.memref_slice %arg6[%arg0, %mul3A_40, %dma_start3A] : memref<2x10240x128xf32, #tpu.memory_space<hbm>> -> memref<1x640x128xf32, #tpu.memory_space<hbm>>
      %dma_start3A_42 = tpu.memref_squeeze %dma_start3A_41 : memref<1x640x128xf32, #tpu.memory_space<hbm>> -> memref<640x128xf32, #tpu.memory_space<hbm>>
      %dma_start3A_43 = arith.constant 0 : i32
      %dma_start3A_44 = tpu.memref_slice %arg13[%mul3A_38, %dma_start3A_43] : memref<10240x128xf32, #tpu.memory_space<vmem_shared>> -> memref<640x128xf32, #tpu.memory_space<vmem_shared>>
      tpu.enqueue_dma source(%dma_start3A_44 : memref<640x128xf32, #tpu.memory_space<vmem_shared>>) target(%dma_start3A_42 : memref<640x128xf32, #tpu.memory_space<hbm>>) target_semaphore(%run_scoped3A : memref<!tpu.dma_semaphore, #tpu.memory_space<semaphore_mem>>)
      %dma_wait3A = arith.constant 0 : i32
      %dma_wait3A_45 = tpu.memref_slice %arg6[%arg0, %mul3A_40, %dma_wait3A] : memref<2x10240x128xf32, #tpu.memory_space<hbm>> -> memref<1x640x128xf32, #tpu.memory_space<hbm>>
      %dma_wait3A_46 = tpu.memref_squeeze %dma_wait3A_45 : memref<1x640x128xf32, #tpu.memory_space<hbm>> -> memref<640x128xf32, #tpu.memory_space<hbm>>
      %dma_wait3A_47 = arith.constant 0 : i32
      %dma_wait3A_48 = tpu.memref_slice %arg13[%mul3A_38, %dma_wait3A_47] : memref<10240x128xf32, #tpu.memory_space<vmem_shared>> -> memref<640x128xf32, #tpu.memory_space<vmem_shared>>
      tpu.wait_dma2 semaphore(%run_scoped3A : memref<!tpu.dma_semaphore, #tpu.memory_space<semaphore_mem>>) src(%dma_wait3A_48 : memref<640x128xf32, #tpu.memory_space<vmem_shared>>) dst(%dma_wait3A_46 : memref<640x128xf32, #tpu.memory_space<hbm>>)
      tpu.yield
    }) : () -> ()
    return
  }
}

module attributes {stable_mosaic.version = 14 : i64} {
  func.func @_tc1_body(%arg0: i32, %arg1: memref<2048x128xf32, #tpu.memory_space<vmem>>, %arg2: memref<128x128xf32, #tpu.memory_space<vmem>>, %arg3: memref<32x2048xf32, #tpu.memory_space<vmem>>, %arg4: memref<2048x128xf32, #tpu.memory_space<vmem>>) attributes {dimension_semantics = [#tpu.dimension_semantics<arbitrary>], iteration_bounds = array<i64: 5>, scalar_prefetch = 0 : i64, scratch_operands = 0 : i64, tpu.core_type = #tpu.core_type<tc>, window_params = [{transform_indices = @transform_0, window_bounds = array<i64: 2048, 128>}, {pipeline_mode = #tpu.pipeline_mode<synchronous>, transform_indices = @transform_1, window_bounds = array<i64: 128, 128>}, {transform_indices = @transform_2, window_bounds = array<i64: 32, 2048>}, {transform_indices = @transform_3, window_bounds = array<i64: 2048, 128>}]} {
    %get3A = arith.constant 0 : index
    %get3A_0 = arith.constant 0 : index
    %get3A_1 = vector.load %arg1[%get3A, %get3A_0] : memref<2048x128xf32, #tpu.memory_space<vmem>>, vector<2048x128xf32>
    %get3A_2 = arith.constant 0 : index
    %get3A_3 = arith.constant 0 : index
    %get3A_4 = vector.load %arg2[%get3A_2, %get3A_3] : memref<128x128xf32, #tpu.memory_space<vmem>>, vector<128x128xf32>
    %dot_general3A = arith.constant dense<0.000000e+00> : vector<2048x128xf32>
    %dot_general3A_5 = tpu.matmul %get3A_1, %get3A_4, %dot_general3A {dimension_numbers = #tpu.dot_dimension_numbers<[1], [0], [0], [1], [0, 0, 1, 1], [], []>, transpose_lhs_hint = false} : vector<2048x128xf32>, vector<128x128xf32>, vector<2048x128xf32> -> vector<2048x128xf32>
    %get3A_6 = arith.constant 0 : index
    %get3A_7 = arith.constant 0 : index
    %get3A_8 = vector.load %arg3[%get3A_6, %get3A_7] : memref<32x2048xf32, #tpu.memory_space<vmem>>, vector<32x2048xf32>
    %reduce_sum3A = arith.constant dense<0.000000e+00> : vector<2048xf32>
    %reduce_sum3A_9 = vector.multi_reduction <add>, %get3A_8, %reduce_sum3A [0] : vector<32x2048xf32> to vector<2048xf32>
    %add3A = arith.constant 1.000000e+00 : f32
    %add3A_10 = vector.broadcast %add3A : f32 to vector<2048xf32>
    %add3A_11 = arith.addf %reduce_sum3A_9, %add3A_10 : vector<2048xf32>
    %rsqrt3A = math.rsqrt %add3A_11 : vector<2048xf32>
    %broadcast_in_dim3A = vector.shape_cast %rsqrt3A : vector<2048xf32> to vector<2048x1xf32>
    %mul3A = vector.broadcast %broadcast_in_dim3A : vector<2048x1xf32> to vector<2048x128xf32>
    %mul3A_12 = arith.mulf %dot_general3A_5, %mul3A : vector<2048x128xf32>
    %swap3A = arith.constant 0 : index
    %swap3A_13 = arith.constant 0 : index
    %swap3A_14 = vector.load %arg4[%swap3A, %swap3A_13] : memref<2048x128xf32, #tpu.memory_space<vmem>>, vector<2048x128xf32>
    tpu.vector_store %arg4[%swap3A, %swap3A_13], %mul3A_12 {strides = array<i32>} : memref<2048x128xf32, #tpu.memory_space<vmem>>, vector<2048x128xf32>,
    return
  }
  func.func @transform_0(%arg0: i32) -> (i32, i32) {
    %c0_i32 = arith.constant 0 : i32
    %c0_i32_0 = arith.constant 0 : i32
    return %arg0, %c0_i32 : i32, i32
  }
  func.func @transform_1(%arg0: i32) -> (i32, i32) {
    %c0_i32 = arith.constant 0 : i32
    %c0_i32_0 = arith.constant 0 : i32
    %c0_i32_1 = arith.constant 0 : i32
    return %c0_i32, %c0_i32_0 : i32, i32
  }
  func.func @transform_2(%arg0: i32) -> (i32, i32) {
    %c0_i32 = arith.constant 0 : i32
    %c0_i32_0 = arith.constant 0 : i32
    return %c0_i32, %arg0 : i32, i32
  }
  func.func @transform_3(%arg0: i32) -> (i32, i32) {
    %c0_i32 = arith.constant 0 : i32
    %c0_i32_0 = arith.constant 0 : i32
    return %arg0, %c0_i32 : i32, i32
  }
}

module attributes {stable_mosaic.version = 14 : i64} {
  func.func @_tc2_body(%arg0: i32, %arg1: memref<2x2048x128xf32, #tpu.memory_space<vmem>>, %arg2: memref<2048x128xf32, #tpu.memory_space<vmem>>, %arg3: memref<32x2048xf32, #tpu.memory_space<vmem>>, %arg4: memref<1x128xf32, #tpu.memory_space<vmem>>, %arg5: memref<128x128xf32, #tpu.memory_space<vmem>>, %arg6: memref<2048x128xf32, #tpu.memory_space<vmem>>) attributes {dimension_semantics = [#tpu.dimension_semantics<arbitrary>], iteration_bounds = array<i64: 5>, scalar_prefetch = 0 : i64, scratch_operands = 0 : i64, tpu.core_type = #tpu.core_type<tc>, window_params = [{transform_indices = @transform_0, window_bounds = array<i64: 2, 2048, 128>}, {transform_indices = @transform_1, window_bounds = array<i64: 2048, 128>}, {transform_indices = @transform_2, window_bounds = array<i64: 32, 2048>}, {pipeline_mode = #tpu.pipeline_mode<synchronous>, transform_indices = @transform_3, window_bounds = array<i64: 1, 128>}, {pipeline_mode = #tpu.pipeline_mode<synchronous>, transform_indices = @transform_4, window_bounds = array<i64: 128, 128>}, {transform_indices = @transform_5, window_bounds = array<i64: 2048, 128>}]} {
    %get3A = arith.constant 0 : index
    %get3A_0 = arith.constant 0 : index
    %get3A_1 = vector.load %arg3[%get3A, %get3A_0] : memref<32x2048xf32, #tpu.memory_space<vmem>>, vector<32x2048xf32>
    %reduce_sum3A = arith.constant dense<0.000000e+00> : vector<2048xf32>
    %reduce_sum3A_2 = vector.multi_reduction <add>, %get3A_1, %reduce_sum3A [0] : vector<32x2048xf32> to vector<2048xf32>
    %add3A = arith.constant 1.000000e+00 : f32
    %add3A_3 = vector.broadcast %add3A : f32 to vector<2048xf32>
    %add3A_4 = arith.addf %reduce_sum3A_2, %add3A_3 : vector<2048xf32>
    %rsqrt3A = math.rsqrt %add3A_4 : vector<2048xf32>
    %broadcast_in_dim3A = vector.shape_cast %rsqrt3A : vector<2048xf32> to vector<2048x1xf32>
    %get3A_5 = arith.constant 0 : index
    %get3A_6 = arith.constant 0 : index
    %get3A_7 = arith.constant 0 : index
    %get3A_8 = vector.load %arg1[%get3A_5, %get3A_6, %get3A_7] : memref<2x2048x128xf32, #tpu.memory_space<vmem>>, vector<1x2048x128xf32>
    %get3A_9 = vector.shape_cast %get3A_8 : vector<1x2048x128xf32> to vector<2048x128xf32>
    %get3A_10 = arith.constant 1 : index
    %get3A_11 = arith.constant 0 : index
    %get3A_12 = arith.constant 0 : index
    %get3A_13 = vector.load %arg1[%get3A_10, %get3A_11, %get3A_12] : memref<2x2048x128xf32, #tpu.memory_space<vmem>>, vector<1x2048x128xf32>
    %get3A_14 = vector.shape_cast %get3A_13 : vector<1x2048x128xf32> to vector<2048x128xf32>
    %add3A_15 = arith.addf %get3A_9, %get3A_14 : vector<2048x128xf32>
    %get3A_16 = arith.constant 0 : index
    %get3A_17 = arith.constant 0 : index
    %get3A_18 = vector.load %arg2[%get3A_16, %get3A_17] : memref<2048x128xf32, #tpu.memory_space<vmem>>, vector<2048x128xf32>
    %add3A_19 = arith.addf %add3A_15, %get3A_18 : vector<2048x128xf32>
    %mul3A = vector.broadcast %broadcast_in_dim3A : vector<2048x1xf32> to vector<2048x128xf32>
    %mul3A_20 = arith.mulf %add3A_19, %mul3A : vector<2048x128xf32>
    %get3A_21 = arith.constant 0 : index
    %get3A_22 = arith.constant 0 : index
    %get3A_23 = vector.load %arg4[%get3A_21, %get3A_22] : memref<1x128xf32, #tpu.memory_space<vmem>>, vector<1x128xf32>
    %add3A_24 = vector.broadcast %get3A_23 : vector<1x128xf32> to vector<2048x128xf32>
    %add3A_25 = arith.addf %mul3A_20, %add3A_24 : vector<2048x128xf32>
    %max3A = arith.constant 0.000000e+00 : f32
    %max3A_26 = vector.broadcast %max3A : f32 to vector<2048x128xf32>
    %max3A_27 = arith.maximumf %add3A_25, %max3A_26 : vector<2048x128xf32>
    %get3A_28 = arith.constant 0 : index
    %get3A_29 = arith.constant 0 : index
    %get3A_30 = vector.load %arg5[%get3A_28, %get3A_29] : memref<128x128xf32, #tpu.memory_space<vmem>>, vector<128x128xf32>
    %dot_general3A = arith.constant dense<0.000000e+00> : vector<2048x128xf32>
    %dot_general3A_31 = tpu.matmul %max3A_27, %get3A_30, %dot_general3A {dimension_numbers = #tpu.dot_dimension_numbers<[1], [0], [0], [1], [0, 0, 1, 1], [], []>, transpose_lhs_hint = false} : vector<2048x128xf32>, vector<128x128xf32>, vector<2048x128xf32> -> vector<2048x128xf32>
    %mul3A_32 = vector.broadcast %broadcast_in_dim3A : vector<2048x1xf32> to vector<2048x128xf32>
    %mul3A_33 = arith.mulf %dot_general3A_31, %mul3A_32 : vector<2048x128xf32>
    %swap3A = arith.constant 0 : index
    %swap3A_34 = arith.constant 0 : index
    %swap3A_35 = vector.load %arg6[%swap3A, %swap3A_34] : memref<2048x128xf32, #tpu.memory_space<vmem>>, vector<2048x128xf32>
    tpu.vector_store %arg6[%swap3A, %swap3A_34], %mul3A_33 {strides = array<i32>} : memref<2048x128xf32, #tpu.memory_space<vmem>>, vector<2048x128xf32>,
    return
  }
  func.func @transform_0(%arg0: i32) -> (i32, i32, i32) {
    %c0_i32 = arith.constant 0 : i32
    %c0_i32_0 = arith.constant 0 : i32
    %c0_i32_1 = arith.constant 0 : i32
    return %c0_i32, %arg0, %c0_i32_0 : i32, i32, i32
  }
  func.func @transform_1(%arg0: i32) -> (i32, i32) {
    %c0_i32 = arith.constant 0 : i32
    %c0_i32_0 = arith.constant 0 : i32
    return %arg0, %c0_i32 : i32, i32
  }
  func.func @transform_2(%arg0: i32) -> (i32, i32) {
    %c0_i32 = arith.constant 0 : i32
    %c0_i32_0 = arith.constant 0 : i32
    return %c0_i32, %arg0 : i32, i32
  }
  func.func @transform_3(%arg0: i32) -> (i32, i32) {
    %c0_i32 = arith.constant 0 : i32
    %c0_i32_0 = arith.constant 0 : i32
    %c0_i32_1 = arith.constant 0 : i32
    return %c0_i32, %c0_i32_0 : i32, i32
  }
  func.func @transform_4(%arg0: i32) -> (i32, i32) {
    %c0_i32 = arith.constant 0 : i32
    %c0_i32_0 = arith.constant 0 : i32
    %c0_i32_1 = arith.constant 0 : i32
    return %c0_i32, %c0_i32_0 : i32, i32
  }
  func.func @transform_5(%arg0: i32) -> (i32, i32) {
    %c0_i32 = arith.constant 0 : i32
    %c0_i32_0 = arith.constant 0 : i32
    return %arg0, %c0_i32 : i32, i32
  }
}

module attributes {stable_mosaic.version = 14 : i64} {
  func.func @_tc3_body(%arg0: i32, %arg1: memref<2x2048x128xf32, #tpu.memory_space<vmem>>, %arg2: memref<2048x128xf32, #tpu.memory_space<vmem>>, %arg3: memref<32x2048xf32, #tpu.memory_space<vmem>>, %arg4: memref<1x128xf32, #tpu.memory_space<vmem>>, %arg5: memref<2048x128xf32, #tpu.memory_space<vmem>>) attributes {dimension_semantics = [#tpu.dimension_semantics<arbitrary>], iteration_bounds = array<i64: 5>, scalar_prefetch = 0 : i64, scratch_operands = 0 : i64, tpu.core_type = #tpu.core_type<tc>, window_params = [{transform_indices = @transform_0, window_bounds = array<i64: 2, 2048, 128>}, {transform_indices = @transform_1, window_bounds = array<i64: 2048, 128>}, {transform_indices = @transform_2, window_bounds = array<i64: 32, 2048>}, {pipeline_mode = #tpu.pipeline_mode<synchronous>, transform_indices = @transform_3, window_bounds = array<i64: 1, 128>}, {transform_indices = @transform_4, window_bounds = array<i64: 2048, 128>}]} {
    %get3A = arith.constant 0 : index
    %get3A_0 = arith.constant 0 : index
    %get3A_1 = vector.load %arg3[%get3A, %get3A_0] : memref<32x2048xf32, #tpu.memory_space<vmem>>, vector<32x2048xf32>
    %reduce_sum3A = arith.constant dense<0.000000e+00> : vector<2048xf32>
    %reduce_sum3A_2 = vector.multi_reduction <add>, %get3A_1, %reduce_sum3A [0] : vector<32x2048xf32> to vector<2048xf32>
    %add3A = arith.constant 1.000000e+00 : f32
    %add3A_3 = vector.broadcast %add3A : f32 to vector<2048xf32>
    %add3A_4 = arith.addf %reduce_sum3A_2, %add3A_3 : vector<2048xf32>
    %rsqrt3A = math.rsqrt %add3A_4 : vector<2048xf32>
    %broadcast_in_dim3A = vector.shape_cast %rsqrt3A : vector<2048xf32> to vector<2048x1xf32>
    %get3A_5 = arith.constant 0 : index
    %get3A_6 = arith.constant 0 : index
    %get3A_7 = arith.constant 0 : index
    %get3A_8 = vector.load %arg1[%get3A_5, %get3A_6, %get3A_7] : memref<2x2048x128xf32, #tpu.memory_space<vmem>>, vector<1x2048x128xf32>
    %get3A_9 = vector.shape_cast %get3A_8 : vector<1x2048x128xf32> to vector<2048x128xf32>
    %get3A_10 = arith.constant 1 : index
    %get3A_11 = arith.constant 0 : index
    %get3A_12 = arith.constant 0 : index
    %get3A_13 = vector.load %arg1[%get3A_10, %get3A_11, %get3A_12] : memref<2x2048x128xf32, #tpu.memory_space<vmem>>, vector<1x2048x128xf32>
    %get3A_14 = vector.shape_cast %get3A_13 : vector<1x2048x128xf32> to vector<2048x128xf32>
    %add3A_15 = arith.addf %get3A_9, %get3A_14 : vector<2048x128xf32>
    %get3A_16 = arith.constant 0 : index
    %get3A_17 = arith.constant 0 : index
    %get3A_18 = vector.load %arg2[%get3A_16, %get3A_17] : memref<2048x128xf32, #tpu.memory_space<vmem>>, vector<2048x128xf32>
    %add3A_19 = arith.addf %add3A_15, %get3A_18 : vector<2048x128xf32>
    %mul3A = vector.broadcast %broadcast_in_dim3A : vector<2048x1xf32> to vector<2048x128xf32>
    %mul3A_20 = arith.mulf %add3A_19, %mul3A : vector<2048x128xf32>
    %get3A_21 = arith.constant 0 : index
    %get3A_22 = arith.constant 0 : index
    %get3A_23 = vector.load %arg4[%get3A_21, %get3A_22] : memref<1x128xf32, #tpu.memory_space<vmem>>, vector<1x128xf32>
    %add3A_24 = vector.broadcast %get3A_23 : vector<1x128xf32> to vector<2048x128xf32>
    %add3A_25 = arith.addf %mul3A_20, %add3A_24 : vector<2048x128xf32>
    %swap3A = arith.constant 0 : index
    %swap3A_26 = arith.constant 0 : index
    %swap3A_27 = vector.load %arg5[%swap3A, %swap3A_26] : memref<2048x128xf32, #tpu.memory_space<vmem>>, vector<2048x128xf32>
    tpu.vector_store %arg5[%swap3A, %swap3A_26], %add3A_25 {strides = array<i32>} : memref<2048x128xf32, #tpu.memory_space<vmem>>, vector<2048x128xf32>,
    return
  }
  func.func @transform_0(%arg0: i32) -> (i32, i32, i32) {
    %c0_i32 = arith.constant 0 : i32
    %c0_i32_0 = arith.constant 0 : i32
    %c0_i32_1 = arith.constant 0 : i32
    return %c0_i32, %arg0, %c0_i32_0 : i32, i32, i32
  }
  func.func @transform_1(%arg0: i32) -> (i32, i32) {
    %c0_i32 = arith.constant 0 : i32
    %c0_i32_0 = arith.constant 0 : i32
    return %arg0, %c0_i32 : i32, i32
  }
  func.func @transform_2(%arg0: i32) -> (i32, i32) {
    %c0_i32 = arith.constant 0 : i32
    %c0_i32_0 = arith.constant 0 : i32
    return %c0_i32, %arg0 : i32, i32
  }
  func.func @transform_3(%arg0: i32) -> (i32, i32) {
    %c0_i32 = arith.constant 0 : i32
    %c0_i32_0 = arith.constant 0 : i32
    %c0_i32_1 = arith.constant 0 : i32
    return %c0_i32, %c0_i32_0 : i32, i32
  }
  func.func @transform_4(%arg0: i32) -> (i32, i32) {
    %c0_i32 = arith.constant 0 : i32
    %c0_i32_0 = arith.constant 0 : i32
    return %arg0, %c0_i32 : i32, i32
  }
}

</mosaic_0001>

<sc_bundles>
// kernel: kernel.11.cloned.1.call-start
scs
__scs_entry_jumppad:
0x0: {  	(pc) =	sbr.rel $0x88, $3  }
0x1: {  	(tag) =	ssettag $0x0;
	lr =	simm.s32 $0x1  }
0x2: {  	[smem:$0x3F9B] =	sst lr;
	_ =	strace $0xD0000000  }
0x3: {  	_ = 	snop  }
0x4: {  	_ = 	snop  }
0x5: {  	_ = 	snop  }
0x6: {  	_ = 	snop  }
0x7: {  	_ = 	snop  }
__scs_overlays_trampoline_lowered:
0x8: {  	[smem:$0x3FAA] =	sst s0  }
0x9: {  	[smem:$0x3FAB] =	sst s1  }
0xa: {  	[smem:$0x3FAC] =	sst s2  }
0xb: {  	[smem:$0x3FAD] =	sst s3  }
0xc: {  	[smem:$0x3FAE] =	sst s4  }
0xd: {  	[smem:$0x3FAF] =	sst s5  }
0xe: {  	[smem:$0x3FB0] =	sst s6  }
0xf: {  	[smem:$0x3FB1] =	sst s7  }
0x10: {  	[smem:$0x3FB2] =	sst s8  }
0x11: {  	[smem:$0x3FB3] =	sst s9;
	s0 =	simm.s32 @!p0 $0x0  }
0x12: {  	s1 =	sld [smem:$0x3F99];
	s0 =	simm.s32 @p0 $0x1  }
0x13: {  	[smem:$0x3FB4] =	sst s0;
	s0 =	simm.s32 @!p1 $0x0  }
0x14: {  	s2 =	sld [smem:$0x3F98];
	s0 =	simm.s32 @p1 $0x1  }
0x15: {  	[smem:$0x3FB5] =	sst s0;
	s0 =	simm.s32 @!p2 $0x0  }
0x16: {  	s3 =	sld [smem:$0x3FDB];
	s0 =	simm.s32 @p2 $0x1  }
0x17: {  	s4 =	simm.s32 $0x1BF5;
	[smem:$0x3FB7] =	sst s0  }
0x18: {  	s0 =	sld [smem:$0x3F9A];
	_ =	swait.ge [sflag:s4], $0x0  }
0x19: {  	s7 =	sld [smem:$0x3F9B]  }
0x1a: {  	s8 =	sadd.s32 $0xFFFFE003, lr  }
0x1b: {  	s9 =	sadd.s32 $0xFFFFFEF7, lr;
	s5 =	simm.s32 $0xFFFFFFFF;
	p2 =	slt.u32 s8, $0xFFFFF086  }
0x1c: {  	p1 =	slt.u32 s9, $0xF7A;
	s5 =	simm.s32 @!p2 $0x0  }
0x1d: {  	s5 =	simm.s32 @p1 $0x1;
	p0 =	seq.s32 s7, s2  }
0x1e: {  	s7 =	smul.u32 @!p0 $0xF7A, s2;
	p2 =	seq.s32 @!p0 s5, $0x0  }
0x1f: {  	s9 =	smul.u32 $0xF7A, s1;
	s8 =	simm.s32 @!p0 $0x1BF5;
	p2 =	por !p2, p0  }
0x20: {  	[sflag:s8] =	ssyncset.s32 @!p0 $0xFFFFF086;
	s6 =	sadd.s32 @!p0 s3, s7;
	s7 =	simm.s32 @!p0 $0x108  }
0x21: {  	s3 =	sadd.s32 s3, s9;
	s6 =	sadd.s32 @!p0 $0x88, s6;
	s7 =	simm.s32 @p2 $0x1082  }
0x22: {  	[simem:s7], [sflag:s8] =	dma.local @!p0 [hbm:s6], $0xF7A  }
0x23: {  	s9 =	sor.u32 $0xD0000000, s2;
	s6 =	simm.s32 $0x108;
	_ =	swait.ge @!p0 [sflag:s8], $0x0  }
0x24: {  	s3 =	sadd.s32 $0x88, s3;
	s6 =	simm.s32 @!p1 $0x1082;
	[sflag:s4] =	ssyncset.s32 $0xFFFFF086  }
0x25: {  	[simem:s6], [sflag:s4] =	dma.local [hbm:s3], $0xF7A  }
0x26: {  	[smem:$0x3F9B] =	sst s1;
	(tag) =	ssettag s2;
	_ =	strace s9  }
0x27: {  	s1 =	sld [smem:$0x3FAB]  }
0x28: {  	s2 =	sld [smem:$0x3FAC]  }
0x29: {  	s4 =	sld [smem:$0x3FAE]  }
0x2a: {  	p0 =	seq.s32 s5, $0x0;
	s5 =	sld [smem:$0x3FAF]  }
0x2b: {  	s6 =	sld [smem:$0x3FB0]  }
0x2c: {  	s7 =	sld [smem:$0x3FB1]  }
0x2d: {  	s3 =	simm.s32 $0x108;
	s8 =	sld [smem:$0x3FB2]  }
0x2e: {  	s3 =	simm.s32 @!p0 $0x1082;
	s9 =	sld [smem:$0x3FB3]  }
0x2f: {  	lr =	sadd.s32 s0, s3;
	s0 =	sld [smem:$0x3FAA]  }
0x30: {  	s3 =	sld [smem:$0x3FAD]  }
0x31: {  	[smem:$0x3FB6] =	sst s10  }
0x32: {  	s10 =	sld [smem:$0x3FB4];
	_ =	sdelay $0x3  }
0x33: {  	p0 =	seq.s32 s10, $0x1;
	s10 =	sld [smem:$0x3FB6];
	_ =	sdelay $0x3  }
0x34: {  	[smem:$0x3FB6] =	sst s10  }
0x35: {  	s10 =	sld [smem:$0x3FB5];
	_ =	sdelay $0x3  }
0x36: {  	p1 =	seq.s32 s10, $0x1;
	s10 =	sld [smem:$0x3FB6];
	_ =	sdelay $0x3  }
0x37: {  	[smem:$0x3FB6] =	sst s10  }
0x38: {  	s10 =	sld [smem:$0x3FB7]  }
0x39: {  	_ = 	snop;
	(pc) =	sbr.ind lr, $3  }
0x3a: {  	_ = 	snop  }
0x3b: {  	_ = 	snop  }
0x3c: {  	p2 =	seq.s32 s10, $0x1;
	s10 =	sld [smem:$0x3FB6]  }
0x3d: {  	_ =	shalt  }
0x3e: {  	_ =	shalt  }
0x3f: {  	_ =	shalt  }
0x40: {  	_ =	shalt  }
0x41: {  	_ =	shalt  }
0x42: {  	_ =	shalt  }
0x43: {  	_ =	shalt  }
0x44: {  	_ =	shalt  }
0x45: {  	_ =	shalt  }
0x46: {  	_ =	shalt  }
0x47: {  	_ =	shalt  }
0x48: {  	_ =	shalt  }
0x49: {  	_ =	shalt  }
0x4a: {  	_ =	shalt  }
0x4b: {  	_ =	shalt  }
0x4c: {  	_ =	shalt  }
0x4d: {  	_ =	shalt  }
0x4e: {  	_ =	shalt  }
0x4f: {  	_ =	shalt  }
0x50: {  	_ =	shalt  }
0x51: {  	_ =	shalt  }
0x52: {  	_ =	shalt  }
0x53: {  	_ =	shalt  }
0x54: {  	_ =	shalt  }
0x55: {  	_ =	shalt  }
0x56: {  	_ =	shalt  }
0x57: {  	_ =	shalt  }
0x58: {  	_ =	shalt  }
0x59: {  	_ =	shalt  }
0x5a: {  	_ =	shalt  }
0x5b: {  	_ =	shalt  }
0x5c: {  	_ =	shalt  }
0x5d: {  	_ =	shalt  }
0x5e: {  	_ =	shalt  }
0x5f: {  	_ =	shalt  }
0x60: {  	_ =	shalt  }
0x61: {  	_ =	shalt  }
0x62: {  	_ =	shalt  }
0x63: {  	_ =	shalt  }
0x64: {  	_ =	shalt  }
0x65: {  	_ =	shalt  }
0x66: {  	_ =	shalt  }
0x67: {  	_ =	shalt  }
0x68: {  	_ =	shalt  }
0x69: {  	_ =	shalt  }
0x6a: {  	_ =	shalt  }
0x6b: {  	_ =	shalt  }
0x6c: {  	_ =	shalt  }
0x6d: {  	_ =	shalt  }
0x6e: {  	_ =	shalt  }
0x6f: {  	_ =	shalt  }
0x70: {  	_ =	shalt  }
0x71: {  	_ =	shalt  }
0x72: {  	_ =	shalt  }
0x73: {  	_ =	shalt  }
0x74: {  	_ =	shalt  }
0x75: {  	_ =	shalt  }
0x76: {  	_ =	shalt  }
0x77: {  	_ =	shalt  }
0x78: {  	_ =	shalt  }
0x79: {  	_ =	shalt  }
0x7a: {  	_ =	shalt  }
0x7b: {  	_ =	shalt  }
0x7c: {  	_ =	shalt  }
0x7d: {  	_ =	shalt  }
0x7e: {  	_ =	shalt  }
0x7f: {  	_ =	shalt  }
0x80: {  	_ =	shalt  }
0x81: {  	_ =	shalt  }
0x82: {  	_ =	shalt  }
0x83: {  	_ =	shalt  }
0x84: {  	_ =	shalt  }
0x85: {  	_ =	shalt  }
0x86: {  	_ =	shalt  }
0x87: {  	_ =	shalt  }
.Lfunc_end0:
.L_simem_size_0:
called_computation.1_lowered:
.L_overlay_start_0:
0x88: {  	s2 =	sld [smem:$0x3FD9]  }
0x89: {  	s3 =	sld [smem:$0x3FFE];
	_ =	sdelay $0x1  }
0x8a: {  	s1 =	srdreg.scid  }
0x8b: {  	s0 =	sand.u32 $0x1, s1  }
0x8c: {  	s17 =	sshll.u32 s0, $0xA;
	s2 =	sadd.s32 s3, s2  }
0x8d: {  	s2 =	sadd.s32 s2, s17  }
0x8e: {  	[smem:$0x3FC2] =	sst s2  }
0x8f: {  	_ = 	snop  }
0x90: {  	s2 =	sld [smem:$0x3FD0];
	(tm) =	ssettm $0x1  }
0x91: {  	s18 =	sld [smem:$0x3FFB];
	_ =	sdelay $0x3  }
0x92: {  	_ =	strace s18  }
0x93: {  	s3 =	sld [smem:$0x3FFC];
	_ =	sdelay $0x3  }
0x94: {  	_ =	strace s3  }
0x95: {  	s3 =	sld [smem:$0x3FFD];
	_ =	sdelay $0x3  }
0x96: {  	_ =	strace s3  }
0x97: {  	_ =	strace $0x8FFFFFFF  }
0x98: {  	s19 =	sld [smem:$0x3FDB];
	_ =	sdelay $0x1  }
0x99: {  	s4 =	simm.s32 $_scs_section_size  }
0x9a: {  	s5 =	simm.s32 $_size__tile_overlayer_lowered;
	s6 =	simm.s32 $_tile_overlayer_lowered  }
0x9b: {  	s22 =	simm.s32 $0x1BFF;
	s21 =	sshll.u32 s6, $0x1;
	s3 =	sadd.s32 s4, s19  }
0x9c: {  	s7 =	simm.s32 $0x0;
	s20 =	sshll.u32 s5, $0x1;
	s5 =	sadd.s32 s21, s3  }
0x9d: {  	[timem:s7], [sflag:s22] =	dma.local [hbm:s5], s20  }
0x9e: {  	_ =	swait.ge [sflag:s22], s20  }
0x9f: {  	s4 =	ssub.s32 $0x0, s20;
	[sflag:s22] =	ssyncset.done $0x0  }
0xa0: {  	[sflag:s22] =	ssyncadd.s32 s4;
	_ =	sdelay $0x1  }
0xa1: {  	s23 =	simm.s32 $0x1B8B  }
0xa2: {  	_ =	swait.ge [sflag:s23], $0x1  }
0xa3: {  	[sflag:s23] =	ssyncset.done $0x0  }
0xa4: {  	s25 =	simm.s32 $0x1B8E;
	s24 =	sld [smem:$0x3FFE];
	[sflag:s23] =	ssyncadd.s32 $0xFFFFFFFF  }
0xa5: {  	s26 =	simm.s32 $execute0_lowered;
	[smem:$0x3FD2] =	sst s25  }
0xa6: {  	s5 =	sshll.u32 s26, $0x1;
	_ =	strace $0x80000049;
	[dreg:$0x1] =	wrdreg $0xFFFFFFFF  }
0xa7: {  	s28 =	simm.s32 $_size_execute0_lowered;
	s3 =	sadd.s32 s3, s5;
	[dreg:$0x0] =	wrdreg $0x0  }
0xa8: {  	s5 =	sshll.u32 s28, $0x1;
	[dreg:$0x2] =	wrdreg s3  }
0xa9: {  	[dreg:$0x3] =	wrdreg s5  }
0xaa: {  	[dreg:$0x4] =	wrdreg $0xC0  }
0xab: {  	_ =	task [dreg:s7], $0x5FFFF  }
0xac: {  	[dreg:$0x1] =	wrdreg $0xFFFFFFFF  }
0xad: {  	[dreg:$0x0] =	wrdreg $0x60  }
0xae: {  	[dreg:$0x2] =	wrdreg s24  }
0xaf: {  	[dreg:$0x3] =	wrdreg s2  }
0xb0: {  	[dreg:$0x4] =	wrdreg $0x84000  }
0xb1: {  	[dreg:$0x5] =	wrdreg $0x9  }
0xb2: {  	_ =	task.clear_ibuf [dreg:s7], $0x6FFFF;
	_ =	strace $0x90000049  }
0xb3: {  	s29 =	simm.s32 $0x9;
	_ =	strace $0x8000004B  }
0xb4: {  	_ =	swait.ge [sflag:s29], $0x1  }
0xb5: {  	[sflag:s29] =	ssyncadd.s32 $0xFFFFFFFF  }
0xb6: {  	_ =	strace $0x9000004B  }
0xb7: {  	_ =	sfence  }
0xb8: {  	s30 =	sld [smem:$0x0];
	_ =	sdelay $0x2  }
0xb9: {  	s31 =	sshll.u32 s1, $0xD;
	s1 =	sshrl.u32 s1, $0x2  }
0xba: {  	s3 =	sand.u32 $0x4000, s31;
	s1 =	sadd.s32 s1, s30  }
0xbb: {  	s0 =	sor.u32 s3, s0;
	s1 =	sshll.u32 s1, $0x11  }
0xbc: {  	s0 =	sor.u32 s1, s0  }
0xbd: {  	s0 =	sadd.s32 $0x8F2B, s0  }
0xbe: {  	[sflag:s0] =	ssyncadd.remote.s32 $0x1  }
0xbf: {  	_ =	sfence.sel $0xFFFF  }
0xc0: {  	[dreg:$0x0] =	wrdreg $0xFFFFFFFF;
	(pc) =	sbr.abs _section_cstart, $3  }
0xc1: {  	[dreg:$0x1] =	wrdreg $0xFFFFFFFF  }
0xc2: {  	_ =	task.clear_ibuf [dreg:s7], $0x2FFFF;
	_ =	strace $0x9FFFFFFF  }
0xc3: {  	(tm) =	ssettm $0x7FFFFFFF  }
tec
execute0_lowered:
.L_overlay_start_1:
0x0: {  	(tag) =	ssettag $0x1  }
0x1: {  	s0 =	rddreg [dreg:$0x0]  }
0x2: {  	s1 =	rddreg [dreg:$0x1]  }
0x3: {  	s2 =	rddreg [dreg:$0x2]  }
0x4: {  	s13 =	stileid.u32;
	s4 =	srdreg.scid;
	s3 =	simm.s32 $0x0  }
0x5: {  	s22 =	simm.s32 $0xC0;
	s23 =	simm.s32 $0x280;
	s24 =	simm.s32 $0x140  }
0x6: {  	s25 =	simm.s32 $0x180;
	s26 =	simm.s32 $0x1C0;
	s28 =	simm.s32 $0x2  }
0x7: {  	s29 =	simm.s32 $0x4;
	s30 =	simm.s32 $0x0;
	s5 =	smul.u32 $0x14000, s13  }
0x8: {  	s6 =	sand.u32 $0x1, s4;
	[smem:$0x7FF] =	sst s3;
	s4 =	sadd.s32 $0x20400, s0  }
0x9: {  	s10 =	sadd.s32 $0x16400, s0;
	s9 =	smul.u32 $0x9C, s13;
	s15 =	sshll.u32 s13, $0x2  }
0xa: {  	s17 =	sshll.u32 s13, $0x6;
	_ =	strace $0x8000004A;
	[dreg:$0x5] =	wrdreg s22  }
0xb: {  	s7 =	smul.u32 $0x140000, s6;
	s12 =	ssub.s32 $0x2, s6;
	[dreg:$0x6] =	wrdreg s23  }
0xc: {  	p0 =	seq.s32 s6, $0x0;
	s6 =	sor.u32 $0x9C0, s15;
	[dreg:$0x7] =	wrdreg s24  }
0xd: {  	s15 =	simm.s32 $0x5;
	s22 =	simm.s32 $0x2400;
	[dreg:$0x8] =	wrdreg s25  }
0xe: {  	s23 =	simm.s32 $0x80;
	s24 =	simm.s32 $0x4400;
	[dreg:$0x9] =	wrdreg s26  }
0xf: {  	s25 =	simm.s32 $0x6400;
	s26 =	simm.s32 $0x1;
	s8 =	sshrl.u32 s5, $0x3  }
0x10: {  	s14 =	sshrl.u32 s12, $0x1;
	s6 =	smov.u32 @p0 s9;
	s5 =	sadd.s32 s5, s7  }
0x11: {  	s31 =	sadd.s32 s8, s0;
	s11 =	ssub.s32 s12, s14;
	s12 =	smul.u32 $0x50000, s13  }
0x12: {  	s6 =	sshll.u32 s6, $0x4;
	s5 =	sshrl.u32 s5, $0x3;
	s7 =	sadd.s32 $0x48400, s31  }
0x13: {  	s18 =	sor.u32 $0x20, s6;
	s8 =	sadd.s32 s10, s6;
	s9 =	sadd.s32 s1, s6  }
0x14: {  	s21 =	smax.u32 s11, $0x1;
	s31 =	simm.s32 $0x380;
	s0 =	sadd.s32 s5, s0  }
0x15: {  	s5 =	simm.s32 $0x4E;
	s16 =	sshrl.u32 s12, $0x2;
	[dreg:$0xb] =	wrdreg s7  }
0x16: {  	s7 =	sor.u32 $0x1C05, s17;
	s19 =	sadd.s32 s10, s18;
	[dreg:$0xf] =	wrdreg s21  }
0x17: {  	s1 =	sadd.s32 s1, s18;
	s17 =	simm.s32 $0x100;
	[dreg:$0xa] =	wrdreg s31  }
0x18: {  	s18 =	simm.s32 $0x300;
	s21 =	simm.s32 $0x400;
	[dreg:$0xc] =	wrdreg s19  }
0x19: {  	s5 =	simm.s32 @!p0 $0x2;
	[dreg:$0xd] =	wrdreg s1;
	s0 =	sadd.s32 $0x70400, s0  }
0x1a: {  	s12 =	sadd.s32 s16, s2;
	[dreg:$0xe] =	wrdreg s0;
	s20 =	sshll.u32 s5, $0x5  }
0x1b: {  	s16 =	simm.s32 $0x200;
	s1 =	sshrl.u32 s12, $0x3;
	[dreg:$0x4] =	wrdreg s20  }
0x1c: {  	s19 =	simm.s32 $0x3;
	s20 =	simm.s32 $0x40;
	[dreg:$0x10] =	wrdreg s1  }
.LBB2_1:
0x1d: {  	s0 =	rddreg [dreg:$0xb]  }
0x1e: {  	[spmem:s1], [sflag:s7] =	dma.local [hbm:s0], $0x2800  }
0x1f: {  	_ =	swait.ge [sflag:s15], $0x2800  }
0x20: {  	[sflag:s15] =	ssyncset.done $0x0  }
0x21: {  	[sflag:s15] =	ssyncadd.s32 $0xFFFFD800  }
0x22: {  	[tilespmem:s3], [sflag:$0x3] =	stream.linear.gather [hbm4b:s8+s3], $0x100, $0x38;
	[tilespmem:$0x1C400] =	vst v63  }
0x23: {  	_ = 	snop  }
0x24: {  	[tilespmem:s16], [sflag:$0x3] =	stream.linear.gather [hbm4b:s9+s3], $0x100, $0x38;
	[tilespmem:$0x1C400] =	vst v63  }
0x25: {  	s12 =	rddreg [dreg:$0xc]  }
0x26: {  	[tilespmem:s17], [sflag:$0x4] =	stream.linear.gather [hbm4b:s12+s3], $0x100, $0x38;
	[tilespmem:$0x1C400] =	vst v63  }
0x27: {  	s13 =	rddreg [dreg:$0xd]  }
0x28: {  	[tilespmem:s18], [sflag:$0x4] =	stream.linear.gather [hbm4b:s13+s3], $0x100, $0x38;
	[tilespmem:$0x1C400] =	vst v63  }
0x29: {  	[bflag:$0x0] =	sbarrier.arrive $0xFFFF  }
0x2a: {  	_ =	swait.ge [sflag:s19], $0x100  }
0x2b: {  	[sflag:s19] =	ssyncset.done $0x0  }
0x2c: {  	[sflag:s19] =	ssyncadd.s32 $0xFFFFFF00  }
0x2d: {  	_ =	swait.ge [sflag:s19], $0x100  }
0x2e: {  	[sflag:s19] =	ssyncset.done $0x0  }
0x2f: {  	[sflag:s19] =	ssyncadd.s32 $0xFFFFFF00  }
0x30: {  	[tilespmem:s21], [sflag:$0x1] =	stream.indirect.gather [hbm4b:s4+s20], $0x80, s3, s20, $0xb8;
	[tilespmem:$0x1C400] =	vst v63  }
0x31: {  	_ = 	snop  }
0x32: {  	[tilespmem:s22], [sflag:$0x1] =	stream.indirect.gather [hbm4b:s4+s20], $0x80, s20, s20, $0xb8;
	[tilespmem:$0x1C400] =	vst v63  }
0x33: {  	_ = 	snop  }
0x34: {  	[tilespmem:s24], [sflag:$0x2] =	stream.indirect.gather [hbm4b:s4+s20], $0x80, s23, s20, $0xb8;
	[tilespmem:$0x1C400] =	vst v63  }
0x35: {  	s1 =	rddreg [dreg:$0x5]  }
0x36: {  	[tilespmem:s25], [sflag:$0x2] =	stream.indirect.gather [hbm4b:s4+s20], $0x80, s1, s20, $0xb8;
	[tilespmem:$0x1C400] =	vst v63  }
0x37: {  	_ =	swait.ge [sflag:s26], $0x2000  }
0x38: {  	[sflag:s26] =	ssyncset.done $0x0  }
0x39: {  	[sflag:s26] =	ssyncadd.s32 $0xFFFFE000  }
0x3a: {  	_ =	swait.ge [sflag:s26], $0x2000  }
0x3b: {  	[sflag:s26] =	ssyncset.done $0x0  }
0x3c: {  	[sflag:s26] =	ssyncadd.s32 $0xFFFFE000  }
0x3d: {  	[spmem:s2] =	stream.indirect.scatter.add.f32 [tilespmem:s21], [sflag:$0x5], $0x80, s16, s23, $0xb8;
	[tilespmem:$0x1C400] =	vst v63  }
0x3e: {  	_ =	swait.ge [sflag:s15], $0x4000  }
0x3f: {  	[sflag:s15] =	ssyncset.done $0x0  }
0x40: {  	[sflag:s15] =	ssyncadd.s32 $0xFFFFC000  }
0x41: {  	_ =	swait.ge [sflag:s28], $0x2000  }
0x42: {  	[sflag:s28] =	ssyncset.done $0x0  }
0x43: {  	[sflag:s28] =	ssyncadd.s32 $0xFFFFE000  }
0x44: {  	_ =	swait.ge [sflag:s28], $0x2000  }
0x45: {  	[sflag:s28] =	ssyncset.done $0x0  }
0x46: {  	p0 =	sle.u32 s5, $0x2;
	s6 =	rddreg [dreg:$0x6];
	[sflag:s28] =	ssyncadd.s32 $0xFFFFE000  }
0x47: {  	[spmem:s2] =	stream.indirect.scatter.add.f32 [tilespmem:s24], [sflag:$0x5], $0x80, s6, s23, $0xb8;
	[tilespmem:$0x1C400] =	vst v63  }
0x48: {  	s0 =	sadd.s32 @!p0 $0x0, s8;
	_ =	swait.ge [sflag:s15], $0x4000  }
0x49: {  	s0 =	sadd.s32 @!p0 $0x40, s0;
	[sflag:s15] =	ssyncset.done $0x0  }
0x4a: {  	s1 =	sadd.s32 @!p0 $0x0, s9;
	s6 =	simm.s32 @!p0 $0x0;
	[sflag:s15] =	ssyncadd.s32 $0xFFFFC000  }
0x4b: {  	[tilespmem:s6], [sflag:$0x3] =	stream.linear.gather @!p0 [hbm4b:s0+s6], $0x100, $0x38;
	[tilespmem:$0x1C400] =	vst v63  }
0x4c: {  	s0 =	sadd.s32 @!p0 $0x40, s1;
	s1 =	simm.s32 @!p0 $0x200  }
0x4d: {  	[tilespmem:s1], [sflag:$0x3] =	stream.linear.gather @!p0 [hbm4b:s0+s6], $0x100, $0x38;
	[tilespmem:$0x1C400] =	vst v63  }
0x4e: {  	_ =	swait.ge [sflag:s29], $0x100  }
0x4f: {  	[sflag:s29] =	ssyncset.done $0x0  }
0x50: {  	[sflag:s29] =	ssyncadd.s32 $0xFFFFFF00  }
0x51: {  	_ =	swait.ge [sflag:s29], $0x100  }
0x52: {  	[sflag:s29] =	ssyncset.done $0x0  }
0x53: {  	[sflag:s29] =	ssyncadd.s32 $0xFFFFFF00  }
0x54: {  	[tilespmem:s21], [sflag:$0x1] =	stream.indirect.gather [hbm4b:s4+s20], $0x80, s17, s20, $0xb8;
	[tilespmem:$0x1C400] =	vst v63  }
0x55: {  	s14 =	smov.u32 s7;
	s7 =	rddreg [dreg:$0x7]  }
0x56: {  	[tilespmem:s22], [sflag:$0x1] =	stream.indirect.gather [hbm4b:s4+s20], $0x80, s7, s20, $0xb8;
	[tilespmem:$0x1C400] =	vst v63  }
0x57: {  	s10 =	rddreg [dreg:$0x8]  }
0x58: {  	[tilespmem:s24], [sflag:$0x2] =	stream.indirect.gather [hbm4b:s4+s20], $0x80, s10, s20, $0xb8;
	[tilespmem:$0x1C400] =	vst v63  }
0x59: {  	s11 =	rddreg [dreg:$0x9]  }
0x5a: {  	[tilespmem:s25], [sflag:$0x2] =	stream.indirect.gather [hbm4b:s4+s20], $0x80, s11, s20, $0xb8;
	[tilespmem:$0x1C400] =	vst v63  }
0x5b: {  	_ =	swait.ge [sflag:s26], $0x2000  }
0x5c: {  	[sflag:s26] =	ssyncset.done $0x0  }
0x5d: {  	[sflag:s26] =	ssyncadd.s32 $0xFFFFE000  }
0x5e: {  	_ =	swait.ge [sflag:s26], $0x2000  }
0x5f: {  	[sflag:s26] =	ssyncset.done $0x0  }
0x60: {  	[sflag:s26] =	ssyncadd.s32 $0xFFFFE000  }
0x61: {  	[spmem:s2] =	stream.indirect.scatter.add.f32 [tilespmem:s21], [sflag:$0x5], $0x80, s18, s23, $0xb8;
	[tilespmem:$0x1C400] =	vst v63  }
0x62: {  	_ =	swait.ge [sflag:s15], $0x4000  }
0x63: {  	[sflag:s15] =	ssyncset.done $0x0  }
0x64: {  	[sflag:s15] =	ssyncadd.s32 $0xFFFFC000  }
0x65: {  	_ =	swait.ge [sflag:s28], $0x2000  }
0x66: {  	[sflag:s28] =	ssyncset.done $0x0  }
0x67: {  	[sflag:s28] =	ssyncadd.s32 $0xFFFFE000  }
0x68: {  	_ =	swait.ge [sflag:s28], $0x2000  }
0x69: {  	[sflag:s28] =	ssyncset.done $0x0  }
0x6a: {  	s12 =	rddreg [dreg:$0xa];
	[sflag:s28] =	ssyncadd.s32 $0xFFFFE000  }
0x6b: {  	[spmem:s2] =	stream.indirect.scatter.add.f32 [tilespmem:s24], [sflag:$0x5], $0x80, s12, s23, $0xb8;
	[tilespmem:$0x1C400] =	vst v63  }
0x6c: {  	_ =	swait.ge [sflag:s15], $0x4000  }
0x6d: {  	s13 =	rddreg [dreg:$0x4]  }
0x6e: {  	p1 =	sne.s32 s13, $0x40  }
.Ltmp0:
0x6f: {  	_ = 	snop;
	(pc) =	sbr.rel @!p1 .LBB2_3-.Ltmp0, $4  }
0x70: {  	s31 =	simm.s32 $0x40;
	p0 =	sle.u32 s5, $0x3;
	s0 =	simm.s32 $0x4  }
0x71: {  	s6 =	simm.s32 @!p0 $0x0;
	s1 =	sadd.s32 @!p0 $0x0, s8;
	s10 =	simm.s32 @!p0 $0x100  }
0x72: {  	s12 =	sadd.s32 @!p0 $0x60, s1;
	s1 =	sadd.s32 @!p0 $0x0, s9;
	[sflag:s15] =	ssyncset.done $0x0  }
0x73: {  	s11 =	simm.s32 @!p0 $0x300;
	[sflag:s15] =	ssyncadd.s32 $0xFFFFC000;
	s13 =	sadd.s32 @!p0 $0x60, s1  }
.LBB2_2:
0x74: {  	[tilespmem:s10], [sflag:$0x4] =	stream.linear.gather @!p0 [hbm4b:s12+s6], $0x100, $0x38;
	[tilespmem:$0x1C400] =	vst v63  }
0x75: {  	_ = 	snop  }
0x76: {  	[tilespmem:s11], [sflag:$0x4] =	stream.linear.gather @!p0 [hbm4b:s13+s6], $0x100, $0x38;
	[tilespmem:$0x1C400] =	vst v63  }
0x77: {  	_ =	swait.ge [sflag:s19], $0x100  }
0x78: {  	[sflag:s19] =	ssyncset.done $0x0  }
0x79: {  	[sflag:s19] =	ssyncadd.s32 $0xFFFFFF00  }
0x7a: {  	_ =	swait.ge [sflag:s19], $0x100  }
0x7b: {  	[sflag:s19] =	ssyncset.done $0x0  }
0x7c: {  	[sflag:s19] =	ssyncadd.s32 $0xFFFFFF00  }
0x7d: {  	[tilespmem:s21], [sflag:$0x1] =	stream.indirect.gather [hbm4b:s4+s20], $0x80, s3, s20, $0xb8;
	[tilespmem:$0x1C400] =	vst v63  }
0x7e: {  	_ = 	snop  }
0x7f: {  	[tilespmem:s22], [sflag:$0x1] =	stream.indirect.gather [hbm4b:s4+s20], $0x80, s20, s20, $0xb8;
	[tilespmem:$0x1C400] =	vst v63  }
0x80: {  	_ = 	snop  }
0x81: {  	[tilespmem:s24], [sflag:$0x2] =	stream.indirect.gather [hbm4b:s4+s20], $0x80, s23, s20, $0xb8;
	[tilespmem:$0x1C400] =	vst v63  }
0x82: {  	s11 =	rddreg [dreg:$0x5]  }
0x83: {  	[tilespmem:s25], [sflag:$0x2] =	stream.indirect.gather [hbm4b:s4+s20], $0x80, s11, s20, $0xb8;
	[tilespmem:$0x1C400] =	vst v63  }
0x84: {  	_ =	swait.ge [sflag:s26], $0x2000  }
0x85: {  	[sflag:s26] =	ssyncset.done $0x0  }
0x86: {  	[sflag:s26] =	ssyncadd.s32 $0xFFFFE000  }
0x87: {  	_ =	swait.ge [sflag:s26], $0x2000  }
0x88: {  	[sflag:s26] =	ssyncset.done $0x0  }
0x89: {  	[sflag:s26] =	ssyncadd.s32 $0xFFFFE000  }
0x8a: {  	[spmem:s2] =	stream.indirect.scatter.add.f32 [tilespmem:s21], [sflag:$0x5], $0x80, s16, s23, $0xb8;
	[tilespmem:$0x1C400] =	vst v63  }
0x8b: {  	_ =	swait.ge [sflag:s15], $0x4000  }
0x8c: {  	[sflag:s15] =	ssyncset.done $0x0  }
0x8d: {  	[sflag:s15] =	ssyncadd.s32 $0xFFFFC000  }
0x8e: {  	_ =	swait.ge [sflag:s28], $0x2000  }
0x8f: {  	[sflag:s28] =	ssyncset.done $0x0  }
0x90: {  	[sflag:s28] =	ssyncadd.s32 $0xFFFFE000  }
0x91: {  	_ =	swait.ge [sflag:s28], $0x2000  }
0x92: {  	[sflag:s28] =	ssyncset.done $0x0  }
0x93: {  	s12 =	rddreg [dreg:$0x6];
	[sflag:s28] =	ssyncadd.s32 $0xFFFFE000  }
0x94: {  	[spmem:s2] =	stream.indirect.scatter.add.f32 [tilespmem:s24], [sflag:$0x5], $0x80, s12, s23, $0xb8;
	[tilespmem:$0x1C400] =	vst v63  }
0x95: {  	s1 =	smov.u32 s31;
	p0 =	sge.u32 s0, s5;
	_ =	swait.ge [sflag:s15], $0x4000  }
0x96: {  	s6 =	sadd.s32 @!p0 s1, s8;
	s10 =	sadd.s32 @!p0 s1, s9;
	[sflag:s15] =	ssyncset.done $0x0  }
0x97: {  	s6 =	sadd.s32 @!p0 $0x40, s6;
	s11 =	simm.s32 @!p0 $0x0;
	[sflag:s15] =	ssyncadd.s32 $0xFFFFC000  }
0x98: {  	[tilespmem:s11], [sflag:$0x3] =	stream.linear.gather @!p0 [hbm4b:s6+s11], $0x100, $0x38;
	[tilespmem:$0x1C400] =	vst v63  }
0x99: {  	s6 =	sadd.s32 @!p0 $0x40, s10;
	s10 =	simm.s32 @!p0 $0x200  }
0x9a: {  	[tilespmem:s10], [sflag:$0x3] =	stream.linear.gather @!p0 [hbm4b:s6+s11], $0x100, $0x38;
	[tilespmem:$0x1C400] =	vst v63  }
0x9b: {  	_ =	swait.ge [sflag:s29], $0x100  }
0x9c: {  	[sflag:s29] =	ssyncset.done $0x0  }
0x9d: {  	[sflag:s29] =	ssyncadd.s32 $0xFFFFFF00  }
0x9e: {  	_ =	swait.ge [sflag:s29], $0x100  }
0x9f: {  	[sflag:s29] =	ssyncset.done $0x0  }
0xa0: {  	[sflag:s29] =	ssyncadd.s32 $0xFFFFFF00  }
0xa1: {  	[tilespmem:s21], [sflag:$0x1] =	stream.indirect.gather [hbm4b:s4+s20], $0x80, s17, s20, $0xb8;
	[tilespmem:$0x1C400] =	vst v63  }
0xa2: {  	s13 =	rddreg [dreg:$0x7]  }
0xa3: {  	[tilespmem:s22], [sflag:$0x1] =	stream.indirect.gather [hbm4b:s4+s20], $0x80, s13, s20, $0xb8;
	[tilespmem:$0x1C400] =	vst v63  }
0xa4: {  	s7 =	rddreg [dreg:$0x8]  }
0xa5: {  	[tilespmem:s24], [sflag:$0x2] =	stream.indirect.gather [hbm4b:s4+s20], $0x80, s7, s20, $0xb8;
	[tilespmem:$0x1C400] =	vst v63  }
0xa6: {  	s11 =	rddreg [dreg:$0x9]  }
0xa7: {  	[tilespmem:s25], [sflag:$0x2] =	stream.indirect.gather [hbm4b:s4+s20], $0x80, s11, s20, $0xb8;
	[tilespmem:$0x1C400] =	vst v63  }
0xa8: {  	_ =	swait.ge [sflag:s26], $0x2000  }
0xa9: {  	[sflag:s26] =	ssyncset.done $0x0  }
0xaa: {  	[sflag:s26] =	ssyncadd.s32 $0xFFFFE000  }
0xab: {  	_ =	swait.ge [sflag:s26], $0x2000  }
0xac: {  	[sflag:s26] =	ssyncset.done $0x0  }
0xad: {  	[sflag:s26] =	ssyncadd.s32 $0xFFFFE000  }
0xae: {  	[spmem:s2] =	stream.indirect.scatter.add.f32 [tilespmem:s21], [sflag:$0x5], $0x80, s18, s23, $0xb8;
	[tilespmem:$0x1C400] =	vst v63  }
0xaf: {  	_ =	swait.ge [sflag:s15], $0x4000  }
0xb0: {  	[sflag:s15] =	ssyncset.done $0x0  }
0xb1: {  	[sflag:s15] =	ssyncadd.s32 $0xFFFFC000  }
0xb2: {  	_ =	swait.ge [sflag:s28], $0x2000  }
0xb3: {  	[sflag:s28] =	ssyncset.done $0x0  }
0xb4: {  	[sflag:s28] =	ssyncadd.s32 $0xFFFFE000  }
0xb5: {  	_ =	swait.ge [sflag:s28], $0x2000  }
0xb6: {  	[sflag:s28] =	ssyncset.done $0x0  }
0xb7: {  	s12 =	rddreg [dreg:$0xa];
	[sflag:s28] =	ssyncadd.s32 $0xFFFFE000  }
0xb8: {  	[spmem:s2] =	stream.indirect.scatter.add.f32 [tilespmem:s24], [sflag:$0x5], $0x80, s12, s23, $0xb8;
	[tilespmem:$0x1C400] =	vst v63  }
0xb9: {  	_ =	swait.ge [sflag:s15], $0x4000  }
0xba: {  	s31 =	sadd.s32 $0x40, s31;
	s7 =	rddreg [dreg:$0x4]  }
0xbb: {  	p1 =	sne.s32 s7, s31  }
.Ltmp1:
0xbc: {  	s13 =	sadd.s32 $0x1, s0;
	(pc) =	sbr.rel @p1 .LBB2_2-.Ltmp1, $4  }
0xbd: {  	s0 =	sadd.s32 $0x2, s0;
	p0 =	sge.u32 s13, s5  }
0xbe: {  	s6 =	simm.s32 @!p0 $0x0;
	s11 =	sadd.s32 @!p0 s1, s8;
	s1 =	sadd.s32 @!p0 s1, s9  }
0xbf: {  	s10 =	simm.s32 @!p0 $0x100;
	s13 =	sadd.s32 @!p0 $0x60, s1;
	[sflag:s15] =	ssyncset.done $0x0  }
0xc0: {  	s12 =	sadd.s32 @!p0 $0x60, s11;
	s11 =	simm.s32 @!p0 $0x300;
	[sflag:s15] =	ssyncadd.s32 $0xFFFFC000  }
.LBB2_3:
0xc1: {  	[tilespmem:s10], [sflag:$0x4] =	stream.linear.gather @!p0 [hbm4b:s12+s6], $0x100, $0x38;
	[tilespmem:$0x1C400] =	vst v63  }
0xc2: {  	_ = 	snop  }
0xc3: {  	[tilespmem:s11], [sflag:$0x4] =	stream.linear.gather @!p0 [hbm4b:s13+s6], $0x100, $0x38;
	[tilespmem:$0x1C400] =	vst v63  }
0xc4: {  	[bflag:$0x0] =	sbarrier.arrive $0xFFFF  }
0xc5: {  	s0 =	rddreg [dreg:$0xe]  }
0xc6: {  	s1 =	rddreg [dreg:$0x10]  }
0xc7: {  	[hbm:s0], [sflag:s14] =	dma.local [spmem:s1], $0x2800  }
0xc8: {  	_ =	swait.ge [sflag:s15], $0x2800  }
0xc9: {  	s30 =	sadd.s32 $0x1, s30;
	s31 =	rddreg [dreg:$0xf]  }
0xca: {  	p0 =	sne.s32 s30, s31  }
.Ltmp2:
0xcb: {  	_ = 	snop;
	(pc) =	sbr.rel @p0 .LBB2_1-.Ltmp2, $3  }
0xcc: {  	_ =	sdelay $0x1  }
0xcd: {  	[sflag:s15] =	ssyncset.done $0x0  }
0xce: {  	s7 =	smov.u32 s14;
	[sflag:s15] =	ssyncadd.s32 $0xFFFFD800  }
0xcf: {  	_ =	sfence.sel $0x180000  }
0xd0: {  	[bflag:$0x0] =	sbarrier.arrive $0xFFFF  }
0xd1: {  	_ =	strace $0x9000004A  }
0xd2: {  	s0 =	stileid.u32;
	[bflag:$0x2] =	sbarrier.arrive $0xFFFF  }
0xd3: {  	p0 =	sne.s32 s0, $0x0;
	s0 =	rddreg [dreg:$0x3]  }
0xd4: {  	s0 =	sadd.s32 @!p0 $0x100000, s0  }
0xd5: {  	[sflag:s0] =	ssyncadd.tile.s32 @!p0 $0x1;
	_ =	shalt  }
.Lfunc_end2:
_tile_overlayer_lowered:
.L_overlay_start_2:
0xd6: {  	(tag) =	ssettag $0x2  }
0xd7: {  	s0 =	rddreg [dreg:$0x0];
	s2 =	stileid.u32  }
0xd8: {  	s1 =	rddreg [dreg:$0x1];
	p0 =	sne.s32 s2, $0x0  }
0xd9: {  	s3 =	rddreg [dreg:$0x2];
	[bflag:$0x3] =	sbarrier.arrive $0xFFFF;
	s2 =	simm.s32 @!p0 $0x1C05  }
0xda: {  	[timem:s3], [sflag:s2] =	dma.local @!p0 [hbm:s0], s1  }
0xdb: {  	s0 =	simm.s32 @!p0 $0x5  }
0xdc: {  	_ =	swait.ge @!p0 [sflag:s0], s1  }
0xdd: {  	s1 =	ssub.s32 @!p0 $0x0, s1;
	[sflag:s0] =	ssyncset.done @!p0 $0x0  }
0xde: {  	[sflag:s0] =	ssyncadd.s32 @!p0 s1  }
0xdf: {  	[bflag:$0x3] =	sbarrier.arrive $0xFFFF  }
0xe0: {  	_ =	shalt  }

// kernel: kernel.14.cloned.1.call-start
scs
__scs_entry_jumppad:
0x0: {  	(pc) =	sbr.rel $0x88, $3  }
0x1: {  	(tag) =	ssettag $0x0;
	lr =	simm.s32 $0x1  }
0x2: {  	[smem:$0x3F9B] =	sst lr;
	_ =	strace $0xD0000000  }
0x3: {  	_ = 	snop  }
0x4: {  	_ = 	snop  }
0x5: {  	_ = 	snop  }
0x6: {  	_ = 	snop  }
0x7: {  	_ = 	snop  }
__scs_overlays_trampoline_lowered:
0x8: {  	[smem:$0x3FAA] =	sst s0  }
0x9: {  	[smem:$0x3FAB] =	sst s1  }
0xa: {  	[smem:$0x3FAC] =	sst s2  }
0xb: {  	[smem:$0x3FAD] =	sst s3  }
0xc: {  	[smem:$0x3FAE] =	sst s4  }
0xd: {  	[smem:$0x3FAF] =	sst s5  }
0xe: {  	[smem:$0x3FB0] =	sst s6  }
0xf: {  	[smem:$0x3FB1] =	sst s7  }
0x10: {  	[smem:$0x3FB2] =	sst s8  }
0x11: {  	[smem:$0x3FB3] =	sst s9;
	s0 =	simm.s32 @!p0 $0x0  }
0x12: {  	s1 =	sld [smem:$0x3F99];
	s0 =	simm.s32 @p0 $0x1  }
0x13: {  	[smem:$0x3FB4] =	sst s0;
	s0 =	simm.s32 @!p1 $0x0  }
0x14: {  	s2 =	sld [smem:$0x3F98];
	s0 =	simm.s32 @p1 $0x1  }
0x15: {  	[smem:$0x3FB5] =	sst s0;
	s0 =	simm.s32 @!p2 $0x0  }
0x16: {  	s3 =	sld [smem:$0x3FDB];
	s0 =	simm.s32 @p2 $0x1  }
0x17: {  	s4 =	simm.s32 $0x1BF5;
	[smem:$0x3FB7] =	sst s0  }
0x18: {  	s0 =	sld [smem:$0x3F9A];
	_ =	swait.ge [sflag:s4], $0x0  }
0x19: {  	s7 =	sld [smem:$0x3F9B]  }
0x1a: {  	s8 =	sadd.s32 $0xFFFFE003, lr  }
0x1b: {  	s9 =	sadd.s32 $0xFFFFFEF7, lr;
	s5 =	simm.s32 $0xFFFFFFFF;
	p2 =	slt.u32 s8, $0xFFFFF086  }
0x1c: {  	p1 =	slt.u32 s9, $0xF7A;
	s5 =	simm.s32 @!p2 $0x0  }
0x1d: {  	s5 =	simm.s32 @p1 $0x1;
	p0 =	seq.s32 s7, s2  }
0x1e: {  	s7 =	smul.u32 @!p0 $0xF7A, s2;
	p2 =	seq.s32 @!p0 s5, $0x0  }
0x1f: {  	s9 =	smul.u32 $0xF7A, s1;
	s8 =	simm.s32 @!p0 $0x1BF5;
	p2 =	por !p2, p0  }
0x20: {  	[sflag:s8] =	ssyncset.s32 @!p0 $0xFFFFF086;
	s6 =	sadd.s32 @!p0 s3, s7;
	s7 =	simm.s32 @!p0 $0x108  }
0x21: {  	s3 =	sadd.s32 s3, s9;
	s6 =	sadd.s32 @!p0 $0x88, s6;
	s7 =	simm.s32 @p2 $0x1082  }
0x22: {  	[simem:s7], [sflag:s8] =	dma.local @!p0 [hbm:s6], $0xF7A  }
0x23: {  	s9 =	sor.u32 $0xD0000000, s2;
	s6 =	simm.s32 $0x108;
	_ =	swait.ge @!p0 [sflag:s8], $0x0  }
0x24: {  	s3 =	sadd.s32 $0x88, s3;
	s6 =	simm.s32 @!p1 $0x1082;
	[sflag:s4] =	ssyncset.s32 $0xFFFFF086  }
0x25: {  	[simem:s6], [sflag:s4] =	dma.local [hbm:s3], $0xF7A  }
0x26: {  	[smem:$0x3F9B] =	sst s1;
	(tag) =	ssettag s2;
	_ =	strace s9  }
0x27: {  	s1 =	sld [smem:$0x3FAB]  }
0x28: {  	s2 =	sld [smem:$0x3FAC]  }
0x29: {  	s4 =	sld [smem:$0x3FAE]  }
0x2a: {  	p0 =	seq.s32 s5, $0x0;
	s5 =	sld [smem:$0x3FAF]  }
0x2b: {  	s6 =	sld [smem:$0x3FB0]  }
0x2c: {  	s7 =	sld [smem:$0x3FB1]  }
0x2d: {  	s3 =	simm.s32 $0x108;
	s8 =	sld [smem:$0x3FB2]  }
0x2e: {  	s3 =	simm.s32 @!p0 $0x1082;
	s9 =	sld [smem:$0x3FB3]  }
0x2f: {  	lr =	sadd.s32 s0, s3;
	s0 =	sld [smem:$0x3FAA]  }
0x30: {  	s3 =	sld [smem:$0x3FAD]  }
0x31: {  	[smem:$0x3FB6] =	sst s10  }
0x32: {  	s10 =	sld [smem:$0x3FB4];
	_ =	sdelay $0x3  }
0x33: {  	p0 =	seq.s32 s10, $0x1;
	s10 =	sld [smem:$0x3FB6];
	_ =	sdelay $0x3  }
0x34: {  	[smem:$0x3FB6] =	sst s10  }
0x35: {  	s10 =	sld [smem:$0x3FB5];
	_ =	sdelay $0x3  }
0x36: {  	p1 =	seq.s32 s10, $0x1;
	s10 =	sld [smem:$0x3FB6];
	_ =	sdelay $0x3  }
0x37: {  	[smem:$0x3FB6] =	sst s10  }
0x38: {  	s10 =	sld [smem:$0x3FB7]  }
0x39: {  	_ = 	snop;
	(pc) =	sbr.ind lr, $3  }
0x3a: {  	_ = 	snop  }
0x3b: {  	_ = 	snop  }
0x3c: {  	p2 =	seq.s32 s10, $0x1;
	s10 =	sld [smem:$0x3FB6]  }
0x3d: {  	_ =	shalt  }
0x3e: {  	_ =	shalt  }
0x3f: {  	_ =	shalt  }
0x40: {  	_ =	shalt  }
0x41: {  	_ =	shalt  }
0x42: {  	_ =	shalt  }
0x43: {  	_ =	shalt  }
0x44: {  	_ =	shalt  }
0x45: {  	_ =	shalt  }
0x46: {  	_ =	shalt  }
0x47: {  	_ =	shalt  }
0x48: {  	_ =	shalt  }
0x49: {  	_ =	shalt  }
0x4a: {  	_ =	shalt  }
0x4b: {  	_ =	shalt  }
0x4c: {  	_ =	shalt  }
0x4d: {  	_ =	shalt  }
0x4e: {  	_ =	shalt  }
0x4f: {  	_ =	shalt  }
0x50: {  	_ =	shalt  }
0x51: {  	_ =	shalt  }
0x52: {  	_ =	shalt  }
0x53: {  	_ =	shalt  }
0x54: {  	_ =	shalt  }
0x55: {  	_ =	shalt  }
0x56: {  	_ =	shalt  }
0x57: {  	_ =	shalt  }
0x58: {  	_ =	shalt  }
0x59: {  	_ =	shalt  }
0x5a: {  	_ =	shalt  }
0x5b: {  	_ =	shalt  }
0x5c: {  	_ =	shalt  }
0x5d: {  	_ =	shalt  }
0x5e: {  	_ =	shalt  }
0x5f: {  	_ =	shalt  }
0x60: {  	_ =	shalt  }
0x61: {  	_ =	shalt  }
0x62: {  	_ =	shalt  }
0x63: {  	_ =	shalt  }
0x64: {  	_ =	shalt  }
0x65: {  	_ =	shalt  }
0x66: {  	_ =	shalt  }
0x67: {  	_ =	shalt  }
0x68: {  	_ =	shalt  }
0x69: {  	_ =	shalt  }
0x6a: {  	_ =	shalt  }
0x6b: {  	_ =	shalt  }
0x6c: {  	_ =	shalt  }
0x6d: {  	_ =	shalt  }
0x6e: {  	_ =	shalt  }
0x6f: {  	_ =	shalt  }
0x70: {  	_ =	shalt  }
0x71: {  	_ =	shalt  }
0x72: {  	_ =	shalt  }
0x73: {  	_ =	shalt  }
0x74: {  	_ =	shalt  }
0x75: {  	_ =	shalt  }
0x76: {  	_ =	shalt  }
0x77: {  	_ =	shalt  }
0x78: {  	_ =	shalt  }
0x79: {  	_ =	shalt  }
0x7a: {  	_ =	shalt  }
0x7b: {  	_ =	shalt  }
0x7c: {  	_ =	shalt  }
0x7d: {  	_ =	shalt  }
0x7e: {  	_ =	shalt  }
0x7f: {  	_ =	shalt  }
0x80: {  	_ =	shalt  }
0x81: {  	_ =	shalt  }
0x82: {  	_ =	shalt  }
0x83: {  	_ =	shalt  }
0x84: {  	_ =	shalt  }
0x85: {  	_ =	shalt  }
0x86: {  	_ =	shalt  }
0x87: {  	_ =	shalt  }
.Lfunc_end0:
.L_simem_size_0:
called_computation.2_lowered:
.L_overlay_start_0:
0x88: {  	s2 =	sld [smem:$0x3FD9]  }
0x89: {  	s3 =	sld [smem:$0x3FFE];
	_ =	sdelay $0x1  }
0x8a: {  	s1 =	srdreg.scid  }
0x8b: {  	s0 =	sand.u32 $0x1, s1  }
0x8c: {  	s17 =	sshll.u32 s0, $0xA;
	s2 =	sadd.s32 s3, s2  }
0x8d: {  	s2 =	sadd.s32 s2, s17  }
0x8e: {  	[smem:$0x3FC2] =	sst s2  }
0x8f: {  	_ = 	snop  }
0x90: {  	s2 =	sld [smem:$0x3FD0];
	(tm) =	ssettm $0x1  }
0x91: {  	s18 =	sld [smem:$0x3FFB];
	_ =	sdelay $0x3  }
0x92: {  	_ =	strace s18  }
0x93: {  	s3 =	sld [smem:$0x3FFC];
	_ =	sdelay $0x3  }
0x94: {  	_ =	strace s3  }
0x95: {  	s3 =	sld [smem:$0x3FFD];
	_ =	sdelay $0x3  }
0x96: {  	_ =	strace s3  }
0x97: {  	_ =	strace $0x8FFFFFFF  }
0x98: {  	s19 =	sld [smem:$0x3FDB];
	_ =	sdelay $0x1  }
0x99: {  	s4 =	simm.s32 $_scs_section_size  }
0x9a: {  	s5 =	simm.s32 $_size__tile_overlayer_lowered;
	s6 =	simm.s32 $_tile_overlayer_lowered  }
0x9b: {  	s22 =	simm.s32 $0x1BFF;
	s21 =	sshll.u32 s6, $0x1;
	s3 =	sadd.s32 s4, s19  }
0x9c: {  	s7 =	simm.s32 $0x0;
	s20 =	sshll.u32 s5, $0x1;
	s5 =	sadd.s32 s21, s3  }
0x9d: {  	[timem:s7], [sflag:s22] =	dma.local [hbm:s5], s20  }
0x9e: {  	_ =	swait.ge [sflag:s22], s20  }
0x9f: {  	s4 =	ssub.s32 $0x0, s20;
	[sflag:s22] =	ssyncset.done $0x0  }
0xa0: {  	[sflag:s22] =	ssyncadd.s32 s4;
	_ =	sdelay $0x1  }
0xa1: {  	s23 =	simm.s32 $0x1B8B  }
0xa2: {  	_ =	swait.ge [sflag:s23], $0x1  }
0xa3: {  	[sflag:s23] =	ssyncset.done $0x0  }
0xa4: {  	s25 =	simm.s32 $0x1B8E;
	s24 =	sld [smem:$0x3FFE];
	[sflag:s23] =	ssyncadd.s32 $0xFFFFFFFF  }
0xa5: {  	s26 =	simm.s32 $execute0_lowered;
	[smem:$0x3FD2] =	sst s25  }
0xa6: {  	s5 =	sshll.u32 s26, $0x1;
	_ =	strace $0x8000004C;
	[dreg:$0x1] =	wrdreg $0xFFFFFFFF  }
0xa7: {  	s28 =	simm.s32 $_size_execute0_lowered;
	s3 =	sadd.s32 s3, s5;
	[dreg:$0x0] =	wrdreg $0x0  }
0xa8: {  	s5 =	sshll.u32 s28, $0x1;
	[dreg:$0x2] =	wrdreg s3  }
0xa9: {  	[dreg:$0x3] =	wrdreg s5  }
0xaa: {  	[dreg:$0x4] =	wrdreg $0xC0  }
0xab: {  	_ =	task [dreg:s7], $0x5FFFF  }
0xac: {  	[dreg:$0x1] =	wrdreg $0xFFFFFFFF  }
0xad: {  	[dreg:$0x0] =	wrdreg $0x60  }
0xae: {  	[dreg:$0x2] =	wrdreg s24  }
0xaf: {  	[dreg:$0x3] =	wrdreg s2  }
0xb0: {  	[dreg:$0x4] =	wrdreg $0x84000  }
0xb1: {  	[dreg:$0x5] =	wrdreg $0x9  }
0xb2: {  	_ =	task.clear_ibuf [dreg:s7], $0x6FFFF;
	_ =	strace $0x9000004C  }
0xb3: {  	s29 =	simm.s32 $0x9;
	_ =	strace $0x8000004E  }
0xb4: {  	_ =	swait.ge [sflag:s29], $0x1  }
0xb5: {  	[sflag:s29] =	ssyncadd.s32 $0xFFFFFFFF  }
0xb6: {  	_ =	strace $0x9000004E  }
0xb7: {  	_ =	sfence  }
0xb8: {  	s30 =	sld [smem:$0x0];
	_ =	sdelay $0x2  }
0xb9: {  	s31 =	sshll.u32 s1, $0xD;
	s1 =	sshrl.u32 s1, $0x2  }
0xba: {  	s3 =	sand.u32 $0x4000, s31;
	s1 =	sadd.s32 s1, s30  }
0xbb: {  	s0 =	sor.u32 s3, s0;
	s1 =	sshll.u32 s1, $0x11  }
0xbc: {  	s0 =	sor.u32 s1, s0  }
0xbd: {  	s0 =	sadd.s32 $0x8F2B, s0  }
0xbe: {  	[sflag:s0] =	ssyncadd.remote.s32 $0x1  }
0xbf: {  	_ =	sfence.sel $0xFFFF  }
0xc0: {  	[dreg:$0x0] =	wrdreg $0xFFFFFFFF;
	(pc) =	sbr.abs _section_cstart, $3  }
0xc1: {  	[dreg:$0x1] =	wrdreg $0xFFFFFFFF  }
0xc2: {  	_ =	task.clear_ibuf [dreg:s7], $0x2FFFF;
	_ =	strace $0x9FFFFFFF  }
0xc3: {  	(tm) =	ssettm $0x7FFFFFFF  }
tec
execute0_lowered:
.L_overlay_start_1:
0x0: {  	(tag) =	ssettag $0x1  }
0x1: {  	s0 =	rddreg [dreg:$0x0]  }
0x2: {  	s1 =	rddreg [dreg:$0x1]  }
0x3: {  	s2 =	rddreg [dreg:$0x2]  }
0x4: {  	s13 =	stileid.u32;
	s4 =	srdreg.scid;
	s3 =	simm.s32 $0x0  }
0x5: {  	s22 =	simm.s32 $0xC0;
	s23 =	simm.s32 $0x280;
	s24 =	simm.s32 $0x140  }
0x6: {  	s25 =	simm.s32 $0x180;
	s26 =	simm.s32 $0x1C0;
	s28 =	simm.s32 $0x2  }
0x7: {  	s29 =	simm.s32 $0x4;
	s30 =	simm.s32 $0x0;
	s5 =	smul.u32 $0x14000, s13  }
0x8: {  	s6 =	sand.u32 $0x1, s4;
	[smem:$0x7FF] =	sst s3;
	s4 =	sadd.s32 $0x20400, s0  }
0x9: {  	s10 =	sadd.s32 $0x16400, s0;
	s9 =	smul.u32 $0x9C, s13;
	s15 =	sshll.u32 s13, $0x2  }
0xa: {  	s17 =	sshll.u32 s13, $0x6;
	_ =	strace $0x8000004D;
	[dreg:$0x5] =	wrdreg s22  }
0xb: {  	s7 =	smul.u32 $0x140000, s6;
	s12 =	ssub.s32 $0x2, s6;
	[dreg:$0x6] =	wrdreg s23  }
0xc: {  	p0 =	seq.s32 s6, $0x0;
	s6 =	sor.u32 $0x9C0, s15;
	[dreg:$0x7] =	wrdreg s24  }
0xd: {  	s15 =	simm.s32 $0x5;
	s22 =	simm.s32 $0x2400;
	[dreg:$0x8] =	wrdreg s25  }
0xe: {  	s23 =	simm.s32 $0x80;
	s24 =	simm.s32 $0x4400;
	[dreg:$0x9] =	wrdreg s26  }
0xf: {  	s25 =	simm.s32 $0x6400;
	s26 =	simm.s32 $0x1;
	s8 =	sshrl.u32 s5, $0x3  }
0x10: {  	s14 =	sshrl.u32 s12, $0x1;
	s6 =	smov.u32 @p0 s9;
	s5 =	sadd.s32 s5, s7  }
0x11: {  	s31 =	sadd.s32 s8, s0;
	s11 =	ssub.s32 s12, s14;
	s12 =	smul.u32 $0x50000, s13  }
0x12: {  	s6 =	sshll.u32 s6, $0x4;
	s5 =	sshrl.u32 s5, $0x3;
	s7 =	sadd.s32 $0x48400, s31  }
0x13: {  	s18 =	sor.u32 $0x20, s6;
	s8 =	sadd.s32 s10, s6;
	s9 =	sadd.s32 s1, s6  }
0x14: {  	s21 =	smax.u32 s11, $0x1;
	s31 =	simm.s32 $0x380;
	s0 =	sadd.s32 s5, s0  }
0x15: {  	s5 =	simm.s32 $0x4E;
	s16 =	sshrl.u32 s12, $0x2;
	[dreg:$0xb] =	wrdreg s7  }
0x16: {  	s7 =	sor.u32 $0x1C05, s17;
	s19 =	sadd.s32 s10, s18;
	[dreg:$0xf] =	wrdreg s21  }
0x17: {  	s1 =	sadd.s32 s1, s18;
	s17 =	simm.s32 $0x100;
	[dreg:$0xa] =	wrdreg s31  }
0x18: {  	s18 =	simm.s32 $0x300;
	s21 =	simm.s32 $0x400;
	[dreg:$0xc] =	wrdreg s19  }
0x19: {  	s5 =	simm.s32 @!p0 $0x2;
	[dreg:$0xd] =	wrdreg s1;
	s0 =	sadd.s32 $0x70400, s0  }
0x1a: {  	s12 =	sadd.s32 s16, s2;
	[dreg:$0xe] =	wrdreg s0;
	s20 =	sshll.u32 s5, $0x5  }
0x1b: {  	s16 =	simm.s32 $0x200;
	s1 =	sshrl.u32 s12, $0x3;
	[dreg:$0x4] =	wrdreg s20  }
0x1c: {  	s19 =	simm.s32 $0x3;
	s20 =	simm.s32 $0x40;
	[dreg:$0x10] =	wrdreg s1  }
.LBB2_1:
0x1d: {  	s0 =	rddreg [dreg:$0xb]  }
0x1e: {  	[spmem:s1], [sflag:s7] =	dma.local [hbm:s0], $0x2800  }
0x1f: {  	_ =	swait.ge [sflag:s15], $0x2800  }
0x20: {  	[sflag:s15] =	ssyncset.done $0x0  }
0x21: {  	[sflag:s15] =	ssyncadd.s32 $0xFFFFD800  }
0x22: {  	[tilespmem:s3], [sflag:$0x3] =	stream.linear.gather [hbm4b:s8+s3], $0x100, $0x38;
	[tilespmem:$0x1C400] =	vst v63  }
0x23: {  	_ = 	snop  }
0x24: {  	[tilespmem:s16], [sflag:$0x3] =	stream.linear.gather [hbm4b:s9+s3], $0x100, $0x38;
	[tilespmem:$0x1C400] =	vst v63  }
0x25: {  	s12 =	rddreg [dreg:$0xc]  }
0x26: {  	[tilespmem:s17], [sflag:$0x4] =	stream.linear.gather [hbm4b:s12+s3], $0x100, $0x38;
	[tilespmem:$0x1C400] =	vst v63  }
0x27: {  	s13 =	rddreg [dreg:$0xd]  }
0x28: {  	[tilespmem:s18], [sflag:$0x4] =	stream.linear.gather [hbm4b:s13+s3], $0x100, $0x38;
	[tilespmem:$0x1C400] =	vst v63  }
0x29: {  	[bflag:$0x0] =	sbarrier.arrive $0xFFFF  }
0x2a: {  	_ =	swait.ge [sflag:s19], $0x100  }
0x2b: {  	[sflag:s19] =	ssyncset.done $0x0  }
0x2c: {  	[sflag:s19] =	ssyncadd.s32 $0xFFFFFF00  }
0x2d: {  	_ =	swait.ge [sflag:s19], $0x100  }
0x2e: {  	[sflag:s19] =	ssyncset.done $0x0  }
0x2f: {  	[sflag:s19] =	ssyncadd.s32 $0xFFFFFF00  }
0x30: {  	[tilespmem:s21], [sflag:$0x1] =	stream.indirect.gather [hbm4b:s4+s20], $0x80, s3, s20, $0xb8;
	[tilespmem:$0x1C400] =	vst v63  }
0x31: {  	_ = 	snop  }
0x32: {  	[tilespmem:s22], [sflag:$0x1] =	stream.indirect.gather [hbm4b:s4+s20], $0x80, s20, s20, $0xb8;
	[tilespmem:$0x1C400] =	vst v63  }
0x33: {  	_ = 	snop  }
0x34: {  	[tilespmem:s24], [sflag:$0x2] =	stream.indirect.gather [hbm4b:s4+s20], $0x80, s23, s20, $0xb8;
	[tilespmem:$0x1C400] =	vst v63  }
0x35: {  	s1 =	rddreg [dreg:$0x5]  }
0x36: {  	[tilespmem:s25], [sflag:$0x2] =	stream.indirect.gather [hbm4b:s4+s20], $0x80, s1, s20, $0xb8;
	[tilespmem:$0x1C400] =	vst v63  }
0x37: {  	_ =	swait.ge [sflag:s26], $0x2000  }
0x38: {  	[sflag:s26] =	ssyncset.done $0x0  }
0x39: {  	[sflag:s26] =	ssyncadd.s32 $0xFFFFE000  }
0x3a: {  	_ =	swait.ge [sflag:s26], $0x2000  }
0x3b: {  	[sflag:s26] =	ssyncset.done $0x0  }
0x3c: {  	[sflag:s26] =	ssyncadd.s32 $0xFFFFE000  }
0x3d: {  	[spmem:s2] =	stream.indirect.scatter.add.f32 [tilespmem:s21], [sflag:$0x5], $0x80, s16, s23, $0xb8;
	[tilespmem:$0x1C400] =	vst v63  }
0x3e: {  	_ =	swait.ge [sflag:s15], $0x4000  }
0x3f: {  	[sflag:s15] =	ssyncset.done $0x0  }
0x40: {  	[sflag:s15] =	ssyncadd.s32 $0xFFFFC000  }
0x41: {  	_ =	swait.ge [sflag:s28], $0x2000  }
0x42: {  	[sflag:s28] =	ssyncset.done $0x0  }
0x43: {  	[sflag:s28] =	ssyncadd.s32 $0xFFFFE000  }
0x44: {  	_ =	swait.ge [sflag:s28], $0x2000  }
0x45: {  	[sflag:s28] =	ssyncset.done $0x0  }
0x46: {  	p0 =	sle.u32 s5, $0x2;
	s6 =	rddreg [dreg:$0x6];
	[sflag:s28] =	ssyncadd.s32 $0xFFFFE000  }
0x47: {  	[spmem:s2] =	stream.indirect.scatter.add.f32 [tilespmem:s24], [sflag:$0x5], $0x80, s6, s23, $0xb8;
	[tilespmem:$0x1C400] =	vst v63  }
0x48: {  	s0 =	sadd.s32 @!p0 $0x0, s8;
	_ =	swait.ge [sflag:s15], $0x4000  }
0x49: {  	s0 =	sadd.s32 @!p0 $0x40, s0;
	[sflag:s15] =	ssyncset.done $0x0  }
0x4a: {  	s1 =	sadd.s32 @!p0 $0x0, s9;
	s6 =	simm.s32 @!p0 $0x0;
	[sflag:s15] =	ssyncadd.s32 $0xFFFFC000  }
0x4b: {  	[tilespmem:s6], [sflag:$0x3] =	stream.linear.gather @!p0 [hbm4b:s0+s6], $0x100, $0x38;
	[tilespmem:$0x1C400] =	vst v63  }
0x4c: {  	s0 =	sadd.s32 @!p0 $0x40, s1;
	s1 =	simm.s32 @!p0 $0x200  }
0x4d: {  	[tilespmem:s1], [sflag:$0x3] =	stream.linear.gather @!p0 [hbm4b:s0+s6], $0x100, $0x38;
	[tilespmem:$0x1C400] =	vst v63  }
0x4e: {  	_ =	swait.ge [sflag:s29], $0x100  }
0x4f: {  	[sflag:s29] =	ssyncset.done $0x0  }
0x50: {  	[sflag:s29] =	ssyncadd.s32 $0xFFFFFF00  }
0x51: {  	_ =	swait.ge [sflag:s29], $0x100  }
0x52: {  	[sflag:s29] =	ssyncset.done $0x0  }
0x53: {  	[sflag:s29] =	ssyncadd.s32 $0xFFFFFF00  }
0x54: {  	[tilespmem:s21], [sflag:$0x1] =	stream.indirect.gather [hbm4b:s4+s20], $0x80, s17, s20, $0xb8;
	[tilespmem:$0x1C400] =	vst v63  }
0x55: {  	s14 =	smov.u32 s7;
	s7 =	rddreg [dreg:$0x7]  }
0x56: {  	[tilespmem:s22], [sflag:$0x1] =	stream.indirect.gather [hbm4b:s4+s20], $0x80, s7, s20, $0xb8;
	[tilespmem:$0x1C400] =	vst v63  }
0x57: {  	s10 =	rddreg [dreg:$0x8]  }
0x58: {  	[tilespmem:s24], [sflag:$0x2] =	stream.indirect.gather [hbm4b:s4+s20], $0x80, s10, s20, $0xb8;
	[tilespmem:$0x1C400] =	vst v63  }
0x59: {  	s11 =	rddreg [dreg:$0x9]  }
0x5a: {  	[tilespmem:s25], [sflag:$0x2] =	stream.indirect.gather [hbm4b:s4+s20], $0x80, s11, s20, $0xb8;
	[tilespmem:$0x1C400] =	vst v63  }
0x5b: {  	_ =	swait.ge [sflag:s26], $0x2000  }
0x5c: {  	[sflag:s26] =	ssyncset.done $0x0  }
0x5d: {  	[sflag:s26] =	ssyncadd.s32 $0xFFFFE000  }
0x5e: {  	_ =	swait.ge [sflag:s26], $0x2000  }
0x5f: {  	[sflag:s26] =	ssyncset.done $0x0  }
0x60: {  	[sflag:s26] =	ssyncadd.s32 $0xFFFFE000  }
0x61: {  	[spmem:s2] =	stream.indirect.scatter.add.f32 [tilespmem:s21], [sflag:$0x5], $0x80, s18, s23, $0xb8;
	[tilespmem:$0x1C400] =	vst v63  }
0x62: {  	_ =	swait.ge [sflag:s15], $0x4000  }
0x63: {  	[sflag:s15] =	ssyncset.done $0x0  }
0x64: {  	[sflag:s15] =	ssyncadd.s32 $0xFFFFC000  }
0x65: {  	_ =	swait.ge [sflag:s28], $0x2000  }
0x66: {  	[sflag:s28] =	ssyncset.done $0x0  }
0x67: {  	[sflag:s28] =	ssyncadd.s32 $0xFFFFE000  }
0x68: {  	_ =	swait.ge [sflag:s28], $0x2000  }
0x69: {  	[sflag:s28] =	ssyncset.done $0x0  }
0x6a: {  	s12 =	rddreg [dreg:$0xa];
	[sflag:s28] =	ssyncadd.s32 $0xFFFFE000  }
0x6b: {  	[spmem:s2] =	stream.indirect.scatter.add.f32 [tilespmem:s24], [sflag:$0x5], $0x80, s12, s23, $0xb8;
	[tilespmem:$0x1C400] =	vst v63  }
0x6c: {  	_ =	swait.ge [sflag:s15], $0x4000  }
0x6d: {  	s13 =	rddreg [dreg:$0x4]  }
0x6e: {  	p1 =	sne.s32 s13, $0x40  }
.Ltmp0:
0x6f: {  	_ = 	snop;
	(pc) =	sbr.rel @!p1 .LBB2_3-.Ltmp0, $4  }
0x70: {  	s31 =	simm.s32 $0x40;
	p0 =	sle.u32 s5, $0x3;
	s0 =	simm.s32 $0x4  }
0x71: {  	s6 =	simm.s32 @!p0 $0x0;
	s1 =	sadd.s32 @!p0 $0x0, s8;
	s10 =	simm.s32 @!p0 $0x100  }
0x72: {  	s12 =	sadd.s32 @!p0 $0x60, s1;
	s1 =	sadd.s32 @!p0 $0x0, s9;
	[sflag:s15] =	ssyncset.done $0x0  }
0x73: {  	s11 =	simm.s32 @!p0 $0x300;
	[sflag:s15] =	ssyncadd.s32 $0xFFFFC000;
	s13 =	sadd.s32 @!p0 $0x60, s1  }
.LBB2_2:
0x74: {  	[tilespmem:s10], [sflag:$0x4] =	stream.linear.gather @!p0 [hbm4b:s12+s6], $0x100, $0x38;
	[tilespmem:$0x1C400] =	vst v63  }
0x75: {  	_ = 	snop  }
0x76: {  	[tilespmem:s11], [sflag:$0x4] =	stream.linear.gather @!p0 [hbm4b:s13+s6], $0x100, $0x38;
	[tilespmem:$0x1C400] =	vst v63  }
0x77: {  	_ =	swait.ge [sflag:s19], $0x100  }
0x78: {  	[sflag:s19] =	ssyncset.done $0x0  }
0x79: {  	[sflag:s19] =	ssyncadd.s32 $0xFFFFFF00  }
0x7a: {  	_ =	swait.ge [sflag:s19], $0x100  }
0x7b: {  	[sflag:s19] =	ssyncset.done $0x0  }
0x7c: {  	[sflag:s19] =	ssyncadd.s32 $0xFFFFFF00  }
0x7d: {  	[tilespmem:s21], [sflag:$0x1] =	stream.indirect.gather [hbm4b:s4+s20], $0x80, s3, s20, $0xb8;
	[tilespmem:$0x1C400] =	vst v63  }
0x7e: {  	_ = 	snop  }
0x7f: {  	[tilespmem:s22], [sflag:$0x1] =	stream.indirect.gather [hbm4b:s4+s20], $0x80, s20, s20, $0xb8;
	[tilespmem:$0x1C400] =	vst v63  }
0x80: {  	_ = 	snop  }
0x81: {  	[tilespmem:s24], [sflag:$0x2] =	stream.indirect.gather [hbm4b:s4+s20], $0x80, s23, s20, $0xb8;
	[tilespmem:$0x1C400] =	vst v63  }
0x82: {  	s11 =	rddreg [dreg:$0x5]  }
0x83: {  	[tilespmem:s25], [sflag:$0x2] =	stream.indirect.gather [hbm4b:s4+s20], $0x80, s11, s20, $0xb8;
	[tilespmem:$0x1C400] =	vst v63  }
0x84: {  	_ =	swait.ge [sflag:s26], $0x2000  }
0x85: {  	[sflag:s26] =	ssyncset.done $0x0  }
0x86: {  	[sflag:s26] =	ssyncadd.s32 $0xFFFFE000  }
0x87: {  	_ =	swait.ge [sflag:s26], $0x2000  }
0x88: {  	[sflag:s26] =	ssyncset.done $0x0  }
0x89: {  	[sflag:s26] =	ssyncadd.s32 $0xFFFFE000  }
0x8a: {  	[spmem:s2] =	stream.indirect.scatter.add.f32 [tilespmem:s21], [sflag:$0x5], $0x80, s16, s23, $0xb8;
	[tilespmem:$0x1C400] =	vst v63  }
0x8b: {  	_ =	swait.ge [sflag:s15], $0x4000  }
0x8c: {  	[sflag:s15] =	ssyncset.done $0x0  }
0x8d: {  	[sflag:s15] =	ssyncadd.s32 $0xFFFFC000  }
0x8e: {  	_ =	swait.ge [sflag:s28], $0x2000  }
0x8f: {  	[sflag:s28] =	ssyncset.done $0x0  }
0x90: {  	[sflag:s28] =	ssyncadd.s32 $0xFFFFE000  }
0x91: {  	_ =	swait.ge [sflag:s28], $0x2000  }
0x92: {  	[sflag:s28] =	ssyncset.done $0x0  }
0x93: {  	s12 =	rddreg [dreg:$0x6];
	[sflag:s28] =	ssyncadd.s32 $0xFFFFE000  }
0x94: {  	[spmem:s2] =	stream.indirect.scatter.add.f32 [tilespmem:s24], [sflag:$0x5], $0x80, s12, s23, $0xb8;
	[tilespmem:$0x1C400] =	vst v63  }
0x95: {  	s1 =	smov.u32 s31;
	p0 =	sge.u32 s0, s5;
	_ =	swait.ge [sflag:s15], $0x4000  }
0x96: {  	s6 =	sadd.s32 @!p0 s1, s8;
	s10 =	sadd.s32 @!p0 s1, s9;
	[sflag:s15] =	ssyncset.done $0x0  }
0x97: {  	s6 =	sadd.s32 @!p0 $0x40, s6;
	s11 =	simm.s32 @!p0 $0x0;
	[sflag:s15] =	ssyncadd.s32 $0xFFFFC000  }
0x98: {  	[tilespmem:s11], [sflag:$0x3] =	stream.linear.gather @!p0 [hbm4b:s6+s11], $0x100, $0x38;
	[tilespmem:$0x1C400] =	vst v63  }
0x99: {  	s6 =	sadd.s32 @!p0 $0x40, s10;
	s10 =	simm.s32 @!p0 $0x200  }
0x9a: {  	[tilespmem:s10], [sflag:$0x3] =	stream.linear.gather @!p0 [hbm4b:s6+s11], $0x100, $0x38;
	[tilespmem:$0x1C400] =	vst v63  }
0x9b: {  	_ =	swait.ge [sflag:s29], $0x100  }
0x9c: {  	[sflag:s29] =	ssyncset.done $0x0  }
0x9d: {  	[sflag:s29] =	ssyncadd.s32 $0xFFFFFF00  }
0x9e: {  	_ =	swait.ge [sflag:s29], $0x100  }
0x9f: {  	[sflag:s29] =	ssyncset.done $0x0  }
0xa0: {  	[sflag:s29] =	ssyncadd.s32 $0xFFFFFF00  }
0xa1: {  	[tilespmem:s21], [sflag:$0x1] =	stream.indirect.gather [hbm4b:s4+s20], $0x80, s17, s20, $0xb8;
	[tilespmem:$0x1C400] =	vst v63  }
0xa2: {  	s13 =	rddreg [dreg:$0x7]  }
0xa3: {  	[tilespmem:s22], [sflag:$0x1] =	stream.indirect.gather [hbm4b:s4+s20], $0x80, s13, s20, $0xb8;
	[tilespmem:$0x1C400] =	vst v63  }
0xa4: {  	s7 =	rddreg [dreg:$0x8]  }
0xa5: {  	[tilespmem:s24], [sflag:$0x2] =	stream.indirect.gather [hbm4b:s4+s20], $0x80, s7, s20, $0xb8;
	[tilespmem:$0x1C400] =	vst v63  }
0xa6: {  	s11 =	rddreg [dreg:$0x9]  }
0xa7: {  	[tilespmem:s25], [sflag:$0x2] =	stream.indirect.gather [hbm4b:s4+s20], $0x80, s11, s20, $0xb8;
	[tilespmem:$0x1C400] =	vst v63  }
0xa8: {  	_ =	swait.ge [sflag:s26], $0x2000  }
0xa9: {  	[sflag:s26] =	ssyncset.done $0x0  }
0xaa: {  	[sflag:s26] =	ssyncadd.s32 $0xFFFFE000  }
0xab: {  	_ =	swait.ge [sflag:s26], $0x2000  }
0xac: {  	[sflag:s26] =	ssyncset.done $0x0  }
0xad: {  	[sflag:s26] =	ssyncadd.s32 $0xFFFFE000  }
0xae: {  	[spmem:s2] =	stream.indirect.scatter.add.f32 [tilespmem:s21], [sflag:$0x5], $0x80, s18, s23, $0xb8;
	[tilespmem:$0x1C400] =	vst v63  }
0xaf: {  	_ =	swait.ge [sflag:s15], $0x4000  }
0xb0: {  	[sflag:s15] =	ssyncset.done $0x0  }
0xb1: {  	[sflag:s15] =	ssyncadd.s32 $0xFFFFC000  }
0xb2: {  	_ =	swait.ge [sflag:s28], $0x2000  }
0xb3: {  	[sflag:s28] =	ssyncset.done $0x0  }
0xb4: {  	[sflag:s28] =	ssyncadd.s32 $0xFFFFE000  }
0xb5: {  	_ =	swait.ge [sflag:s28], $0x2000  }
0xb6: {  	[sflag:s28] =	ssyncset.done $0x0  }
0xb7: {  	s12 =	rddreg [dreg:$0xa];
	[sflag:s28] =	ssyncadd.s32 $0xFFFFE000  }
0xb8: {  	[spmem:s2] =	stream.indirect.scatter.add.f32 [tilespmem:s24], [sflag:$0x5], $0x80, s12, s23, $0xb8;
	[tilespmem:$0x1C400] =	vst v63  }
0xb9: {  	_ =	swait.ge [sflag:s15], $0x4000  }
0xba: {  	s31 =	sadd.s32 $0x40, s31;
	s7 =	rddreg [dreg:$0x4]  }
0xbb: {  	p1 =	sne.s32 s7, s31  }
.Ltmp1:
0xbc: {  	s13 =	sadd.s32 $0x1, s0;
	(pc) =	sbr.rel @p1 .LBB2_2-.Ltmp1, $4  }
0xbd: {  	s0 =	sadd.s32 $0x2, s0;
	p0 =	sge.u32 s13, s5  }
0xbe: {  	s6 =	simm.s32 @!p0 $0x0;
	s11 =	sadd.s32 @!p0 s1, s8;
	s1 =	sadd.s32 @!p0 s1, s9  }
0xbf: {  	s10 =	simm.s32 @!p0 $0x100;
	s13 =	sadd.s32 @!p0 $0x60, s1;
	[sflag:s15] =	ssyncset.done $0x0  }
0xc0: {  	s12 =	sadd.s32 @!p0 $0x60, s11;
	s11 =	simm.s32 @!p0 $0x300;
	[sflag:s15] =	ssyncadd.s32 $0xFFFFC000  }
.LBB2_3:
0xc1: {  	[tilespmem:s10], [sflag:$0x4] =	stream.linear.gather @!p0 [hbm4b:s12+s6], $0x100, $0x38;
	[tilespmem:$0x1C400] =	vst v63  }
0xc2: {  	_ = 	snop  }
0xc3: {  	[tilespmem:s11], [sflag:$0x4] =	stream.linear.gather @!p0 [hbm4b:s13+s6], $0x100, $0x38;
	[tilespmem:$0x1C400] =	vst v63  }
0xc4: {  	[bflag:$0x0] =	sbarrier.arrive $0xFFFF  }
0xc5: {  	s0 =	rddreg [dreg:$0xe]  }
0xc6: {  	s1 =	rddreg [dreg:$0x10]  }
0xc7: {  	[hbm:s0], [sflag:s14] =	dma.local [spmem:s1], $0x2800  }
0xc8: {  	_ =	swait.ge [sflag:s15], $0x2800  }
0xc9: {  	s30 =	sadd.s32 $0x1, s30;
	s31 =	rddreg [dreg:$0xf]  }
0xca: {  	p0 =	sne.s32 s30, s31  }
.Ltmp2:
0xcb: {  	_ = 	snop;
	(pc) =	sbr.rel @p0 .LBB2_1-.Ltmp2, $3  }
0xcc: {  	_ =	sdelay $0x1  }
0xcd: {  	[sflag:s15] =	ssyncset.done $0x0  }
0xce: {  	s7 =	smov.u32 s14;
	[sflag:s15] =	ssyncadd.s32 $0xFFFFD800  }
0xcf: {  	_ =	sfence.sel $0x180000  }
0xd0: {  	[bflag:$0x0] =	sbarrier.arrive $0xFFFF  }
0xd1: {  	_ =	strace $0x9000004D  }
0xd2: {  	s0 =	stileid.u32;
	[bflag:$0x2] =	sbarrier.arrive $0xFFFF  }
0xd3: {  	p0 =	sne.s32 s0, $0x0;
	s0 =	rddreg [dreg:$0x3]  }
0xd4: {  	s0 =	sadd.s32 @!p0 $0x100000, s0  }
0xd5: {  	[sflag:s0] =	ssyncadd.tile.s32 @!p0 $0x1;
	_ =	shalt  }
.Lfunc_end2:
_tile_overlayer_lowered:
.L_overlay_start_2:
0xd6: {  	(tag) =	ssettag $0x2  }
0xd7: {  	s0 =	rddreg [dreg:$0x0];
	s2 =	stileid.u32  }
0xd8: {  	s1 =	rddreg [dreg:$0x1];
	p0 =	sne.s32 s2, $0x0  }
0xd9: {  	s3 =	rddreg [dreg:$0x2];
	[bflag:$0x3] =	sbarrier.arrive $0xFFFF;
	s2 =	simm.s32 @!p0 $0x1C05  }
0xda: {  	[timem:s3], [sflag:s2] =	dma.local @!p0 [hbm:s0], s1  }
0xdb: {  	s0 =	simm.s32 @!p0 $0x5  }
0xdc: {  	_ =	swait.ge @!p0 [sflag:s0], s1  }
0xdd: {  	s1 =	ssub.s32 @!p0 $0x0, s1;
	[sflag:s0] =	ssyncset.done @!p0 $0x0  }
0xde: {  	[sflag:s0] =	ssyncadd.s32 @!p0 s1  }
0xdf: {  	[bflag:$0x3] =	sbarrier.arrive $0xFFFF  }
0xe0: {  	_ =	shalt  }

// kernel: kernel.8.cloned.1.call-start
scs
__scs_entry_jumppad:
0x0: {  	(pc) =	sbr.rel $0x88, $3  }
0x1: {  	(tag) =	ssettag $0x0;
	lr =	simm.s32 $0x1  }
0x2: {  	[smem:$0x3F9B] =	sst lr;
	_ =	strace $0xD0000000  }
0x3: {  	_ = 	snop  }
0x4: {  	_ = 	snop  }
0x5: {  	_ = 	snop  }
0x6: {  	_ = 	snop  }
0x7: {  	_ = 	snop  }
__scs_overlays_trampoline_lowered:
0x8: {  	[smem:$0x3FAA] =	sst s0  }
0x9: {  	[smem:$0x3FAB] =	sst s1  }
0xa: {  	[smem:$0x3FAC] =	sst s2  }
0xb: {  	[smem:$0x3FAD] =	sst s3  }
0xc: {  	[smem:$0x3FAE] =	sst s4  }
0xd: {  	[smem:$0x3FAF] =	sst s5  }
0xe: {  	[smem:$0x3FB0] =	sst s6  }
0xf: {  	[smem:$0x3FB1] =	sst s7  }
0x10: {  	[smem:$0x3FB2] =	sst s8  }
0x11: {  	[smem:$0x3FB3] =	sst s9;
	s0 =	simm.s32 @!p0 $0x0  }
0x12: {  	s1 =	sld [smem:$0x3F99];
	s0 =	simm.s32 @p0 $0x1  }
0x13: {  	[smem:$0x3FB4] =	sst s0;
	s0 =	simm.s32 @!p1 $0x0  }
0x14: {  	s2 =	sld [smem:$0x3F98];
	s0 =	simm.s32 @p1 $0x1  }
0x15: {  	[smem:$0x3FB5] =	sst s0;
	s0 =	simm.s32 @!p2 $0x0  }
0x16: {  	s3 =	sld [smem:$0x3FDB];
	s0 =	simm.s32 @p2 $0x1  }
0x17: {  	s4 =	simm.s32 $0x1BF5;
	[smem:$0x3FB7] =	sst s0  }
0x18: {  	s0 =	sld [smem:$0x3F9A];
	_ =	swait.ge [sflag:s4], $0x0  }
0x19: {  	s7 =	sld [smem:$0x3F9B]  }
0x1a: {  	s8 =	sadd.s32 $0xFFFFE003, lr  }
0x1b: {  	s9 =	sadd.s32 $0xFFFFFEF7, lr;
	s5 =	simm.s32 $0xFFFFFFFF;
	p2 =	slt.u32 s8, $0xFFFFF086  }
0x1c: {  	p1 =	slt.u32 s9, $0xF7A;
	s5 =	simm.s32 @!p2 $0x0  }
0x1d: {  	s5 =	simm.s32 @p1 $0x1;
	p0 =	seq.s32 s7, s2  }
0x1e: {  	s7 =	smul.u32 @!p0 $0xF7A, s2;
	p2 =	seq.s32 @!p0 s5, $0x0  }
0x1f: {  	s9 =	smul.u32 $0xF7A, s1;
	s8 =	simm.s32 @!p0 $0x1BF5;
	p2 =	por !p2, p0  }
0x20: {  	[sflag:s8] =	ssyncset.s32 @!p0 $0xFFFFF086;
	s6 =	sadd.s32 @!p0 s3, s7;
	s7 =	simm.s32 @!p0 $0x108  }
0x21: {  	s3 =	sadd.s32 s3, s9;
	s6 =	sadd.s32 @!p0 $0x88, s6;
	s7 =	simm.s32 @p2 $0x1082  }
0x22: {  	[simem:s7], [sflag:s8] =	dma.local @!p0 [hbm:s6], $0xF7A  }
0x23: {  	s9 =	sor.u32 $0xD0000000, s2;
	s6 =	simm.s32 $0x108;
	_ =	swait.ge @!p0 [sflag:s8], $0x0  }
0x24: {  	s3 =	sadd.s32 $0x88, s3;
	s6 =	simm.s32 @!p1 $0x1082;
	[sflag:s4] =	ssyncset.s32 $0xFFFFF086  }
0x25: {  	[simem:s6], [sflag:s4] =	dma.local [hbm:s3], $0xF7A  }
0x26: {  	[smem:$0x3F9B] =	sst s1;
	(tag) =	ssettag s2;
	_ =	strace s9  }
0x27: {  	s1 =	sld [smem:$0x3FAB]  }
0x28: {  	s2 =	sld [smem:$0x3FAC]  }
0x29: {  	s4 =	sld [smem:$0x3FAE]  }
0x2a: {  	p0 =	seq.s32 s5, $0x0;
	s5 =	sld [smem:$0x3FAF]  }
0x2b: {  	s6 =	sld [smem:$0x3FB0]  }
0x2c: {  	s7 =	sld [smem:$0x3FB1]  }
0x2d: {  	s3 =	simm.s32 $0x108;
	s8 =	sld [smem:$0x3FB2]  }
0x2e: {  	s3 =	simm.s32 @!p0 $0x1082;
	s9 =	sld [smem:$0x3FB3]  }
0x2f: {  	lr =	sadd.s32 s0, s3;
	s0 =	sld [smem:$0x3FAA]  }
0x30: {  	s3 =	sld [smem:$0x3FAD]  }
0x31: {  	[smem:$0x3FB6] =	sst s10  }
0x32: {  	s10 =	sld [smem:$0x3FB4];
	_ =	sdelay $0x3  }
0x33: {  	p0 =	seq.s32 s10, $0x1;
	s10 =	sld [smem:$0x3FB6];
	_ =	sdelay $0x3  }
0x34: {  	[smem:$0x3FB6] =	sst s10  }
0x35: {  	s10 =	sld [smem:$0x3FB5];
	_ =	sdelay $0x3  }
0x36: {  	p1 =	seq.s32 s10, $0x1;
	s10 =	sld [smem:$0x3FB6];
	_ =	sdelay $0x3  }
0x37: {  	[smem:$0x3FB6] =	sst s10  }
0x38: {  	s10 =	sld [smem:$0x3FB7]  }
0x39: {  	_ = 	snop;
	(pc) =	sbr.ind lr, $3  }
0x3a: {  	_ = 	snop  }
0x3b: {  	_ = 	snop  }
0x3c: {  	p2 =	seq.s32 s10, $0x1;
	s10 =	sld [smem:$0x3FB6]  }
0x3d: {  	_ =	shalt  }
0x3e: {  	_ =	shalt  }
0x3f: {  	_ =	shalt  }
0x40: {  	_ =	shalt  }
0x41: {  	_ =	shalt  }
0x42: {  	_ =	shalt  }
0x43: {  	_ =	shalt  }
0x44: {  	_ =	shalt  }
0x45: {  	_ =	shalt  }
0x46: {  	_ =	shalt  }
0x47: {  	_ =	shalt  }
0x48: {  	_ =	shalt  }
0x49: {  	_ =	shalt  }
0x4a: {  	_ =	shalt  }
0x4b: {  	_ =	shalt  }
0x4c: {  	_ =	shalt  }
0x4d: {  	_ =	shalt  }
0x4e: {  	_ =	shalt  }
0x4f: {  	_ =	shalt  }
0x50: {  	_ =	shalt  }
0x51: {  	_ =	shalt  }
0x52: {  	_ =	shalt  }
0x53: {  	_ =	shalt  }
0x54: {  	_ =	shalt  }
0x55: {  	_ =	shalt  }
0x56: {  	_ =	shalt  }
0x57: {  	_ =	shalt  }
0x58: {  	_ =	shalt  }
0x59: {  	_ =	shalt  }
0x5a: {  	_ =	shalt  }
0x5b: {  	_ =	shalt  }
0x5c: {  	_ =	shalt  }
0x5d: {  	_ =	shalt  }
0x5e: {  	_ =	shalt  }
0x5f: {  	_ =	shalt  }
0x60: {  	_ =	shalt  }
0x61: {  	_ =	shalt  }
0x62: {  	_ =	shalt  }
0x63: {  	_ =	shalt  }
0x64: {  	_ =	shalt  }
0x65: {  	_ =	shalt  }
0x66: {  	_ =	shalt  }
0x67: {  	_ =	shalt  }
0x68: {  	_ =	shalt  }
0x69: {  	_ =	shalt  }
0x6a: {  	_ =	shalt  }
0x6b: {  	_ =	shalt  }
0x6c: {  	_ =	shalt  }
0x6d: {  	_ =	shalt  }
0x6e: {  	_ =	shalt  }
0x6f: {  	_ =	shalt  }
0x70: {  	_ =	shalt  }
0x71: {  	_ =	shalt  }
0x72: {  	_ =	shalt  }
0x73: {  	_ =	shalt  }
0x74: {  	_ =	shalt  }
0x75: {  	_ =	shalt  }
0x76: {  	_ =	shalt  }
0x77: {  	_ =	shalt  }
0x78: {  	_ =	shalt  }
0x79: {  	_ =	shalt  }
0x7a: {  	_ =	shalt  }
0x7b: {  	_ =	shalt  }
0x7c: {  	_ =	shalt  }
0x7d: {  	_ =	shalt  }
0x7e: {  	_ =	shalt  }
0x7f: {  	_ =	shalt  }
0x80: {  	_ =	shalt  }
0x81: {  	_ =	shalt  }
0x82: {  	_ =	shalt  }
0x83: {  	_ =	shalt  }
0x84: {  	_ =	shalt  }
0x85: {  	_ =	shalt  }
0x86: {  	_ =	shalt  }
0x87: {  	_ =	shalt  }
.Lfunc_end0:
.L_simem_size_0:
called_computation_lowered:
.L_overlay_start_0:
0x88: {  	s2 =	sld [smem:$0x3FD9]  }
0x89: {  	s3 =	sld [smem:$0x3FFE];
	_ =	sdelay $0x1  }
0x8a: {  	s1 =	srdreg.scid  }
0x8b: {  	s0 =	sand.u32 $0x1, s1  }
0x8c: {  	s16 =	sshll.u32 s0, $0xA;
	s2 =	sadd.s32 s3, s2  }
0x8d: {  	s2 =	sadd.s32 s2, s16  }
0x8e: {  	[smem:$0x3FC2] =	sst s2  }
0x8f: {  	_ = 	snop  }
0x90: {  	(tm) =	ssettm $0x1  }
0x91: {  	s17 =	sld [smem:$0x3FFB];
	_ =	sdelay $0x3  }
0x92: {  	_ =	strace s17  }
0x93: {  	s2 =	sld [smem:$0x3FFC];
	_ =	sdelay $0x3  }
0x94: {  	_ =	strace s2  }
0x95: {  	s2 =	sld [smem:$0x3FFD];
	_ =	sdelay $0x3  }
0x96: {  	_ =	strace s2  }
0x97: {  	_ =	strace $0x8FFFFFFF  }
0x98: {  	s18 =	sld [smem:$0x3FDB];
	_ =	sdelay $0x1  }
0x99: {  	s19 =	simm.s32 $_scs_section_size  }
0x9a: {  	s4 =	simm.s32 $_size__tile_overlayer_lowered;
	s5 =	simm.s32 $_tile_overlayer_lowered  }
0x9b: {  	s22 =	simm.s32 $0x1BFF;
	s21 =	sshll.u32 s5, $0x1;
	s2 =	sadd.s32 s19, s18  }
0x9c: {  	s6 =	simm.s32 $0x0;
	s20 =	sshll.u32 s4, $0x1;
	s4 =	sadd.s32 s21, s2  }
0x9d: {  	[timem:s6], [sflag:s22] =	dma.local [hbm:s4], s20  }
0x9e: {  	_ =	swait.ge [sflag:s22], s20  }
0x9f: {  	s3 =	ssub.s32 $0x0, s20;
	[sflag:s22] =	ssyncset.done $0x0  }
0xa0: {  	[sflag:s22] =	ssyncadd.s32 s3;
	_ =	sdelay $0x1  }
0xa1: {  	s23 =	simm.s32 $0x1B8B  }
0xa2: {  	_ =	swait.ge [sflag:s23], $0x1  }
0xa3: {  	[sflag:s23] =	ssyncset.done $0x0  }
0xa4: {  	s25 =	simm.s32 $0x1B8E;
	s24 =	sld [smem:$0x3FFE];
	[sflag:s23] =	ssyncadd.s32 $0xFFFFFFFF  }
0xa5: {  	s26 =	simm.s32 $execute0_lowered;
	[smem:$0x3FD2] =	sst s25  }
0xa6: {  	s4 =	sshll.u32 s26, $0x1;
	_ =	strace $0x80000046;
	[dreg:$0x1] =	wrdreg $0xFFFFFFFF  }
0xa7: {  	s28 =	simm.s32 $_size_execute0_lowered;
	s2 =	sadd.s32 s2, s4;
	[dreg:$0x0] =	wrdreg $0x0  }
0xa8: {  	s4 =	sshll.u32 s28, $0x1;
	[dreg:$0x2] =	wrdreg s2  }
0xa9: {  	[dreg:$0x3] =	wrdreg s4  }
0xaa: {  	[dreg:$0x4] =	wrdreg $0xC0  }
0xab: {  	_ =	task [dreg:s6], $0x5FFFF  }
0xac: {  	[dreg:$0x1] =	wrdreg $0xFFFFFFFF  }
0xad: {  	[dreg:$0x0] =	wrdreg $0x60  }
0xae: {  	[dreg:$0x2] =	wrdreg s24  }
0xaf: {  	[dreg:$0x3] =	wrdreg $0x9  }
0xb0: {  	_ =	task.clear_ibuf [dreg:s6], $0x4FFFF;
	_ =	strace $0x90000046  }
0xb1: {  	s29 =	simm.s32 $0x9;
	_ =	strace $0x80000048  }
0xb2: {  	_ =	swait.ge [sflag:s29], $0x1  }
0xb3: {  	[sflag:s29] =	ssyncadd.s32 $0xFFFFFFFF  }
0xb4: {  	_ =	strace $0x90000048  }
0xb5: {  	_ =	sfence  }
0xb6: {  	s30 =	sld [smem:$0x0];
	_ =	sdelay $0x2  }
0xb7: {  	s31 =	sshll.u32 s1, $0xD;
	s1 =	sshrl.u32 s1, $0x2  }
0xb8: {  	s3 =	sand.u32 $0x4000, s31;
	s1 =	sadd.s32 s1, s30  }
0xb9: {  	s0 =	sor.u32 s3, s0;
	s1 =	sshll.u32 s1, $0x11  }
0xba: {  	s0 =	sor.u32 s1, s0  }
0xbb: {  	s0 =	sadd.s32 $0x8F2B, s0  }
0xbc: {  	[sflag:s0] =	ssyncadd.remote.s32 $0x1  }
0xbd: {  	_ =	sfence.sel $0xFFFF  }
0xbe: {  	[dreg:$0x0] =	wrdreg $0xFFFFFFFF;
	(pc) =	sbr.abs _section_cstart, $3  }
0xbf: {  	[dreg:$0x1] =	wrdreg $0xFFFFFFFF  }
0xc0: {  	_ =	task.clear_ibuf [dreg:s6], $0x2FFFF;
	_ =	strace $0x9FFFFFFF  }
0xc1: {  	(tm) =	ssettm $0x7FFFFFFF  }
tec
execute0_lowered:
.L_overlay_start_1:
0x0: {  	(tag) =	ssettag $0x1  }
0x1: {  	s1 =	srdreg.scid  }
0x2: {  	s0 =	stileid.u32;
	s3 =	rddreg [dreg:$0x0];
	s10 =	simm.s32 $0x1  }
0x3: {  	s11 =	simm.s32 $0x800;
	s12 =	simm.s32 $0x80;
	s13 =	simm.s32 $0x400  }
0x4: {  	s4 =	sand.u32 $0x1, s1;
	s2 =	sshll.u32 s0, $0x1;
	s1 =	rddreg [dreg:$0x1]  }
0x5: {  	s6 =	sshrl.u32 s0, $0x2;
	s5 =	sor.u32 s4, s2;
	s2 =	simm.s32 $0x0  }
0x6: {  	s6 =	smul.u32 $0x14000, s6;
	s4 =	ssub.s32 $0x2, s4;
	s7 =	sshll.u32 s5, $0x7  }
0x7: {  	[smem:$0x7FF] =	sst s2;
	s5 =	smul.u32 $0x2800, s5;
	s7 =	sand.u32 $0x380, s7  }
0x8: {  	s31 =	sshrl.u32 s4, $0x1;
	_ =	strace $0x80000047;
	s6 =	sor.u32 s6, s7  }
0x9: {  	s4 =	ssub.s32 s4, s31;
	s5 =	sshrl.u32 s5, $0x3;
	s6 =	sshrl.u32 s6, $0x3  }
0xa: {  	s4 =	smax.u32 s4, $0x1;
	s9 =	sadd.s32 s5, s3;
	s6 =	sadd.s32 s6, s3  }
0xb: {  	s5 =	sadd.s32 $0x2400, s9;
	s7 =	sadd.s32 $0x2600, s9;
	s8 =	sadd.s32 $0x2700, s9  }
0xc: {  	v0 =	vimm.f32 $0.0e+00;
	v1 =	vimm.f32 $1.000000000e+00;
	s3 =	sadd.s32 $0xC400, s6;
	s6 =	sadd.s32 $0x2500, s9;
	s9 =	sadd.s32 $0x2800, s9  }
.LBB2_1:
0xd: {  	s14 =	simm.s32 $0x40;
	s15 =	simm.s32 $0x0  }
.LBB2_2:
0xe: {  	p0 =	sne.s32 s14, $0x9FC0;
	[tilespmem:s15+$0x800] =	vst v0;
	s15 =	smov.u32 s14;
	s14 =	sadd.s32 $0x40, s14  }
.Ltmp0:
0xf: {  	(pc) =	sbr.rel @p0 .LBB2_2-.Ltmp0, $2  }
0x10: {  	_ =	sdelay $0x2  }
0x11: {  	s15 =	sshra.s32 s15, $0x2  }
0x12: {  	[tilespmem:s15+$0x800] =	vst v0;
	s14 =	simm.s32 $0x0  }
0x13: {  	[tilespmem:s14], [sflag:$0x1] =	stream.linear.gather [hbm4b:s5+s14], $0x800, $0x38;
	[tilespmem:$0x3000] =	vst v63  }
0x14: {  	_ =	swait.ge [sflag:s10], $0x800  }
0x15: {  	[sflag:s10] =	ssyncset.done $0x0  }
0x16: {  	s15 =	simm.s32 $0x0;
	s14 =	simm.s32 $0x40;
	[sflag:s10] =	ssyncadd.s32 $0xFFFFF800  }
.LBB2_4:
0x17: {  	p0 =	sne.s32 s14, $0x1FC0;
	v2 =	vld [tilespmem:s15+$0x0];
	_ =	sdelay $0x3  }
.Ltmp1:
0x18: {  	(pc) =	sbr.rel @p0 .LBB2_4-.Ltmp1, $2  }
0x19: {  	_ =	sdelay $0x2  }
0x1a: {  	s15 =	sshra.s32 s14, $0x2;
	s14 =	sadd.s32 $0x40, s14;
	[tilespmem:v2+s11+$0x0] =	vst.idx.add.f32.msk $0xffff, v1  }
0x1b: {  	v2 =	vld [tilespmem:s15+$0x0];
	_ =	sdelay $0x7  }
0x1c: {  	s14 =	simm.s32 $0x0;
	[tilespmem:v2+s11+$0x0] =	vst.idx.add.f32.msk $0xffff, v1  }
0x1d: {  	[tilespmem:s14], [sflag:$0x1] =	stream.linear.gather [hbm4b:s6+s14], $0x800, $0x38;
	[tilespmem:$0x3000] =	vst v63  }
0x1e: {  	_ =	swait.ge [sflag:s10], $0x800  }
0x1f: {  	[sflag:s10] =	ssyncset.done $0x0  }
0x20: {  	s15 =	simm.s32 $0x0;
	s14 =	simm.s32 $0x40;
	[sflag:s10] =	ssyncadd.s32 $0xFFFFF800  }
.LBB2_6:
0x21: {  	p0 =	sne.s32 s14, $0x1FC0;
	v2 =	vld [tilespmem:s15+$0x0];
	_ =	sdelay $0x3  }
.Ltmp2:
0x22: {  	(pc) =	sbr.rel @p0 .LBB2_6-.Ltmp2, $2  }
0x23: {  	_ =	sdelay $0x2  }
0x24: {  	s15 =	sshra.s32 s14, $0x2;
	s14 =	sadd.s32 $0x40, s14;
	[tilespmem:v2+s11+$0x0] =	vst.idx.add.f32.msk $0xffff, v1  }
0x25: {  	v2 =	vld [tilespmem:s15+$0x0];
	_ =	sdelay $0x7  }
0x26: {  	s14 =	simm.s32 $0x0;
	[tilespmem:v2+s11+$0x0] =	vst.idx.add.f32.msk $0xffff, v1  }
0x27: {  	[tilespmem:s14], [sflag:$0x1] =	stream.linear.gather [hbm4b:s7+s14], $0x800, $0x38;
	[tilespmem:$0x3000] =	vst v63  }
0x28: {  	_ =	swait.ge [sflag:s10], $0x800  }
0x29: {  	[sflag:s10] =	ssyncset.done $0x0  }
0x2a: {  	s15 =	simm.s32 $0x0;
	s14 =	simm.s32 $0x40;
	[sflag:s10] =	ssyncadd.s32 $0xFFFFF800  }
.LBB2_8:
0x2b: {  	p0 =	sne.s32 s14, $0x1FC0;
	v2 =	vld [tilespmem:s15+$0x0];
	_ =	sdelay $0x3  }
.Ltmp3:
0x2c: {  	(pc) =	sbr.rel @p0 .LBB2_8-.Ltmp3, $2  }
0x2d: {  	_ =	sdelay $0x2  }
0x2e: {  	s15 =	sshra.s32 s14, $0x2;
	s14 =	sadd.s32 $0x40, s14;
	[tilespmem:v2+s11+$0x0] =	vst.idx.add.f32.msk $0xffff, v1  }
0x2f: {  	v2 =	vld [tilespmem:s15+$0x0];
	_ =	sdelay $0x7  }
0x30: {  	s14 =	simm.s32 $0x0;
	[tilespmem:v2+s11+$0x0] =	vst.idx.add.f32.msk $0xffff, v1  }
0x31: {  	[tilespmem:s14], [sflag:$0x1] =	stream.linear.gather [hbm4b:s8+s14], $0x800, $0x38;
	[tilespmem:$0x3000] =	vst v63  }
0x32: {  	_ =	swait.ge [sflag:s10], $0x800  }
0x33: {  	[sflag:s10] =	ssyncset.done $0x0  }
0x34: {  	s15 =	simm.s32 $0x0;
	s14 =	simm.s32 $0x40;
	[sflag:s10] =	ssyncadd.s32 $0xFFFFF800  }
.LBB2_10:
0x35: {  	p0 =	sne.s32 s14, $0x1FC0;
	v2 =	vld [tilespmem:s15+$0x0];
	_ =	sdelay $0x3  }
.Ltmp4:
0x36: {  	(pc) =	sbr.rel @p0 .LBB2_10-.Ltmp4, $2  }
0x37: {  	_ =	sdelay $0x2  }
0x38: {  	s15 =	sshra.s32 s14, $0x2;
	s14 =	sadd.s32 $0x40, s14;
	[tilespmem:v2+s11+$0x0] =	vst.idx.add.f32.msk $0xffff, v1  }
0x39: {  	v2 =	vld [tilespmem:s15+$0x0];
	_ =	sdelay $0x7  }
0x3a: {  	s14 =	simm.s32 $0x0;
	[tilespmem:v2+s11+$0x0] =	vst.idx.add.f32.msk $0xffff, v1  }
0x3b: {  	[tilespmem:s14], [sflag:$0x1] =	stream.linear.gather [hbm4b:s9+s14], $0x800, $0x38;
	[tilespmem:$0x3000] =	vst v63  }
0x3c: {  	_ =	swait.ge [sflag:s10], $0x800  }
0x3d: {  	[sflag:s10] =	ssyncset.done $0x0  }
0x3e: {  	s15 =	simm.s32 $0x0;
	s14 =	simm.s32 $0x40;
	[sflag:s10] =	ssyncadd.s32 $0xFFFFF800  }
.LBB2_12:
0x3f: {  	p0 =	sne.s32 s14, $0x1FC0;
	v2 =	vld [tilespmem:s15+$0x0];
	_ =	sdelay $0x3  }
.Ltmp5:
0x40: {  	(pc) =	sbr.rel @p0 .LBB2_12-.Ltmp5, $2  }
0x41: {  	_ =	sdelay $0x2  }
0x42: {  	s15 =	sshra.s32 s14, $0x2;
	s14 =	sadd.s32 $0x40, s14;
	[tilespmem:v2+s11+$0x0] =	vst.idx.add.f32.msk $0xffff, v1  }
0x43: {  	v2 =	vld [tilespmem:s15+$0x0];
	_ =	sdelay $0x5  }
0x44: {  	s2 =	sadd.s32 $0x1, s2  }
0x45: {  	p0 =	sne.s32 s2, s4  }
.Ltmp6:
0x46: {  	[tilespmem:v2+s11+$0x0] =	vst.idx.add.f32.msk $0xffff, v1;
	(pc) =	sbr.rel @p0 .LBB2_1-.Ltmp6, $4  }
0x47: {  	[hbm4b:s3+s12] =	stream.strided.scatter [tilespmem:s11], [sflag:$0x1], $0x2800, s13, s12, $0x38;
	[tilespmem:$0x3000] =	vst v63  }
0x48: {  	_ =	swait.ge [sflag:s10], $0x2800  }
0x49: {  	[sflag:s10] =	ssyncset.done $0x0  }
0x4a: {  	[sflag:s10] =	ssyncadd.s32 $0xFFFFD800  }
0x4b: {  	_ =	sfence.sel $0x180000  }
0x4c: {  	[bflag:$0x0] =	sbarrier.arrive $0xFFFF  }
0x4d: {  	p0 =	sne.s32 s0, $0x0;
	_ =	strace $0x90000047  }
0x4e: {  	s0 =	sadd.s32 @!p0 $0x100000, s1;
	[bflag:$0x2] =	sbarrier.arrive $0xFFFF  }
0x4f: {  	[sflag:s0] =	ssyncadd.tile.s32 @!p0 $0x1;
	_ =	shalt  }
.Lfunc_end2:
_tile_overlayer_lowered:
.L_overlay_start_2:
0x50: {  	(tag) =	ssettag $0x2  }
0x51: {  	s0 =	rddreg [dreg:$0x0];
	s2 =	stileid.u32  }
0x52: {  	s1 =	rddreg [dreg:$0x1];
	p0 =	sne.s32 s2, $0x0  }
0x53: {  	s3 =	rddreg [dreg:$0x2];
	[bflag:$0x3] =	sbarrier.arrive $0xFFFF;
	s2 =	simm.s32 @!p0 $0x1C01  }
0x54: {  	[timem:s3], [sflag:s2] =	dma.local @!p0 [hbm:s0], s1  }
0x55: {  	s0 =	simm.s32 @!p0 $0x1  }
0x56: {  	_ =	swait.ge @!p0 [sflag:s0], s1  }
0x57: {  	s1 =	ssub.s32 @!p0 $0x0, s1;
	[sflag:s0] =	ssyncset.done @!p0 $0x0  }
0x58: {  	[sflag:s0] =	ssyncadd.s32 @!p0 s1  }
0x59: {  	[bflag:$0x3] =	sbarrier.arrive $0xFFFF  }
0x5a: {  	_ =	shalt  }

</sc_bundles>
